<compile_context>
chip_gen: v7x
topology: tpu7x:2x2x1
jax: 0.10.2.dev20260603
libtpu: 0.0.44.dev20260713+nightly
codegen_flags: <defaults>
</compile_context>

<pallas_src>
import functools

import jax
import jax.numpy as jnp
from jax import lax
from jax.experimental import pallas as pl
from jax.experimental.pallas import tpu as pltpu
from jax.experimental.pallas import tpu_sc as plsc

_N = 10000
_E = 320000
_D_IN = 128
_D_HID = 512
_D_OUT = 250
_D_OUT_PAD = 256

_NC = 2
_NS = 16
_CHUNK = 32
_IBLK = 40
_NBUF = 5
_EP = 327680
_NTRASH = 128
_NA = _N + _NTRASH

_DRAIN_TILES = 10
_DRAIN_ROWS = _N // _DRAIN_TILES

_MBLK = 1000

_mesh = plsc.VectorSubcoreMesh(core_axis_name="c", subcore_axis_name="s")


def _init_acc(zeros_hbm, acc, s):
    @pl.when(s < _DRAIN_TILES)
    def _():
        rbase = s * _DRAIN_ROWS
        pltpu.sync_copy(zeros_hbm.at[pl.ds(rbase, _DRAIN_ROWS)],
                        acc.at[pl.ds(rbase, _DRAIN_ROWS)])

    @pl.when(s == _DRAIN_TILES)
    def _():
        pltpu.sync_copy(zeros_hbm.at[pl.ds(_N, _NA - _N)],
                        acc.at[pl.ds(_N, _NA - _N)])


def _drain_acc(acc, out0, out1, c, s):
    @pl.when(jnp.logical_and(c == 0, s < _DRAIN_TILES))
    def _():
        rbase = s * _DRAIN_ROWS
        pltpu.sync_copy(acc.at[pl.ds(rbase, _DRAIN_ROWS)],
                        out0.at[pl.ds(rbase, _DRAIN_ROWS)])

    @pl.when(jnp.logical_and(c == 1, s < _DRAIN_TILES))
    def _():
        rbase = s * _DRAIN_ROWS
        pltpu.sync_copy(acc.at[pl.ds(rbase, _DRAIN_ROWS)],
                        out1.at[pl.ds(rbase, _DRAIN_ROWS)])


def _make_agg(data_rows, n_chunks, dst_split_cores):

    @functools.partial(
        pl.kernel,
        mesh=_mesh,
        out_type=(
            jax.ShapeDtypeStruct((_N, 128), jnp.float32),
            jax.ShapeDtypeStruct((_N, 128), jnp.float32),
        ),
        scratch_types=(
            [pltpu.VMEM((_IBLK, _CHUNK), jnp.int32),
             pltpu.VMEM((_IBLK, _CHUNK), jnp.int32)]
            + [pltpu.VMEM((_CHUNK, 128), jnp.float32)] * _NBUF
            + [pltpu.SemaphoreType.DMA] * (2 * _NBUF)
            + [pltpu.VMEM_SHARED((_NA, 128), jnp.float32)]
        ),
    )
    def agg(data_hbm, src_hbm, dst_hbm, zeros_hbm, out0, out1,
            sidx, didx, *rest):
        bufs = rest[:_NBUF]
        gsems = rest[_NBUF:2 * _NBUF]
        ssems = rest[2 * _NBUF:3 * _NBUF]
        acc = rest[3 * _NBUF]
        c = lax.axis_index("c")
        s = lax.axis_index("s")
        _init_acc(zeros_hbm, acc, s)
        sbase = (c * _NS + s) * n_chunks
        dbase = ((c * _NS * n_chunks) if dst_split_cores else 0) + s * n_chunks
        plsc.subcore_barrier()

        def start_g(j, i):
            pltpu.async_copy(data_hbm.at[sidx.at[j]], bufs[i], gsems[i])

        def wait_g(j, i):
            pltpu.make_async_copy(data_hbm.at[sidx.at[j]], bufs[i],
                                  gsems[i]).wait()

        def start_s(j, i):
            pltpu.async_copy(bufs[i], acc.at[didx.at[j]], ssems[i], add=True)

        def wait_s(j, i):
            pltpu.make_async_copy(bufs[i], acc.at[didx.at[j]],
                                  ssems[i]).wait()

        @pl.loop(0, n_chunks // _IBLK)
        def _(b):
            pltpu.sync_copy(src_hbm.at[pl.ds(sbase + b * _IBLK, _IBLK)], sidx)
            pltpu.sync_copy(dst_hbm.at[pl.ds(dbase + b * _IBLK, _IBLK)], didx)
            for i in range(_NBUF):
                start_g(i, i)

            @pl.loop(0, _IBLK // _NBUF - 1)
            def _(k):
                j = _NBUF * k
                for i in range(_NBUF):
                    wait_g(j + i, i)
                    start_s(j + i, i)
                for i in range(_NBUF):
                    wait_s(j + i, i)
                    start_g(j + _NBUF + i, i)

            jt = _IBLK - _NBUF
            for i in range(_NBUF):
                wait_g(jt + i, i)
                start_s(jt + i, i)
            for i in range(_NBUF):
                wait_s(jt + i, i)

        plsc.subcore_barrier()
        _drain_acc(acc, out0, out1, c, s)

    return agg


_agg1 = _make_agg(_N, (_EP // 2) // _NS // _CHUNK, True)
_agg2 = _make_agg(2 * _N, _EP // _NS // _CHUNK, False)

_DEG_CHUNKS = (_EP // 2) // _NS // _CHUNK


@functools.partial(
    pl.kernel,
    mesh=_mesh,
    out_type=(
        jax.ShapeDtypeStruct((_N, 128), jnp.float32),
        jax.ShapeDtypeStruct((_N, 128), jnp.float32),
    ),
    scratch_types=[
        pltpu.VMEM((_IBLK, _CHUNK), jnp.int32),
        pltpu.VMEM((_CHUNK, 128), jnp.float32),
        pltpu.SemaphoreType.DMA,
        pltpu.VMEM_SHARED((_NA, 128), jnp.float32),
    ],
)
def _deg(dst_hbm, zeros_hbm, ones_hbm, out0, out1, didx, ones_v, sem, acc):
    c = lax.axis_index("c")
    s = lax.axis_index("s")
    _init_acc(zeros_hbm, acc, s)
    pltpu.sync_copy(ones_hbm, ones_v)
    dbase = (c * _NS + s) * _DEG_CHUNKS
    plsc.subcore_barrier()

    @pl.loop(0, _DEG_CHUNKS // _IBLK)
    def _(b):
        pltpu.sync_copy(dst_hbm.at[pl.ds(dbase + b * _IBLK, _IBLK)], didx)

        @pl.loop(0, _IBLK)
        def _(j):
            pltpu.async_copy(ones_v, acc.at[didx.at[j]], sem, add=True)

        @pl.loop(0, _IBLK)
        def _(j):
            pltpu.make_async_copy(ones_v, acc.at[didx.at[j]], sem).wait()

    plsc.subcore_barrier()
    _drain_acc(acc, out0, out1, c, s)


def _scale_body(d0, d1, x, p):
    deg = d0[:, :1] + d1[:, :1] + 1.0
    p[...] = x[...] * lax.rsqrt(deg)


def _mid_body(a0, a1, p, d0, d1, w1, b1, w2, q):
    r = lax.rsqrt(d0[:, :1] + d1[:, :1] + 1.0)
    u = (a0[...] + a1[...] + p[...]) * r
    h = jnp.dot(u, w1[...], preferred_element_type=jnp.float32) + b1[...]
    h = jnp.maximum(h, 0.0)
    qv = jnp.dot(h, w2[...], preferred_element_type=jnp.float32) * r
    q[...] = qv.reshape(2 * _MBLK, 128)


def _final_body(a0, a1, q, d0, d1, b2, o):
    r = lax.rsqrt(d0[:, :1] + d1[:, :1] + 1.0)
    qv = q[...].reshape(_MBLK, _D_OUT_PAD)
    acc = jnp.concatenate([a0[...], a1[...]], axis=1) + qv
    full = jnp.maximum(acc * r + b2[...], 0.0)
    o[...] = full[:, :_D_OUT]


def _row_spec(w):
    return pl.BlockSpec((_MBLK, w), lambda i: (i, 0))


def _full_spec(h, w):
    return pl.BlockSpec((h, w), lambda i: (0, 0))


_GRID = (_N // _MBLK,)

_scale = pl.pallas_call(
    _scale_body,
    grid=_GRID,
    in_specs=[_row_spec(128), _row_spec(128), _row_spec(128)],
    out_specs=_row_spec(128),
    out_shape=jax.ShapeDtypeStruct((_N, 128), jnp.float32),
)

_mid = pl.pallas_call(
    _mid_body,
    grid=_GRID,
    in_specs=[
        _row_spec(128), _row_spec(128), _row_spec(128),
        _row_spec(128), _row_spec(128),
        _full_spec(_D_IN, _D_HID), _full_spec(1, _D_HID),
        _full_spec(_D_HID, _D_OUT_PAD),
    ],
    out_specs=pl.BlockSpec((2 * _MBLK, 128), lambda i: (i, 0)),
    out_shape=jax.ShapeDtypeStruct((2 * _N, 128), jnp.float32),
)

_final = pl.pallas_call(
    _final_body,
    grid=_GRID,
    in_specs=[
        _row_spec(128), _row_spec(128),
        pl.BlockSpec((2 * _MBLK, 128), lambda i: (i, 0)),
        _row_spec(128), _row_spec(128),
        _full_spec(1, _D_OUT_PAD),
    ],
    out_specs=_row_spec(_D_OUT),
    out_shape=jax.ShapeDtypeStruct((_N, _D_OUT), jnp.float32),
)


def kernel(x, edge_index, W1, b1, W2, b2):
    src = edge_index[0].astype(jnp.int32)
    dst = edge_index[1].astype(jnp.int32)
    pad = _EP - _E
    spread = jnp.arange(pad, dtype=jnp.int32)
    src_p = jnp.concatenate([src, spread % _N])
    dst_p = jnp.concatenate([dst, _N + spread % _NTRASH])
    src_r = src_p.reshape(_EP // _CHUNK, _CHUNK)
    dst_r = dst_p.reshape(_EP // _CHUNK, _CHUNK)
    src2_r = jnp.concatenate([2 * src_p, 2 * src_p + 1]).reshape(
        2 * _EP // _CHUNK, _CHUNK)
    zeros128 = jnp.zeros((_NA, 128), jnp.float32)
    ones128 = jnp.ones((_CHUNK, 128), jnp.float32)

    d0, d1 = _deg(dst_r, zeros128, ones128)
    p = _scale(d0, d1, x)
    a0, a1 = _agg1(p, src_r, dst_r, zeros128)
    q_all = _mid(a0, a1, p, d0, d1, W1, b1.reshape(1, _D_HID),
                 jnp.pad(W2, ((0, 0), (0, _D_OUT_PAD - _D_OUT))))
    c0, c1 = _agg2(q_all, src2_r, dst_r, zeros128)
    out = _final(c0, c1, q_all, d0, d1,
                 jnp.pad(b2, (0, _D_OUT_PAD - _D_OUT)).reshape(1, _D_OUT_PAD))
    return out

# --- scband reference (transcript-rebuilt; emitter-appended) ---
"""Pipeline reference for scband-simple-gcn-21225728377320 (READ-ONLY COPY).

The authoritative reference and input builder live on the scoring server;
editing this copy changes nothing except your own understanding.
"""

import jax, jax.numpy as jnp
import numpy as np

N = 10000
E = 320000
D_IN = 128
D_HID = 512
D_OUT = 250


def setup_inputs(seed: int = 0) -> dict:
    key = jax.random.key(seed)
    k1, k2, k3, k4 = jax.random.split(key, 4)
    x = jax.random.normal(k1, (N, D_IN), dtype=jnp.float32)
    edge_index = jax.random.randint(k2, (2, E), 0, N)
    W1 = jax.random.normal(k3, (D_IN, D_HID), dtype=jnp.float32) * (1.0 / np.sqrt(D_IN))
    b1 = jnp.zeros((D_HID,), dtype=jnp.float32)
    W2 = jax.random.normal(k4, (D_HID, D_OUT), dtype=jnp.float32) * (1.0 / np.sqrt(D_HID))
    b2 = jnp.zeros((D_OUT,), dtype=jnp.float32)
    return {"x": x, "edge_index": edge_index, "W1": W1, "b1": b1, "W2": W2, "b2": b2}


def gcn_conv(x, edge_index, W, b):
    # PyG GCNConv: add self-loops, symmetric normalization D^-1/2 (A+I) D^-1/2, linear, bias after aggregation
    n = x.shape[0]
    loop = jnp.arange(n, dtype=edge_index.dtype)
    src = jnp.concatenate([edge_index[0], loop])
    dst = jnp.concatenate([edge_index[1], loop])
    deg = jnp.zeros((n,), dtype=x.dtype).at[dst].add(1.0)
    deg_inv_sqrt = jnp.where(deg > 0, 1.0 / jnp.sqrt(deg), 0.0)
    norm = deg_inv_sqrt[src] * deg_inv_sqrt[dst]
    h = x @ W
    msg = h[src] * norm[:, None]
    out = jnp.zeros((n, W.shape[1]), dtype=x.dtype).at[dst].add(msg)
    return out + b


def reference(x, edge_index, W1, b1, W2, b2):
    h = gcn_conv(x, edge_index, W1, b1)
    h = jax.nn.relu(h)
    h = gcn_conv(h, edge_index, W2, b2)
    h = jax.nn.relu(h)
    return h

if __name__ == "__main__":
    import jax
    _d = setup_inputs()
    print(jax.jit(kernel)(*tuple(_d.values())))

</pallas_src>

<mosaic_0001>
#map = affine_map<(d0, d1) -> (0, 0)>
module attributes {stable_mosaic.version = 14 : i64} {
  func.func @agg(%arg0: i32, %arg1: i32, %arg2: memref<20000x128xf32, #tpu.memory_space<hbm>>, %arg3: memref<20480x32xi32, #tpu.memory_space<hbm>>, %arg4: memref<10240x32xi32, #tpu.memory_space<hbm>>, %arg5: memref<10128x128xf32, #tpu.memory_space<hbm>>, %arg6: memref<10000x128xf32, #tpu.memory_space<hbm>>, %arg7: memref<10000x128xf32, #tpu.memory_space<hbm>>, %arg8: memref<40x32xi32, #tpu.memory_space<vmem>>, %arg9: memref<40x32xi32, #tpu.memory_space<vmem>>, %arg10: memref<32x128xf32, #tpu.memory_space<vmem>>, %arg11: memref<32x128xf32, #tpu.memory_space<vmem>>, %arg12: memref<32x128xf32, #tpu.memory_space<vmem>>, %arg13: memref<32x128xf32, #tpu.memory_space<vmem>>, %arg14: memref<32x128xf32, #tpu.memory_space<vmem>>, %arg15: memref<!tpu.dma_semaphore, #tpu.memory_space<semaphore_mem>>, %arg16: memref<!tpu.dma_semaphore, #tpu.memory_space<semaphore_mem>>, %arg17: memref<!tpu.dma_semaphore, #tpu.memory_space<semaphore_mem>>, %arg18: memref<!tpu.dma_semaphore, #tpu.memory_space<semaphore_mem>>, %arg19: memref<!tpu.dma_semaphore, #tpu.memory_space<semaphore_mem>>, %arg20: memref<!tpu.dma_semaphore, #tpu.memory_space<semaphore_mem>>, %arg21: memref<!tpu.dma_semaphore, #tpu.memory_space<semaphore_mem>>, %arg22: memref<!tpu.dma_semaphore, #tpu.memory_space<semaphore_mem>>, %arg23: memref<!tpu.dma_semaphore, #tpu.memory_space<semaphore_mem>>, %arg24: memref<!tpu.dma_semaphore, #tpu.memory_space<semaphore_mem>>, %arg25: memref<10128x128xf32, #tpu.memory_space<vmem_shared>>) attributes {dimension_semantics = [#tpu.dimension_semantics<core_parallel>, #tpu.dimension_semantics<subcore_parallel>], iteration_bounds = array<i64: 2, 16>, scalar_prefetch = 0 : i64, scratch_operands = 18 : i64, tpu.core_type = #tpu.core_type<sc_vector_subcore>, window_params = [{transform_indices = #map}, {transform_indices = #map}, {transform_indices = #map}, {transform_indices = #map}, {transform_indices = #map}, {transform_indices = #map}]} {
    %lt3A = arith.constant 10 : i32
    %lt3A_0 = arith.cmpi slt, %arg1, %lt3A : i32
    %convert_element_type3A = arith.extui %lt3A_0 : i1 to i32
    %cond3A = arith.constant 0 : i32
    %cond3A_1 = arith.cmpi ne, %convert_element_type3A, %cond3A : i32
    scf.if %cond3A_1 {
      %mul3A_33 = arith.constant 1000 : i32
      %mul3A_34 = arith.muli %arg1, %mul3A_33 : i32
      "tpu.region"() ({
        %run_scoped3A = tpu.sem_alloc : memref<!tpu.dma_semaphore, #tpu.memory_space<semaphore_mem>>
        %dma_start3A = arith.constant 0 : i32
        %dma_start3A_35 = tpu.memref_slice %arg25[%mul3A_34, %dma_start3A] : memref<10128x128xf32, #tpu.memory_space<vmem_shared>> -> memref<1000x128xf32, #tpu.memory_space<vmem_shared>>
        %dma_start3A_36 = arith.constant 0 : i32
        %dma_start3A_37 = tpu.memref_slice %arg5[%mul3A_34, %dma_start3A_36] : memref<10128x128xf32, #tpu.memory_space<hbm>> -> memref<1000x128xf32, #tpu.memory_space<hbm>>
        tpu.enqueue_dma source(%dma_start3A_37 : memref<1000x128xf32, #tpu.memory_space<hbm>>) target(%dma_start3A_35 : memref<1000x128xf32, #tpu.memory_space<vmem_shared>>) target_semaphore(%run_scoped3A : memref<!tpu.dma_semaphore, #tpu.memory_space<semaphore_mem>>)
        %dma_wait3A = arith.constant 0 : i32
        %dma_wait3A_38 = tpu.memref_slice %arg25[%mul3A_34, %dma_wait3A] : memref<10128x128xf32, #tpu.memory_space<vmem_shared>> -> memref<1000x128xf32, #tpu.memory_space<vmem_shared>>
        %dma_wait3A_39 = arith.constant 0 : i32
        %dma_wait3A_40 = tpu.memref_slice %arg5[%mul3A_34, %dma_wait3A_39] : memref<10128x128xf32, #tpu.memory_space<hbm>> -> memref<1000x128xf32, #tpu.memory_space<hbm>>
        tpu.wait_dma2 semaphore(%run_scoped3A : memref<!tpu.dma_semaphore, #tpu.memory_space<semaphore_mem>>) src(%dma_wait3A_40 : memref<1000x128xf32, #tpu.memory_space<hbm>>) dst(%dma_wait3A_38 : memref<1000x128xf32, #tpu.memory_space<vmem_shared>>)
        tpu.yield
      }) : () -> ()
    } else {
    }
    %eq3A = arith.constant 10 : i32
    %eq3A_2 = arith.cmpi eq, %arg1, %eq3A : i32
    %convert_element_type3A_3 = arith.extui %eq3A_2 : i1 to i32
    %cond3A_4 = arith.constant 0 : i32
    %cond3A_5 = arith.cmpi ne, %convert_element_type3A_3, %cond3A_4 : i32
    scf.if %cond3A_5 {
      "tpu.region"() ({
        %run_scoped3A = tpu.sem_alloc : memref<!tpu.dma_semaphore, #tpu.memory_space<semaphore_mem>>
        %dma_start3A = arith.constant 10000 : i32
        %dma_start3A_33 = arith.constant 0 : i32
        %dma_start3A_34 = tpu.memref_slice %arg25[%dma_start3A, %dma_start3A_33] : memref<10128x128xf32, #tpu.memory_space<vmem_shared>> -> memref<128x128xf32, #tpu.memory_space<vmem_shared>>
        %dma_start3A_35 = arith.constant 10000 : i32
        %dma_start3A_36 = arith.constant 0 : i32
        %dma_start3A_37 = tpu.memref_slice %arg5[%dma_start3A_35, %dma_start3A_36] : memref<10128x128xf32, #tpu.memory_space<hbm>> -> memref<128x128xf32, #tpu.memory_space<hbm>>
        tpu.enqueue_dma source(%dma_start3A_37 : memref<128x128xf32, #tpu.memory_space<hbm>>) target(%dma_start3A_34 : memref<128x128xf32, #tpu.memory_space<vmem_shared>>) target_semaphore(%run_scoped3A : memref<!tpu.dma_semaphore, #tpu.memory_space<semaphore_mem>>)
        %dma_wait3A = arith.constant 10000 : i32
        %dma_wait3A_38 = arith.constant 0 : i32
        %dma_wait3A_39 = tpu.memref_slice %arg25[%dma_wait3A, %dma_wait3A_38] : memref<10128x128xf32, #tpu.memory_space<vmem_shared>> -> memref<128x128xf32, #tpu.memory_space<vmem_shared>>
        %dma_wait3A_40 = arith.constant 10000 : i32
        %dma_wait3A_41 = arith.constant 0 : i32
        %dma_wait3A_42 = tpu.memref_slice %arg5[%dma_wait3A_40, %dma_wait3A_41] : memref<10128x128xf32, #tpu.memory_space<hbm>> -> memref<128x128xf32, #tpu.memory_space<hbm>>
        tpu.wait_dma2 semaphore(%run_scoped3A : memref<!tpu.dma_semaphore, #tpu.memory_space<semaphore_mem>>) src(%dma_wait3A_42 : memref<128x128xf32, #tpu.memory_space<hbm>>) dst(%dma_wait3A_39 : memref<128x128xf32, #tpu.memory_space<vmem_shared>>)
        tpu.yield
      }) : () -> ()
    } else {
    }
    %mul3A = arith.constant 16 : i32
    %mul3A_6 = arith.muli %arg0, %mul3A : i32
    %add3A = arith.addi %mul3A_6, %arg1 : i32
    %mul3A_7 = arith.constant 640 : i32
    %mul3A_8 = arith.muli %add3A, %mul3A_7 : i32
    %mul3A_9 = arith.constant 640 : i32
    %mul3A_10 = arith.muli %arg1, %mul3A_9 : i32
    %add3A_11 = arith.constant 0 : i32
    %add3A_12 = arith.addi %add3A_11, %mul3A_10 : i32
    %barrier3A = arith.constant 0 : index
    tpu.barrier barrier_id(%barrier3A)
    %scan3A = arith.constant 0 : i32
    %scan3A_13 = arith.constant 16 : i32
    %scan3A_14 = arith.addi %scan3A, %scan3A_13 : i32
    %scan3A_15 = arith.constant 1 : i32
    scf.for %scan3A_33 = %scan3A to %scan3A_14 step %scan3A_15  : i32 {
      %mul3A_34 = arith.constant 1 : i32
      %mul3A_35 = arith.muli %scan3A_33, %mul3A_34 : i32
      %add3A_36 = arith.constant 0 : i32
      %add3A_37 = arith.addi %add3A_36, %mul3A_35 : i32
      %mul3A_38 = arith.constant 40 : i32
      %mul3A_39 = arith.muli %add3A_37, %mul3A_38 : i32
      %add3A_40 = arith.addi %mul3A_8, %mul3A_39 : i32
      "tpu.region"() ({
        %run_scoped3A = tpu.sem_alloc : memref<!tpu.dma_semaphore, #tpu.memory_space<semaphore_mem>>
        %dma_start3A_187 = arith.constant 0 : i32
        %dma_start3A_188 = tpu.memref_slice %arg3[%add3A_40, %dma_start3A_187] : memref<20480x32xi32, #tpu.memory_space<hbm>> -> memref<40x32xi32, #tpu.memory_space<hbm>>
        %dma_start3A_189 = arith.constant 0 : i32
        %dma_start3A_190 = tpu.memref_slice %arg3[%add3A_40, %dma_start3A_189] : memref<20480x32xi32, #tpu.memory_space<hbm>> -> memref<40x32xi32, #tpu.memory_space<hbm>>
        tpu.enqueue_dma source(%dma_start3A_190 : memref<40x32xi32, #tpu.memory_space<hbm>>) target(%arg8 : memref<40x32xi32, #tpu.memory_space<vmem>>) target_semaphore(%run_scoped3A : memref<!tpu.dma_semaphore, #tpu.memory_space<semaphore_mem>>)
        %dma_wait3A_191 = arith.constant 0 : i32
        %dma_wait3A_192 = tpu.memref_slice %arg3[%add3A_40, %dma_wait3A_191] : memref<20480x32xi32, #tpu.memory_space<hbm>> -> memref<40x32xi32, #tpu.memory_space<hbm>>
        %dma_wait3A_193 = arith.constant 0 : i32
        %dma_wait3A_194 = tpu.memref_slice %arg3[%add3A_40, %dma_wait3A_193] : memref<20480x32xi32, #tpu.memory_space<hbm>> -> memref<40x32xi32, #tpu.memory_space<hbm>>
        tpu.wait_dma2 semaphore(%run_scoped3A : memref<!tpu.dma_semaphore, #tpu.memory_space<semaphore_mem>>) src(%dma_wait3A_194 : memref<40x32xi32, #tpu.memory_space<hbm>>) dst(%arg8 : memref<40x32xi32, #tpu.memory_space<vmem>>)
        tpu.yield
      }) : () -> ()
      %mul3A_41 = arith.constant 40 : i32
      %mul3A_42 = arith.muli %add3A_37, %mul3A_41 : i32
      %add3A_43 = arith.addi %add3A_12, %mul3A_42 : i32
      "tpu.region"() ({
        %run_scoped3A = tpu.sem_alloc : memref<!tpu.dma_semaphore, #tpu.memory_space<semaphore_mem>>
        %dma_start3A_187 = arith.constant 0 : i32
        %dma_start3A_188 = tpu.memref_slice %arg4[%add3A_43, %dma_start3A_187] : memref<10240x32xi32, #tpu.memory_space<hbm>> -> memref<40x32xi32, #tpu.memory_space<hbm>>
        %dma_start3A_189 = arith.constant 0 : i32
        %dma_start3A_190 = tpu.memref_slice %arg4[%add3A_43, %dma_start3A_189] : memref<10240x32xi32, #tpu.memory_space<hbm>> -> memref<40x32xi32, #tpu.memory_space<hbm>>
        tpu.enqueue_dma source(%dma_start3A_190 : memref<40x32xi32, #tpu.memory_space<hbm>>) target(%arg9 : memref<40x32xi32, #tpu.memory_space<vmem>>) target_semaphore(%run_scoped3A : memref<!tpu.dma_semaphore, #tpu.memory_space<semaphore_mem>>)
        %dma_wait3A_191 = arith.constant 0 : i32
        %dma_wait3A_192 = tpu.memref_slice %arg4[%add3A_43, %dma_wait3A_191] : memref<10240x32xi32, #tpu.memory_space<hbm>> -> memref<40x32xi32, #tpu.memory_space<hbm>>
        %dma_wait3A_193 = arith.constant 0 : i32
        %dma_wait3A_194 = tpu.memref_slice %arg4[%add3A_43, %dma_wait3A_193] : memref<10240x32xi32, #tpu.memory_space<hbm>> -> memref<40x32xi32, #tpu.memory_space<hbm>>
        tpu.wait_dma2 semaphore(%run_scoped3A : memref<!tpu.dma_semaphore, #tpu.memory_space<semaphore_mem>>) src(%dma_wait3A_194 : memref<40x32xi32, #tpu.memory_space<hbm>>) dst(%arg9 : memref<40x32xi32, #tpu.memory_space<vmem>>)
        tpu.yield
      }) : () -> ()
      %dma_start3A = arith.constant 0 : i32
      %dma_start3A_44 = arith.constant 0 : i32
      %dma_start3A_45 = tpu.memref_slice %arg8[%dma_start3A, %dma_start3A_44] : memref<40x32xi32, #tpu.memory_space<vmem>> -> memref<1x32xi32, #tpu.memory_space<vmem>>
      %dma_start3A_46 = tpu.memref_squeeze %dma_start3A_45 : memref<1x32xi32, #tpu.memory_space<vmem>> -> memref<32xi32, #tpu.memory_space<vmem>>
      %dma_start3A_47 = arith.constant 0 : i32
      %dma_start3A_48 = arith.constant 0 : i32
      %dma_start3A_49 = tpu.memref_slice %arg2[%dma_start3A_47, %dma_start3A_48] : memref<20000x128xf32, #tpu.memory_space<hbm>> -> memref<20000x128xf32, #tpu.memory_space<hbm>>
      tpu.enqueue_indirect_dma source(%dma_start3A_49 : memref<20000x128xf32, #tpu.memory_space<hbm>>) target(%arg10 : memref<32x128xf32, #tpu.memory_space<vmem>>) offsets(%dma_start3A_46 : memref<32xi32, #tpu.memory_space<vmem>>) semaphore(%arg15 : memref<!tpu.dma_semaphore, #tpu.memory_space<semaphore_mem>>)
      %dma_start3A_50 = arith.constant 1 : i32
      %dma_start3A_51 = arith.constant 0 : i32
      %dma_start3A_52 = tpu.memref_slice %arg8[%dma_start3A_50, %dma_start3A_51] : memref<40x32xi32, #tpu.memory_space<vmem>> -> memref<1x32xi32, #tpu.memory_space<vmem>>
      %dma_start3A_53 = tpu.memref_squeeze %dma_start3A_52 : memref<1x32xi32, #tpu.memory_space<vmem>> -> memref<32xi32, #tpu.memory_space<vmem>>
      %dma_start3A_54 = arith.constant 0 : i32
      %dma_start3A_55 = arith.constant 0 : i32
      %dma_start3A_56 = tpu.memref_slice %arg2[%dma_start3A_54, %dma_start3A_55] : memref<20000x128xf32, #tpu.memory_space<hbm>> -> memref<20000x128xf32, #tpu.memory_space<hbm>>
      tpu.enqueue_indirect_dma source(%dma_start3A_56 : memref<20000x128xf32, #tpu.memory_space<hbm>>) target(%arg11 : memref<32x128xf32, #tpu.memory_space<vmem>>) offsets(%dma_start3A_53 : memref<32xi32, #tpu.memory_space<vmem>>) semaphore(%arg16 : memref<!tpu.dma_semaphore, #tpu.memory_space<semaphore_mem>>)
      %dma_start3A_57 = arith.constant 2 : i32
      %dma_start3A_58 = arith.constant 0 : i32
      %dma_start3A_59 = tpu.memref_slice %arg8[%dma_start3A_57, %dma_start3A_58] : memref<40x32xi32, #tpu.memory_space<vmem>> -> memref<1x32xi32, #tpu.memory_space<vmem>>
      %dma_start3A_60 = tpu.memref_squeeze %dma_start3A_59 : memref<1x32xi32, #tpu.memory_space<vmem>> -> memref<32xi32, #tpu.memory_space<vmem>>
      %dma_start3A_61 = arith.constant 0 : i32
      %dma_start3A_62 = arith.constant 0 : i32
      %dma_start3A_63 = tpu.memref_slice %arg2[%dma_start3A_61, %dma_start3A_62] : memref<20000x128xf32, #tpu.memory_space<hbm>> -> memref<20000x128xf32, #tpu.memory_space<hbm>>
      tpu.enqueue_indirect_dma source(%dma_start3A_63 : memref<20000x128xf32, #tpu.memory_space<hbm>>) target(%arg12 : memref<32x128xf32, #tpu.memory_space<vmem>>) offsets(%dma_start3A_60 : memref<32xi32, #tpu.memory_space<vmem>>) semaphore(%arg17 : memref<!tpu.dma_semaphore, #tpu.memory_space<semaphore_mem>>)
      %dma_start3A_64 = arith.constant 3 : i32
      %dma_start3A_65 = arith.constant 0 : i32
      %dma_start3A_66 = tpu.memref_slice %arg8[%dma_start3A_64, %dma_start3A_65] : memref<40x32xi32, #tpu.memory_space<vmem>> -> memref<1x32xi32, #tpu.memory_space<vmem>>
      %dma_start3A_67 = tpu.memref_squeeze %dma_start3A_66 : memref<1x32xi32, #tpu.memory_space<vmem>> -> memref<32xi32, #tpu.memory_space<vmem>>
      %dma_start3A_68 = arith.constant 0 : i32
      %dma_start3A_69 = arith.constant 0 : i32
      %dma_start3A_70 = tpu.memref_slice %arg2[%dma_start3A_68, %dma_start3A_69] : memref<20000x128xf32, #tpu.memory_space<hbm>> -> memref<20000x128xf32, #tpu.memory_space<hbm>>
      tpu.enqueue_indirect_dma source(%dma_start3A_70 : memref<20000x128xf32, #tpu.memory_space<hbm>>) target(%arg13 : memref<32x128xf32, #tpu.memory_space<vmem>>) offsets(%dma_start3A_67 : memref<32xi32, #tpu.memory_space<vmem>>) semaphore(%arg18 : memref<!tpu.dma_semaphore, #tpu.memory_space<semaphore_mem>>)
      %dma_start3A_71 = arith.constant 4 : i32
      %dma_start3A_72 = arith.constant 0 : i32
      %dma_start3A_73 = tpu.memref_slice %arg8[%dma_start3A_71, %dma_start3A_72] : memref<40x32xi32, #tpu.memory_space<vmem>> -> memref<1x32xi32, #tpu.memory_space<vmem>>
      %dma_start3A_74 = tpu.memref_squeeze %dma_start3A_73 : memref<1x32xi32, #tpu.memory_space<vmem>> -> memref<32xi32, #tpu.memory_space<vmem>>
      %dma_start3A_75 = arith.constant 0 : i32
      %dma_start3A_76 = arith.constant 0 : i32
      %dma_start3A_77 = tpu.memref_slice %arg2[%dma_start3A_75, %dma_start3A_76] : memref<20000x128xf32, #tpu.memory_space<hbm>> -> memref<20000x128xf32, #tpu.memory_space<hbm>>
      tpu.enqueue_indirect_dma source(%dma_start3A_77 : memref<20000x128xf32, #tpu.memory_space<hbm>>) target(%arg14 : memref<32x128xf32, #tpu.memory_space<vmem>>) offsets(%dma_start3A_74 : memref<32xi32, #tpu.memory_space<vmem>>) semaphore(%arg19 : memref<!tpu.dma_semaphore, #tpu.memory_space<semaphore_mem>>)
      %scan3A_78 = arith.constant 0 : i32
      %scan3A_79 = arith.constant 7 : i32
      %scan3A_80 = arith.addi %scan3A_78, %scan3A_79 : i32
      %scan3A_81 = arith.constant 1 : i32
      scf.for %scan3A_187 = %scan3A_78 to %scan3A_80 step %scan3A_81  : i32 {
        %mul3A_188 = arith.constant 1 : i32
        %mul3A_189 = arith.muli %scan3A_187, %mul3A_188 : i32
        %add3A_190 = arith.constant 0 : i32
        %add3A_191 = arith.addi %add3A_190, %mul3A_189 : i32
        %mul3A_192 = arith.constant 5 : i32
        %mul3A_193 = arith.muli %mul3A_192, %add3A_191 : i32
        %add3A_194 = arith.constant 0 : i32
        %add3A_195 = arith.addi %mul3A_193, %add3A_194 : i32
        %dma_wait3A_196 = arith.constant 0 : i32
        %dma_wait3A_197 = tpu.memref_slice %arg8[%add3A_195, %dma_wait3A_196] : memref<40x32xi32, #tpu.memory_space<vmem>> -> memref<1x32xi32, #tpu.memory_space<vmem>>
        %dma_wait3A_198 = tpu.memref_squeeze %dma_wait3A_197 : memref<1x32xi32, #tpu.memory_space<vmem>> -> memref<32xi32, #tpu.memory_space<vmem>>
        %dma_wait3A_199 = arith.constant 0 : i32
        %dma_wait3A_200 = arith.constant 0 : i32
        %dma_wait3A_201 = tpu.memref_slice %arg2[%dma_wait3A_199, %dma_wait3A_200] : memref<20000x128xf32, #tpu.memory_space<hbm>> -> memref<20000x128xf32, #tpu.memory_space<hbm>>
        tpu.wait_indirect_dma semaphore(%arg15 : memref<!tpu.dma_semaphore, #tpu.memory_space<semaphore_mem>>) src(%dma_wait3A_201 : memref<20000x128xf32, #tpu.memory_space<hbm>>) dst(%arg10 : memref<32x128xf32, #tpu.memory_space<vmem>>)
        %add3A_202 = arith.constant 0 : i32
        %add3A_203 = arith.addi %mul3A_193, %add3A_202 : i32
        %dma_start3A_204 = arith.constant 0 : i32
        %dma_start3A_205 = tpu.memref_slice %arg9[%add3A_203, %dma_start3A_204] : memref<40x32xi32, #tpu.memory_space<vmem>> -> memref<1x32xi32, #tpu.memory_space<vmem>>
        %dma_start3A_206 = tpu.memref_squeeze %dma_start3A_205 : memref<1x32xi32, #tpu.memory_space<vmem>> -> memref<32xi32, #tpu.memory_space<vmem>>
        %dma_start3A_207 = arith.constant 0 : i32
        %dma_start3A_208 = arith.constant 0 : i32
        %dma_start3A_209 = tpu.memref_slice %arg25[%dma_start3A_207, %dma_start3A_208] : memref<10128x128xf32, #tpu.memory_space<vmem_shared>> -> memref<10128x128xf32, #tpu.memory_space<vmem_shared>>
        tpu.enqueue_indirect_dma source(%arg10 : memref<32x128xf32, #tpu.memory_space<vmem>>) target(%dma_start3A_209 : memref<10128x128xf32, #tpu.memory_space<vmem_shared>>) offsets(%dma_start3A_206 : memref<32xi32, #tpu.memory_space<vmem>>) semaphore(%arg20 : memref<!tpu.dma_semaphore, #tpu.memory_space<semaphore_mem>>) {add = true}
        %add3A_210 = arith.constant 1 : i32
        %add3A_211 = arith.addi %mul3A_193, %add3A_210 : i32
        %dma_wait3A_212 = arith.constant 0 : i32
        %dma_wait3A_213 = tpu.memref_slice %arg8[%add3A_211, %dma_wait3A_212] : memref<40x32xi32, #tpu.memory_space<vmem>> -> memref<1x32xi32, #tpu.memory_space<vmem>>
        %dma_wait3A_214 = tpu.memref_squeeze %dma_wait3A_213 : memref<1x32xi32, #tpu.memory_space<vmem>> -> memref<32xi32, #tpu.memory_space<vmem>>
        %dma_wait3A_215 = arith.constant 0 : i32
        %dma_wait3A_216 = arith.constant 0 : i32
        %dma_wait3A_217 = tpu.memref_slice %arg2[%dma_wait3A_215, %dma_wait3A_216] : memref<20000x128xf32, #tpu.memory_space<hbm>> -> memref<20000x128xf32, #tpu.memory_space<hbm>>
        tpu.wait_indirect_dma semaphore(%arg16 : memref<!tpu.dma_semaphore, #tpu.memory_space<semaphore_mem>>) src(%dma_wait3A_217 : memref<20000x128xf32, #tpu.memory_space<hbm>>) dst(%arg11 : memref<32x128xf32, #tpu.memory_space<vmem>>)
        %add3A_218 = arith.constant 1 : i32
        %add3A_219 = arith.addi %mul3A_193, %add3A_218 : i32
        %dma_start3A_220 = arith.constant 0 : i32
        %dma_start3A_221 = tpu.memref_slice %arg9[%add3A_219, %dma_start3A_220] : memref<40x32xi32, #tpu.memory_space<vmem>> -> memref<1x32xi32, #tpu.memory_space<vmem>>
        %dma_start3A_222 = tpu.memref_squeeze %dma_start3A_221 : memref<1x32xi32, #tpu.memory_space<vmem>> -> memref<32xi32, #tpu.memory_space<vmem>>
        %dma_start3A_223 = arith.constant 0 : i32
        %dma_start3A_224 = arith.constant 0 : i32
        %dma_start3A_225 = tpu.memref_slice %arg25[%dma_start3A_223, %dma_start3A_224] : memref<10128x128xf32, #tpu.memory_space<vmem_shared>> -> memref<10128x128xf32, #tpu.memory_space<vmem_shared>>
        tpu.enqueue_indirect_dma source(%arg11 : memref<32x128xf32, #tpu.memory_space<vmem>>) target(%dma_start3A_225 : memref<10128x128xf32, #tpu.memory_space<vmem_shared>>) offsets(%dma_start3A_222 : memref<32xi32, #tpu.memory_space<vmem>>) semaphore(%arg21 : memref<!tpu.dma_semaphore, #tpu.memory_space<semaphore_mem>>) {add = true}
        %add3A_226 = arith.constant 2 : i32
        %add3A_227 = arith.addi %mul3A_193, %add3A_226 : i32
        %dma_wait3A_228 = arith.constant 0 : i32
        %dma_wait3A_229 = tpu.memref_slice %arg8[%add3A_227, %dma_wait3A_228] : memref<40x32xi32, #tpu.memory_space<vmem>> -> memref<1x32xi32, #tpu.memory_space<vmem>>
        %dma_wait3A_230 = tpu.memref_squeeze %dma_wait3A_229 : memref<1x32xi32, #tpu.memory_space<vmem>> -> memref<32xi32, #tpu.memory_space<vmem>>
        %dma_wait3A_231 = arith.constant 0 : i32
        %dma_wait3A_232 = arith.constant 0 : i32
        %dma_wait3A_233 = tpu.memref_slice %arg2[%dma_wait3A_231, %dma_wait3A_232] : memref<20000x128xf32, #tpu.memory_space<hbm>> -> memref<20000x128xf32, #tpu.memory_space<hbm>>
        tpu.wait_indirect_dma semaphore(%arg17 : memref<!tpu.dma_semaphore, #tpu.memory_space<semaphore_mem>>) src(%dma_wait3A_233 : memref<20000x128xf32, #tpu.memory_space<hbm>>) dst(%arg12 : memref<32x128xf32, #tpu.memory_space<vmem>>)
        %add3A_234 = arith.constant 2 : i32
        %add3A_235 = arith.addi %mul3A_193, %add3A_234 : i32
        %dma_start3A_236 = arith.constant 0 : i32
        %dma_start3A_237 = tpu.memref_slice %arg9[%add3A_235, %dma_start3A_236] : memref<40x32xi32, #tpu.memory_space<vmem>> -> memref<1x32xi32, #tpu.memory_space<vmem>>
        %dma_start3A_238 = tpu.memref_squeeze %dma_start3A_237 : memref<1x32xi32, #tpu.memory_space<vmem>> -> memref<32xi32, #tpu.memory_space<vmem>>
        %dma_start3A_239 = arith.constant 0 : i32
        %dma_start3A_240 = arith.constant 0 : i32
        %dma_start3A_241 = tpu.memref_slice %arg25[%dma_start3A_239, %dma_start3A_240] : memref<10128x128xf32, #tpu.memory_space<vmem_shared>> -> memref<10128x128xf32, #tpu.memory_space<vmem_shared>>
        tpu.enqueue_indirect_dma source(%arg12 : memref<32x128xf32, #tpu.memory_space<vmem>>) target(%dma_start3A_241 : memref<10128x128xf32, #tpu.memory_space<vmem_shared>>) offsets(%dma_start3A_238 : memref<32xi32, #tpu.memory_space<vmem>>) semaphore(%arg22 : memref<!tpu.dma_semaphore, #tpu.memory_space<semaphore_mem>>) {add = true}
        %add3A_242 = arith.constant 3 : i32
        %add3A_243 = arith.addi %mul3A_193, %add3A_242 : i32
        %dma_wait3A_244 = arith.constant 0 : i32
        %dma_wait3A_245 = tpu.memref_slice %arg8[%add3A_243, %dma_wait3A_244] : memref<40x32xi32, #tpu.memory_space<vmem>> -> memref<1x32xi32, #tpu.memory_space<vmem>>
        %dma_wait3A_246 = tpu.memref_squeeze %dma_wait3A_245 : memref<1x32xi32, #tpu.memory_space<vmem>> -> memref<32xi32, #tpu.memory_space<vmem>>
        %dma_wait3A_247 = arith.constant 0 : i32
        %dma_wait3A_248 = arith.constant 0 : i32
        %dma_wait3A_249 = tpu.memref_slice %arg2[%dma_wait3A_247, %dma_wait3A_248] : memref<20000x128xf32, #tpu.memory_space<hbm>> -> memref<20000x128xf32, #tpu.memory_space<hbm>>
        tpu.wait_indirect_dma semaphore(%arg18 : memref<!tpu.dma_semaphore, #tpu.memory_space<semaphore_mem>>) src(%dma_wait3A_249 : memref<20000x128xf32, #tpu.memory_space<hbm>>) dst(%arg13 : memref<32x128xf32, #tpu.memory_space<vmem>>)
        %add3A_250 = arith.constant 3 : i32
        %add3A_251 = arith.addi %mul3A_193, %add3A_250 : i32
        %dma_start3A_252 = arith.constant 0 : i32
        %dma_start3A_253 = tpu.memref_slice %arg9[%add3A_251, %dma_start3A_252] : memref<40x32xi32, #tpu.memory_space<vmem>> -> memref<1x32xi32, #tpu.memory_space<vmem>>
        %dma_start3A_254 = tpu.memref_squeeze %dma_start3A_253 : memref<1x32xi32, #tpu.memory_space<vmem>> -> memref<32xi32, #tpu.memory_space<vmem>>
        %dma_start3A_255 = arith.constant 0 : i32
        %dma_start3A_256 = arith.constant 0 : i32
        %dma_start3A_257 = tpu.memref_slice %arg25[%dma_start3A_255, %dma_start3A_256] : memref<10128x128xf32, #tpu.memory_space<vmem_shared>> -> memref<10128x128xf32, #tpu.memory_space<vmem_shared>>
        tpu.enqueue_indirect_dma source(%arg13 : memref<32x128xf32, #tpu.memory_space<vmem>>) target(%dma_start3A_257 : memref<10128x128xf32, #tpu.memory_space<vmem_shared>>) offsets(%dma_start3A_254 : memref<32xi32, #tpu.memory_space<vmem>>) semaphore(%arg23 : memref<!tpu.dma_semaphore, #tpu.memory_space<semaphore_mem>>) {add = true}
        %add3A_258 = arith.constant 4 : i32
        %add3A_259 = arith.addi %mul3A_193, %add3A_258 : i32
        %dma_wait3A_260 = arith.constant 0 : i32
        %dma_wait3A_261 = tpu.memref_slice %arg8[%add3A_259, %dma_wait3A_260] : memref<40x32xi32, #tpu.memory_space<vmem>> -> memref<1x32xi32, #tpu.memory_space<vmem>>
        %dma_wait3A_262 = tpu.memref_squeeze %dma_wait3A_261 : memref<1x32xi32, #tpu.memory_space<vmem>> -> memref<32xi32, #tpu.memory_space<vmem>>
        %dma_wait3A_263 = arith.constant 0 : i32
        %dma_wait3A_264 = arith.constant 0 : i32
        %dma_wait3A_265 = tpu.memref_slice %arg2[%dma_wait3A_263, %dma_wait3A_264] : memref<20000x128xf32, #tpu.memory_space<hbm>> -> memref<20000x128xf32, #tpu.memory_space<hbm>>
        tpu.wait_indirect_dma semaphore(%arg19 : memref<!tpu.dma_semaphore, #tpu.memory_space<semaphore_mem>>) src(%dma_wait3A_265 : memref<20000x128xf32, #tpu.memory_space<hbm>>) dst(%arg14 : memref<32x128xf32, #tpu.memory_space<vmem>>)
        %add3A_266 = arith.constant 4 : i32
        %add3A_267 = arith.addi %mul3A_193, %add3A_266 : i32
        %dma_start3A_268 = arith.constant 0 : i32
        %dma_start3A_269 = tpu.memref_slice %arg9[%add3A_267, %dma_start3A_268] : memref<40x32xi32, #tpu.memory_space<vmem>> -> memref<1x32xi32, #tpu.memory_space<vmem>>
        %dma_start3A_270 = tpu.memref_squeeze %dma_start3A_269 : memref<1x32xi32, #tpu.memory_space<vmem>> -> memref<32xi32, #tpu.memory_space<vmem>>
        %dma_start3A_271 = arith.constant 0 : i32
        %dma_start3A_272 = arith.constant 0 : i32
        %dma_start3A_273 = tpu.memref_slice %arg25[%dma_start3A_271, %dma_start3A_272] : memref<10128x128xf32, #tpu.memory_space<vmem_shared>> -> memref<10128x128xf32, #tpu.memory_space<vmem_shared>>
        tpu.enqueue_indirect_dma source(%arg14 : memref<32x128xf32, #tpu.memory_space<vmem>>) target(%dma_start3A_273 : memref<10128x128xf32, #tpu.memory_space<vmem_shared>>) offsets(%dma_start3A_270 : memref<32xi32, #tpu.memory_space<vmem>>) semaphore(%arg24 : memref<!tpu.dma_semaphore, #tpu.memory_space<semaphore_mem>>) {add = true}
        %add3A_274 = arith.constant 0 : i32
        %add3A_275 = arith.addi %mul3A_193, %add3A_274 : i32
        %dma_wait3A_276 = arith.constant 0 : i32
        %dma_wait3A_277 = tpu.memref_slice %arg9[%add3A_275, %dma_wait3A_276] : memref<40x32xi32, #tpu.memory_space<vmem>> -> memref<1x32xi32, #tpu.memory_space<vmem>>
        %dma_wait3A_278 = tpu.memref_squeeze %dma_wait3A_277 : memref<1x32xi32, #tpu.memory_space<vmem>> -> memref<32xi32, #tpu.memory_space<vmem>>
        %dma_wait3A_279 = arith.constant 0 : i32
        %dma_wait3A_280 = arith.constant 0 : i32
        %dma_wait3A_281 = tpu.memref_slice %arg25[%dma_wait3A_279, %dma_wait3A_280] : memref<10128x128xf32, #tpu.memory_space<vmem_shared>> -> memref<10128x128xf32, #tpu.memory_space<vmem_shared>>
        tpu.wait_indirect_dma semaphore(%arg20 : memref<!tpu.dma_semaphore, #tpu.memory_space<semaphore_mem>>) src(%arg10 : memref<32x128xf32, #tpu.memory_space<vmem>>) dst(%dma_wait3A_281 : memref<10128x128xf32, #tpu.memory_space<vmem_shared>>)
        %add3A_282 = arith.constant 5 : i32
        %add3A_283 = arith.addi %mul3A_193, %add3A_282 : i32
        %add3A_284 = arith.constant 0 : i32
        %add3A_285 = arith.addi %add3A_283, %add3A_284 : i32
        %dma_start3A_286 = arith.constant 0 : i32
        %dma_start3A_287 = tpu.memref_slice %arg8[%add3A_285, %dma_start3A_286] : memref<40x32xi32, #tpu.memory_space<vmem>> -> memref<1x32xi32, #tpu.memory_space<vmem>>
        %dma_start3A_288 = tpu.memref_squeeze %dma_start3A_287 : memref<1x32xi32, #tpu.memory_space<vmem>> -> memref<32xi32, #tpu.memory_space<vmem>>
        %dma_start3A_289 = arith.constant 0 : i32
        %dma_start3A_290 = arith.constant 0 : i32
        %dma_start3A_291 = tpu.memref_slice %arg2[%dma_start3A_289, %dma_start3A_290] : memref<20000x128xf32, #tpu.memory_space<hbm>> -> memref<20000x128xf32, #tpu.memory_space<hbm>>
        tpu.enqueue_indirect_dma source(%dma_start3A_291 : memref<20000x128xf32, #tpu.memory_space<hbm>>) target(%arg10 : memref<32x128xf32, #tpu.memory_space<vmem>>) offsets(%dma_start3A_288 : memref<32xi32, #tpu.memory_space<vmem>>) semaphore(%arg15 : memref<!tpu.dma_semaphore, #tpu.memory_space<semaphore_mem>>)
        %add3A_292 = arith.constant 1 : i32
        %add3A_293 = arith.addi %mul3A_193, %add3A_292 : i32
        %dma_wait3A_294 = arith.constant 0 : i32
        %dma_wait3A_295 = tpu.memref_slice %arg9[%add3A_293, %dma_wait3A_294] : memref<40x32xi32, #tpu.memory_space<vmem>> -> memref<1x32xi32, #tpu.memory_space<vmem>>
        %dma_wait3A_296 = tpu.memref_squeeze %dma_wait3A_295 : memref<1x32xi32, #tpu.memory_space<vmem>> -> memref<32xi32, #tpu.memory_space<vmem>>
        %dma_wait3A_297 = arith.constant 0 : i32
        %dma_wait3A_298 = arith.constant 0 : i32
        %dma_wait3A_299 = tpu.memref_slice %arg25[%dma_wait3A_297, %dma_wait3A_298] : memref<10128x128xf32, #tpu.memory_space<vmem_shared>> -> memref<10128x128xf32, #tpu.memory_space<vmem_shared>>
        tpu.wait_indirect_dma semaphore(%arg21 : memref<!tpu.dma_semaphore, #tpu.memory_space<semaphore_mem>>) src(%arg11 : memref<32x128xf32, #tpu.memory_space<vmem>>) dst(%dma_wait3A_299 : memref<10128x128xf32, #tpu.memory_space<vmem_shared>>)
        %add3A_300 = arith.constant 5 : i32
        %add3A_301 = arith.addi %mul3A_193, %add3A_300 : i32
        %add3A_302 = arith.constant 1 : i32
        %add3A_303 = arith.addi %add3A_301, %add3A_302 : i32
        %dma_start3A_304 = arith.constant 0 : i32
        %dma_start3A_305 = tpu.memref_slice %arg8[%add3A_303, %dma_start3A_304] : memref<40x32xi32, #tpu.memory_space<vmem>> -> memref<1x32xi32, #tpu.memory_space<vmem>>
        %dma_start3A_306 = tpu.memref_squeeze %dma_start3A_305 : memref<1x32xi32, #tpu.memory_space<vmem>> -> memref<32xi32, #tpu.memory_space<vmem>>
        %dma_start3A_307 = arith.constant 0 : i32
        %dma_start3A_308 = arith.constant 0 : i32
        %dma_start3A_309 = tpu.memref_slice %arg2[%dma_start3A_307, %dma_start3A_308] : memref<20000x128xf32, #tpu.memory_space<hbm>> -> memref<20000x128xf32, #tpu.memory_space<hbm>>
        tpu.enqueue_indirect_dma source(%dma_start3A_309 : memref<20000x128xf32, #tpu.memory_space<hbm>>) target(%arg11 : memref<32x128xf32, #tpu.memory_space<vmem>>) offsets(%dma_start3A_306 : memref<32xi32, #tpu.memory_space<vmem>>) semaphore(%arg16 : memref<!tpu.dma_semaphore, #tpu.memory_space<semaphore_mem>>)
        %add3A_310 = arith.constant 2 : i32
        %add3A_311 = arith.addi %mul3A_193, %add3A_310 : i32
        %dma_wait3A_312 = arith.constant 0 : i32
        %dma_wait3A_313 = tpu.memref_slice %arg9[%add3A_311, %dma_wait3A_312] : memref<40x32xi32, #tpu.memory_space<vmem>> -> memref<1x32xi32, #tpu.memory_space<vmem>>
        %dma_wait3A_314 = tpu.memref_squeeze %dma_wait3A_313 : memref<1x32xi32, #tpu.memory_space<vmem>> -> memref<32xi32, #tpu.memory_space<vmem>>
        %dma_wait3A_315 = arith.constant 0 : i32
        %dma_wait3A_316 = arith.constant 0 : i32
        %dma_wait3A_317 = tpu.memref_slice %arg25[%dma_wait3A_315, %dma_wait3A_316] : memref<10128x128xf32, #tpu.memory_space<vmem_shared>> -> memref<10128x128xf32, #tpu.memory_space<vmem_shared>>
        tpu.wait_indirect_dma semaphore(%arg22 : memref<!tpu.dma_semaphore, #tpu.memory_space<semaphore_mem>>) src(%arg12 : memref<32x128xf32, #tpu.memory_space<vmem>>) dst(%dma_wait3A_317 : memref<10128x128xf32, #tpu.memory_space<vmem_shared>>)
        %add3A_318 = arith.constant 5 : i32
        %add3A_319 = arith.addi %mul3A_193, %add3A_318 : i32
        %add3A_320 = arith.constant 2 : i32
        %add3A_321 = arith.addi %add3A_319, %add3A_320 : i32
        %dma_start3A_322 = arith.constant 0 : i32
        %dma_start3A_323 = tpu.memref_slice %arg8[%add3A_321, %dma_start3A_322] : memref<40x32xi32, #tpu.memory_space<vmem>> -> memref<1x32xi32, #tpu.memory_space<vmem>>
        %dma_start3A_324 = tpu.memref_squeeze %dma_start3A_323 : memref<1x32xi32, #tpu.memory_space<vmem>> -> memref<32xi32, #tpu.memory_space<vmem>>
        %dma_start3A_325 = arith.constant 0 : i32
        %dma_start3A_326 = arith.constant 0 : i32
        %dma_start3A_327 = tpu.memref_slice %arg2[%dma_start3A_325, %dma_start3A_326] : memref<20000x128xf32, #tpu.memory_space<hbm>> -> memref<20000x128xf32, #tpu.memory_space<hbm>>
        tpu.enqueue_indirect_dma source(%dma_start3A_327 : memref<20000x128xf32, #tpu.memory_space<hbm>>) target(%arg12 : memref<32x128xf32, #tpu.memory_space<vmem>>) offsets(%dma_start3A_324 : memref<32xi32, #tpu.memory_space<vmem>>) semaphore(%arg17 : memref<!tpu.dma_semaphore, #tpu.memory_space<semaphore_mem>>)
        %add3A_328 = arith.constant 3 : i32
        %add3A_329 = arith.addi %mul3A_193, %add3A_328 : i32
        %dma_wait3A_330 = arith.constant 0 : i32
        %dma_wait3A_331 = tpu.memref_slice %arg9[%add3A_329, %dma_wait3A_330] : memref<40x32xi32, #tpu.memory_space<vmem>> -> memref<1x32xi32, #tpu.memory_space<vmem>>
        %dma_wait3A_332 = tpu.memref_squeeze %dma_wait3A_331 : memref<1x32xi32, #tpu.memory_space<vmem>> -> memref<32xi32, #tpu.memory_space<vmem>>
        %dma_wait3A_333 = arith.constant 0 : i32
        %dma_wait3A_334 = arith.constant 0 : i32
        %dma_wait3A_335 = tpu.memref_slice %arg25[%dma_wait3A_333, %dma_wait3A_334] : memref<10128x128xf32, #tpu.memory_space<vmem_shared>> -> memref<10128x128xf32, #tpu.memory_space<vmem_shared>>
        tpu.wait_indirect_dma semaphore(%arg23 : memref<!tpu.dma_semaphore, #tpu.memory_space<semaphore_mem>>) src(%arg13 : memref<32x128xf32, #tpu.memory_space<vmem>>) dst(%dma_wait3A_335 : memref<10128x128xf32, #tpu.memory_space<vmem_shared>>)
        %add3A_336 = arith.constant 5 : i32
        %add3A_337 = arith.addi %mul3A_193, %add3A_336 : i32
        %add3A_338 = arith.constant 3 : i32
        %add3A_339 = arith.addi %add3A_337, %add3A_338 : i32
        %dma_start3A_340 = arith.constant 0 : i32
        %dma_start3A_341 = tpu.memref_slice %arg8[%add3A_339, %dma_start3A_340] : memref<40x32xi32, #tpu.memory_space<vmem>> -> memref<1x32xi32, #tpu.memory_space<vmem>>
        %dma_start3A_342 = tpu.memref_squeeze %dma_start3A_341 : memref<1x32xi32, #tpu.memory_space<vmem>> -> memref<32xi32, #tpu.memory_space<vmem>>
        %dma_start3A_343 = arith.constant 0 : i32
        %dma_start3A_344 = arith.constant 0 : i32
        %dma_start3A_345 = tpu.memref_slice %arg2[%dma_start3A_343, %dma_start3A_344] : memref<20000x128xf32, #tpu.memory_space<hbm>> -> memref<20000x128xf32, #tpu.memory_space<hbm>>
        tpu.enqueue_indirect_dma source(%dma_start3A_345 : memref<20000x128xf32, #tpu.memory_space<hbm>>) target(%arg13 : memref<32x128xf32, #tpu.memory_space<vmem>>) offsets(%dma_start3A_342 : memref<32xi32, #tpu.memory_space<vmem>>) semaphore(%arg18 : memref<!tpu.dma_semaphore, #tpu.memory_space<semaphore_mem>>)
        %add3A_346 = arith.constant 4 : i32
        %add3A_347 = arith.addi %mul3A_193, %add3A_346 : i32
        %dma_wait3A_348 = arith.constant 0 : i32
        %dma_wait3A_349 = tpu.memref_slice %arg9[%add3A_347, %dma_wait3A_348] : memref<40x32xi32, #tpu.memory_space<vmem>> -> memref<1x32xi32, #tpu.memory_space<vmem>>
        %dma_wait3A_350 = tpu.memref_squeeze %dma_wait3A_349 : memref<1x32xi32, #tpu.memory_space<vmem>> -> memref<32xi32, #tpu.memory_space<vmem>>
        %dma_wait3A_351 = arith.constant 0 : i32
        %dma_wait3A_352 = arith.constant 0 : i32
        %dma_wait3A_353 = tpu.memref_slice %arg25[%dma_wait3A_351, %dma_wait3A_352] : memref<10128x128xf32, #tpu.memory_space<vmem_shared>> -> memref<10128x128xf32, #tpu.memory_space<vmem_shared>>
        tpu.wait_indirect_dma semaphore(%arg24 : memref<!tpu.dma_semaphore, #tpu.memory_space<semaphore_mem>>) src(%arg14 : memref<32x128xf32, #tpu.memory_space<vmem>>) dst(%dma_wait3A_353 : memref<10128x128xf32, #tpu.memory_space<vmem_shared>>)
        %add3A_354 = arith.constant 5 : i32
        %add3A_355 = arith.addi %mul3A_193, %add3A_354 : i32
        %add3A_356 = arith.constant 4 : i32
        %add3A_357 = arith.addi %add3A_355, %add3A_356 : i32
        %dma_start3A_358 = arith.constant 0 : i32
        %dma_start3A_359 = tpu.memref_slice %arg8[%add3A_357, %dma_start3A_358] : memref<40x32xi32, #tpu.memory_space<vmem>> -> memref<1x32xi32, #tpu.memory_space<vmem>>
        %dma_start3A_360 = tpu.memref_squeeze %dma_start3A_359 : memref<1x32xi32, #tpu.memory_space<vmem>> -> memref<32xi32, #tpu.memory_space<vmem>>
        %dma_start3A_361 = arith.constant 0 : i32
        %dma_start3A_362 = arith.constant 0 : i32
        %dma_start3A_363 = tpu.memref_slice %arg2[%dma_start3A_361, %dma_start3A_362] : memref<20000x128xf32, #tpu.memory_space<hbm>> -> memref<20000x128xf32, #tpu.memory_space<hbm>>
        tpu.enqueue_indirect_dma source(%dma_start3A_363 : memref<20000x128xf32, #tpu.memory_space<hbm>>) target(%arg14 : memref<32x128xf32, #tpu.memory_space<vmem>>) offsets(%dma_start3A_360 : memref<32xi32, #tpu.memory_space<vmem>>) semaphore(%arg19 : memref<!tpu.dma_semaphore, #tpu.memory_space<semaphore_mem>>)
      }
      %scan3A_82 = arith.constant 7 : i32
      %dma_wait3A = arith.constant 35 : i32
      %dma_wait3A_83 = arith.constant 0 : i32
      %dma_wait3A_84 = tpu.memref_slice %arg8[%dma_wait3A, %dma_wait3A_83] : memref<40x32xi32, #tpu.memory_space<vmem>> -> memref<1x32xi32, #tpu.memory_space<vmem>>
      %dma_wait3A_85 = tpu.memref_squeeze %dma_wait3A_84 : memref<1x32xi32, #tpu.memory_space<vmem>> -> memref<32xi32, #tpu.memory_space<vmem>>
      %dma_wait3A_86 = arith.constant 0 : i32
      %dma_wait3A_87 = arith.constant 0 : i32
      %dma_wait3A_88 = tpu.memref_slice %arg2[%dma_wait3A_86, %dma_wait3A_87] : memref<20000x128xf32, #tpu.memory_space<hbm>> -> memref<20000x128xf32, #tpu.memory_space<hbm>>
      tpu.wait_indirect_dma semaphore(%arg15 : memref<!tpu.dma_semaphore, #tpu.memory_space<semaphore_mem>>) src(%dma_wait3A_88 : memref<20000x128xf32, #tpu.memory_space<hbm>>) dst(%arg10 : memref<32x128xf32, #tpu.memory_space<vmem>>)
      %dma_start3A_89 = arith.constant 35 : i32
      %dma_start3A_90 = arith.constant 0 : i32
      %dma_start3A_91 = tpu.memref_slice %arg9[%dma_start3A_89, %dma_start3A_90] : memref<40x32xi32, #tpu.memory_space<vmem>> -> memref<1x32xi32, #tpu.memory_space<vmem>>
      %dma_start3A_92 = tpu.memref_squeeze %dma_start3A_91 : memref<1x32xi32, #tpu.memory_space<vmem>> -> memref<32xi32, #tpu.memory_space<vmem>>
      %dma_start3A_93 = arith.constant 0 : i32
      %dma_start3A_94 = arith.constant 0 : i32
      %dma_start3A_95 = tpu.memref_slice %arg25[%dma_start3A_93, %dma_start3A_94] : memref<10128x128xf32, #tpu.memory_space<vmem_shared>> -> memref<10128x128xf32, #tpu.memory_space<vmem_shared>>
      tpu.enqueue_indirect_dma source(%arg10 : memref<32x128xf32, #tpu.memory_space<vmem>>) target(%dma_start3A_95 : memref<10128x128xf32, #tpu.memory_space<vmem_shared>>) offsets(%dma_start3A_92 : memref<32xi32, #tpu.memory_space<vmem>>) semaphore(%arg20 : memref<!tpu.dma_semaphore, #tpu.memory_space<semaphore_mem>>) {add = true}
      %dma_wait3A_96 = arith.constant 36 : i32
      %dma_wait3A_97 = arith.constant 0 : i32
      %dma_wait3A_98 = tpu.memref_slice %arg8[%dma_wait3A_96, %dma_wait3A_97] : memref<40x32xi32, #tpu.memory_space<vmem>> -> memref<1x32xi32, #tpu.memory_space<vmem>>
      %dma_wait3A_99 = tpu.memref_squeeze %dma_wait3A_98 : memref<1x32xi32, #tpu.memory_space<vmem>> -> memref<32xi32, #tpu.memory_space<vmem>>
      %dma_wait3A_100 = arith.constant 0 : i32
      %dma_wait3A_101 = arith.constant 0 : i32
      %dma_wait3A_102 = tpu.memref_slice %arg2[%dma_wait3A_100, %dma_wait3A_101] : memref<20000x128xf32, #tpu.memory_space<hbm>> -> memref<20000x128xf32, #tpu.memory_space<hbm>>
      tpu.wait_indirect_dma semaphore(%arg16 : memref<!tpu.dma_semaphore, #tpu.memory_space<semaphore_mem>>) src(%dma_wait3A_102 : memref<20000x128xf32, #tpu.memory_space<hbm>>) dst(%arg11 : memref<32x128xf32, #tpu.memory_space<vmem>>)
      %dma_start3A_103 = arith.constant 36 : i32
      %dma_start3A_104 = arith.constant 0 : i32
      %dma_start3A_105 = tpu.memref_slice %arg9[%dma_start3A_103, %dma_start3A_104] : memref<40x32xi32, #tpu.memory_space<vmem>> -> memref<1x32xi32, #tpu.memory_space<vmem>>
      %dma_start3A_106 = tpu.memref_squeeze %dma_start3A_105 : memref<1x32xi32, #tpu.memory_space<vmem>> -> memref<32xi32, #tpu.memory_space<vmem>>
      %dma_start3A_107 = arith.constant 0 : i32
      %dma_start3A_108 = arith.constant 0 : i32
      %dma_start3A_109 = tpu.memref_slice %arg25[%dma_start3A_107, %dma_start3A_108] : memref<10128x128xf32, #tpu.memory_space<vmem_shared>> -> memref<10128x128xf32, #tpu.memory_space<vmem_shared>>
      tpu.enqueue_indirect_dma source(%arg11 : memref<32x128xf32, #tpu.memory_space<vmem>>) target(%dma_start3A_109 : memref<10128x128xf32, #tpu.memory_space<vmem_shared>>) offsets(%dma_start3A_106 : memref<32xi32, #tpu.memory_space<vmem>>) semaphore(%arg21 : memref<!tpu.dma_semaphore, #tpu.memory_space<semaphore_mem>>) {add = true}
      %dma_wait3A_110 = arith.constant 37 : i32
      %dma_wait3A_111 = arith.constant 0 : i32
      %dma_wait3A_112 = tpu.memref_slice %arg8[%dma_wait3A_110, %dma_wait3A_111] : memref<40x32xi32, #tpu.memory_space<vmem>> -> memref<1x32xi32, #tpu.memory_space<vmem>>
      %dma_wait3A_113 = tpu.memref_squeeze %dma_wait3A_112 : memref<1x32xi32, #tpu.memory_space<vmem>> -> memref<32xi32, #tpu.memory_space<vmem>>
      %dma_wait3A_114 = arith.constant 0 : i32
      %dma_wait3A_115 = arith.constant 0 : i32
      %dma_wait3A_116 = tpu.memref_slice %arg2[%dma_wait3A_114, %dma_wait3A_115] : memref<20000x128xf32, #tpu.memory_space<hbm>> -> memref<20000x128xf32, #tpu.memory_space<hbm>>
      tpu.wait_indirect_dma semaphore(%arg17 : memref<!tpu.dma_semaphore, #tpu.memory_space<semaphore_mem>>) src(%dma_wait3A_116 : memref<20000x128xf32, #tpu.memory_space<hbm>>) dst(%arg12 : memref<32x128xf32, #tpu.memory_space<vmem>>)
      %dma_start3A_117 = arith.constant 37 : i32
      %dma_start3A_118 = arith.constant 0 : i32
      %dma_start3A_119 = tpu.memref_slice %arg9[%dma_start3A_117, %dma_start3A_118] : memref<40x32xi32, #tpu.memory_space<vmem>> -> memref<1x32xi32, #tpu.memory_space<vmem>>
      %dma_start3A_120 = tpu.memref_squeeze %dma_start3A_119 : memref<1x32xi32, #tpu.memory_space<vmem>> -> memref<32xi32, #tpu.memory_space<vmem>>
      %dma_start3A_121 = arith.constant 0 : i32
      %dma_start3A_122 = arith.constant 0 : i32
      %dma_start3A_123 = tpu.memref_slice %arg25[%dma_start3A_121, %dma_start3A_122] : memref<10128x128xf32, #tpu.memory_space<vmem_shared>> -> memref<10128x128xf32, #tpu.memory_space<vmem_shared>>
      tpu.enqueue_indirect_dma source(%arg12 : memref<32x128xf32, #tpu.memory_space<vmem>>) target(%dma_start3A_123 : memref<10128x128xf32, #tpu.memory_space<vmem_shared>>) offsets(%dma_start3A_120 : memref<32xi32, #tpu.memory_space<vmem>>) semaphore(%arg22 : memref<!tpu.dma_semaphore, #tpu.memory_space<semaphore_mem>>) {add = true}
      %dma_wait3A_124 = arith.constant 38 : i32
      %dma_wait3A_125 = arith.constant 0 : i32
      %dma_wait3A_126 = tpu.memref_slice %arg8[%dma_wait3A_124, %dma_wait3A_125] : memref<40x32xi32, #tpu.memory_space<vmem>> -> memref<1x32xi32, #tpu.memory_space<vmem>>
      %dma_wait3A_127 = tpu.memref_squeeze %dma_wait3A_126 : memref<1x32xi32, #tpu.memory_space<vmem>> -> memref<32xi32, #tpu.memory_space<vmem>>
      %dma_wait3A_128 = arith.constant 0 : i32
      %dma_wait3A_129 = arith.constant 0 : i32
      %dma_wait3A_130 = tpu.memref_slice %arg2[%dma_wait3A_128, %dma_wait3A_129] : memref<20000x128xf32, #tpu.memory_space<hbm>> -> memref<20000x128xf32, #tpu.memory_space<hbm>>
      tpu.wait_indirect_dma semaphore(%arg18 : memref<!tpu.dma_semaphore, #tpu.memory_space<semaphore_mem>>) src(%dma_wait3A_130 : memref<20000x128xf32, #tpu.memory_space<hbm>>) dst(%arg13 : memref<32x128xf32, #tpu.memory_space<vmem>>)
      %dma_start3A_131 = arith.constant 38 : i32
      %dma_start3A_132 = arith.constant 0 : i32
      %dma_start3A_133 = tpu.memref_slice %arg9[%dma_start3A_131, %dma_start3A_132] : memref<40x32xi32, #tpu.memory_space<vmem>> -> memref<1x32xi32, #tpu.memory_space<vmem>>
      %dma_start3A_134 = tpu.memref_squeeze %dma_start3A_133 : memref<1x32xi32, #tpu.memory_space<vmem>> -> memref<32xi32, #tpu.memory_space<vmem>>
      %dma_start3A_135 = arith.constant 0 : i32
      %dma_start3A_136 = arith.constant 0 : i32
      %dma_start3A_137 = tpu.memref_slice %arg25[%dma_start3A_135, %dma_start3A_136] : memref<10128x128xf32, #tpu.memory_space<vmem_shared>> -> memref<10128x128xf32, #tpu.memory_space<vmem_shared>>
      tpu.enqueue_indirect_dma source(%arg13 : memref<32x128xf32, #tpu.memory_space<vmem>>) target(%dma_start3A_137 : memref<10128x128xf32, #tpu.memory_space<vmem_shared>>) offsets(%dma_start3A_134 : memref<32xi32, #tpu.memory_space<vmem>>) semaphore(%arg23 : memref<!tpu.dma_semaphore, #tpu.memory_space<semaphore_mem>>) {add = true}
      %dma_wait3A_138 = arith.constant 39 : i32
      %dma_wait3A_139 = arith.constant 0 : i32
      %dma_wait3A_140 = tpu.memref_slice %arg8[%dma_wait3A_138, %dma_wait3A_139] : memref<40x32xi32, #tpu.memory_space<vmem>> -> memref<1x32xi32, #tpu.memory_space<vmem>>
      %dma_wait3A_141 = tpu.memref_squeeze %dma_wait3A_140 : memref<1x32xi32, #tpu.memory_space<vmem>> -> memref<32xi32, #tpu.memory_space<vmem>>
      %dma_wait3A_142 = arith.constant 0 : i32
      %dma_wait3A_143 = arith.constant 0 : i32
      %dma_wait3A_144 = tpu.memref_slice %arg2[%dma_wait3A_142, %dma_wait3A_143] : memref<20000x128xf32, #tpu.memory_space<hbm>> -> memref<20000x128xf32, #tpu.memory_space<hbm>>
      tpu.wait_indirect_dma semaphore(%arg19 : memref<!tpu.dma_semaphore, #tpu.memory_space<semaphore_mem>>) src(%dma_wait3A_144 : memref<20000x128xf32, #tpu.memory_space<hbm>>) dst(%arg14 : memref<32x128xf32, #tpu.memory_space<vmem>>)
      %dma_start3A_145 = arith.constant 39 : i32
      %dma_start3A_146 = arith.constant 0 : i32
      %dma_start3A_147 = tpu.memref_slice %arg9[%dma_start3A_145, %dma_start3A_146] : memref<40x32xi32, #tpu.memory_space<vmem>> -> memref<1x32xi32, #tpu.memory_space<vmem>>
      %dma_start3A_148 = tpu.memref_squeeze %dma_start3A_147 : memref<1x32xi32, #tpu.memory_space<vmem>> -> memref<32xi32, #tpu.memory_space<vmem>>
      %dma_start3A_149 = arith.constant 0 : i32
      %dma_start3A_150 = arith.constant 0 : i32
      %dma_start3A_151 = tpu.memref_slice %arg25[%dma_start3A_149, %dma_start3A_150] : memref<10128x128xf32, #tpu.memory_space<vmem_shared>> -> memref<10128x128xf32, #tpu.memory_space<vmem_shared>>
      tpu.enqueue_indirect_dma source(%arg14 : memref<32x128xf32, #tpu.memory_space<vmem>>) target(%dma_start3A_151 : memref<10128x128xf32, #tpu.memory_space<vmem_shared>>) offsets(%dma_start3A_148 : memref<32xi32, #tpu.memory_space<vmem>>) semaphore(%arg24 : memref<!tpu.dma_semaphore, #tpu.memory_space<semaphore_mem>>) {add = true}
      %dma_wait3A_152 = arith.constant 35 : i32
      %dma_wait3A_153 = arith.constant 0 : i32
      %dma_wait3A_154 = tpu.memref_slice %arg9[%dma_wait3A_152, %dma_wait3A_153] : memref<40x32xi32, #tpu.memory_space<vmem>> -> memref<1x32xi32, #tpu.memory_space<vmem>>
      %dma_wait3A_155 = tpu.memref_squeeze %dma_wait3A_154 : memref<1x32xi32, #tpu.memory_space<vmem>> -> memref<32xi32, #tpu.memory_space<vmem>>
      %dma_wait3A_156 = arith.constant 0 : i32
      %dma_wait3A_157 = arith.constant 0 : i32
      %dma_wait3A_158 = tpu.memref_slice %arg25[%dma_wait3A_156, %dma_wait3A_157] : memref<10128x128xf32, #tpu.memory_space<vmem_shared>> -> memref<10128x128xf32, #tpu.memory_space<vmem_shared>>
      tpu.wait_indirect_dma semaphore(%arg20 : memref<!tpu.dma_semaphore, #tpu.memory_space<semaphore_mem>>) src(%arg10 : memref<32x128xf32, #tpu.memory_space<vmem>>) dst(%dma_wait3A_158 : memref<10128x128xf32, #tpu.memory_space<vmem_shared>>)
      %dma_wait3A_159 = arith.constant 36 : i32
      %dma_wait3A_160 = arith.constant 0 : i32
      %dma_wait3A_161 = tpu.memref_slice %arg9[%dma_wait3A_159, %dma_wait3A_160] : memref<40x32xi32, #tpu.memory_space<vmem>> -> memref<1x32xi32, #tpu.memory_space<vmem>>
      %dma_wait3A_162 = tpu.memref_squeeze %dma_wait3A_161 : memref<1x32xi32, #tpu.memory_space<vmem>> -> memref<32xi32, #tpu.memory_space<vmem>>
      %dma_wait3A_163 = arith.constant 0 : i32
      %dma_wait3A_164 = arith.constant 0 : i32
      %dma_wait3A_165 = tpu.memref_slice %arg25[%dma_wait3A_163, %dma_wait3A_164] : memref<10128x128xf32, #tpu.memory_space<vmem_shared>> -> memref<10128x128xf32, #tpu.memory_space<vmem_shared>>
      tpu.wait_indirect_dma semaphore(%arg21 : memref<!tpu.dma_semaphore, #tpu.memory_space<semaphore_mem>>) src(%arg11 : memref<32x128xf32, #tpu.memory_space<vmem>>) dst(%dma_wait3A_165 : memref<10128x128xf32, #tpu.memory_space<vmem_shared>>)
      %dma_wait3A_166 = arith.constant 37 : i32
      %dma_wait3A_167 = arith.constant 0 : i32
      %dma_wait3A_168 = tpu.memref_slice %arg9[%dma_wait3A_166, %dma_wait3A_167] : memref<40x32xi32, #tpu.memory_space<vmem>> -> memref<1x32xi32, #tpu.memory_space<vmem>>
      %dma_wait3A_169 = tpu.memref_squeeze %dma_wait3A_168 : memref<1x32xi32, #tpu.memory_space<vmem>> -> memref<32xi32, #tpu.memory_space<vmem>>
      %dma_wait3A_170 = arith.constant 0 : i32
      %dma_wait3A_171 = arith.constant 0 : i32
      %dma_wait3A_172 = tpu.memref_slice %arg25[%dma_wait3A_170, %dma_wait3A_171] : memref<10128x128xf32, #tpu.memory_space<vmem_shared>> -> memref<10128x128xf32, #tpu.memory_space<vmem_shared>>
      tpu.wait_indirect_dma semaphore(%arg22 : memref<!tpu.dma_semaphore, #tpu.memory_space<semaphore_mem>>) src(%arg12 : memref<32x128xf32, #tpu.memory_space<vmem>>) dst(%dma_wait3A_172 : memref<10128x128xf32, #tpu.memory_space<vmem_shared>>)
      %dma_wait3A_173 = arith.constant 38 : i32
      %dma_wait3A_174 = arith.constant 0 : i32
      %dma_wait3A_175 = tpu.memref_slice %arg9[%dma_wait3A_173, %dma_wait3A_174] : memref<40x32xi32, #tpu.memory_space<vmem>> -> memref<1x32xi32, #tpu.memory_space<vmem>>
      %dma_wait3A_176 = tpu.memref_squeeze %dma_wait3A_175 : memref<1x32xi32, #tpu.memory_space<vmem>> -> memref<32xi32, #tpu.memory_space<vmem>>
      %dma_wait3A_177 = arith.constant 0 : i32
      %dma_wait3A_178 = arith.constant 0 : i32
      %dma_wait3A_179 = tpu.memref_slice %arg25[%dma_wait3A_177, %dma_wait3A_178] : memref<10128x128xf32, #tpu.memory_space<vmem_shared>> -> memref<10128x128xf32, #tpu.memory_space<vmem_shared>>
      tpu.wait_indirect_dma semaphore(%arg23 : memref<!tpu.dma_semaphore, #tpu.memory_space<semaphore_mem>>) src(%arg13 : memref<32x128xf32, #tpu.memory_space<vmem>>) dst(%dma_wait3A_179 : memref<10128x128xf32, #tpu.memory_space<vmem_shared>>)
      %dma_wait3A_180 = arith.constant 39 : i32
      %dma_wait3A_181 = arith.constant 0 : i32
      %dma_wait3A_182 = tpu.memref_slice %arg9[%dma_wait3A_180, %dma_wait3A_181] : memref<40x32xi32, #tpu.memory_space<vmem>> -> memref<1x32xi32, #tpu.memory_space<vmem>>
      %dma_wait3A_183 = tpu.memref_squeeze %dma_wait3A_182 : memref<1x32xi32, #tpu.memory_space<vmem>> -> memref<32xi32, #tpu.memory_space<vmem>>
      %dma_wait3A_184 = arith.constant 0 : i32
      %dma_wait3A_185 = arith.constant 0 : i32
      %dma_wait3A_186 = tpu.memref_slice %arg25[%dma_wait3A_184, %dma_wait3A_185] : memref<10128x128xf32, #tpu.memory_space<vmem_shared>> -> memref<10128x128xf32, #tpu.memory_space<vmem_shared>>
      tpu.wait_indirect_dma semaphore(%arg24 : memref<!tpu.dma_semaphore, #tpu.memory_space<semaphore_mem>>) src(%arg14 : memref<32x128xf32, #tpu.memory_space<vmem>>) dst(%dma_wait3A_186 : memref<10128x128xf32, #tpu.memory_space<vmem_shared>>)
    }
    %scan3A_16 = arith.constant 16 : i32
    %barrier3A_17 = arith.constant 0 : index
    tpu.barrier barrier_id(%barrier3A_17)
    %eq3A_18 = arith.constant 0 : i32
    %eq3A_19 = arith.cmpi eq, %arg0, %eq3A_18 : i32
    %lt3A_20 = arith.constant 10 : i32
    %lt3A_21 = arith.cmpi slt, %arg1, %lt3A_20 : i32
    %and3A = arith.andi %eq3A_19, %lt3A_21 : i1
    %convert_element_type3A_22 = arith.extui %and3A : i1 to i32
    %cond3A_23 = arith.constant 0 : i32
    %cond3A_24 = arith.cmpi ne, %convert_element_type3A_22, %cond3A_23 : i32
    scf.if %cond3A_24 {
      %mul3A_33 = arith.constant 1000 : i32
      %mul3A_34 = arith.muli %arg1, %mul3A_33 : i32
      "tpu.region"() ({
        %run_scoped3A = tpu.sem_alloc : memref<!tpu.dma_semaphore, #tpu.memory_space<semaphore_mem>>
        %dma_start3A = arith.constant 0 : i32
        %dma_start3A_35 = tpu.memref_slice %arg6[%mul3A_34, %dma_start3A] : memref<10000x128xf32, #tpu.memory_space<hbm>> -> memref<1000x128xf32, #tpu.memory_space<hbm>>
        %dma_start3A_36 = arith.constant 0 : i32
        %dma_start3A_37 = tpu.memref_slice %arg25[%mul3A_34, %dma_start3A_36] : memref<10128x128xf32, #tpu.memory_space<vmem_shared>> -> memref<1000x128xf32, #tpu.memory_space<vmem_shared>>
        tpu.enqueue_dma source(%dma_start3A_37 : memref<1000x128xf32, #tpu.memory_space<vmem_shared>>) target(%dma_start3A_35 : memref<1000x128xf32, #tpu.memory_space<hbm>>) target_semaphore(%run_scoped3A : memref<!tpu.dma_semaphore, #tpu.memory_space<semaphore_mem>>)
        %dma_wait3A = arith.constant 0 : i32
        %dma_wait3A_38 = tpu.memref_slice %arg6[%mul3A_34, %dma_wait3A] : memref<10000x128xf32, #tpu.memory_space<hbm>> -> memref<1000x128xf32, #tpu.memory_space<hbm>>
        %dma_wait3A_39 = arith.constant 0 : i32
        %dma_wait3A_40 = tpu.memref_slice %arg25[%mul3A_34, %dma_wait3A_39] : memref<10128x128xf32, #tpu.memory_space<vmem_shared>> -> memref<1000x128xf32, #tpu.memory_space<vmem_shared>>
        tpu.wait_dma2 semaphore(%run_scoped3A : memref<!tpu.dma_semaphore, #tpu.memory_space<semaphore_mem>>) src(%dma_wait3A_40 : memref<1000x128xf32, #tpu.memory_space<vmem_shared>>) dst(%dma_wait3A_38 : memref<1000x128xf32, #tpu.memory_space<hbm>>)
        tpu.yield
      }) : () -> ()
    } else {
    }
    %eq3A_25 = arith.constant 1 : i32
    %eq3A_26 = arith.cmpi eq, %arg0, %eq3A_25 : i32
    %lt3A_27 = arith.constant 10 : i32
    %lt3A_28 = arith.cmpi slt, %arg1, %lt3A_27 : i32
    %and3A_29 = arith.andi %eq3A_26, %lt3A_28 : i1
    %convert_element_type3A_30 = arith.extui %and3A_29 : i1 to i32
    %cond3A_31 = arith.constant 0 : i32
    %cond3A_32 = arith.cmpi ne, %convert_element_type3A_30, %cond3A_31 : i32
    scf.if %cond3A_32 {
      %mul3A_33 = arith.constant 1000 : i32
      %mul3A_34 = arith.muli %arg1, %mul3A_33 : i32
      "tpu.region"() ({
        %run_scoped3A = tpu.sem_alloc : memref<!tpu.dma_semaphore, #tpu.memory_space<semaphore_mem>>
        %dma_start3A = arith.constant 0 : i32
        %dma_start3A_35 = tpu.memref_slice %arg7[%mul3A_34, %dma_start3A] : memref<10000x128xf32, #tpu.memory_space<hbm>> -> memref<1000x128xf32, #tpu.memory_space<hbm>>
        %dma_start3A_36 = arith.constant 0 : i32
        %dma_start3A_37 = tpu.memref_slice %arg25[%mul3A_34, %dma_start3A_36] : memref<10128x128xf32, #tpu.memory_space<vmem_shared>> -> memref<1000x128xf32, #tpu.memory_space<vmem_shared>>
        tpu.enqueue_dma source(%dma_start3A_37 : memref<1000x128xf32, #tpu.memory_space<vmem_shared>>) target(%dma_start3A_35 : memref<1000x128xf32, #tpu.memory_space<hbm>>) target_semaphore(%run_scoped3A : memref<!tpu.dma_semaphore, #tpu.memory_space<semaphore_mem>>)
        %dma_wait3A = arith.constant 0 : i32
        %dma_wait3A_38 = tpu.memref_slice %arg7[%mul3A_34, %dma_wait3A] : memref<10000x128xf32, #tpu.memory_space<hbm>> -> memref<1000x128xf32, #tpu.memory_space<hbm>>
        %dma_wait3A_39 = arith.constant 0 : i32
        %dma_wait3A_40 = tpu.memref_slice %arg25[%mul3A_34, %dma_wait3A_39] : memref<10128x128xf32, #tpu.memory_space<vmem_shared>> -> memref<1000x128xf32, #tpu.memory_space<vmem_shared>>
        tpu.wait_dma2 semaphore(%run_scoped3A : memref<!tpu.dma_semaphore, #tpu.memory_space<semaphore_mem>>) src(%dma_wait3A_40 : memref<1000x128xf32, #tpu.memory_space<vmem_shared>>) dst(%dma_wait3A_38 : memref<1000x128xf32, #tpu.memory_space<hbm>>)
        tpu.yield
      }) : () -> ()
    } else {
    }
    return
  }
}

#map = affine_map<(d0, d1) -> (0, 0)>
module attributes {stable_mosaic.version = 14 : i64} {
  func.func @_deg(%arg0: i32, %arg1: i32, %arg2: memref<10240x32xi32, #tpu.memory_space<hbm>>, %arg3: memref<10128x128xf32, #tpu.memory_space<hbm>>, %arg4: memref<32x128xf32, #tpu.memory_space<hbm>>, %arg5: memref<10000x128xf32, #tpu.memory_space<hbm>>, %arg6: memref<10000x128xf32, #tpu.memory_space<hbm>>, %arg7: memref<40x32xi32, #tpu.memory_space<vmem>>, %arg8: memref<32x128xf32, #tpu.memory_space<vmem>>, %arg9: memref<!tpu.dma_semaphore, #tpu.memory_space<semaphore_mem>>, %arg10: memref<10128x128xf32, #tpu.memory_space<vmem_shared>>) attributes {dimension_semantics = [#tpu.dimension_semantics<core_parallel>, #tpu.dimension_semantics<subcore_parallel>], iteration_bounds = array<i64: 2, 16>, scalar_prefetch = 0 : i64, scratch_operands = 4 : i64, tpu.core_type = #tpu.core_type<sc_vector_subcore>, window_params = [{transform_indices = #map}, {transform_indices = #map}, {transform_indices = #map}, {transform_indices = #map}, {transform_indices = #map}]} {
    %lt3A = arith.constant 10 : i32
    %lt3A_0 = arith.cmpi slt, %arg1, %lt3A : i32
    %convert_element_type3A = arith.extui %lt3A_0 : i1 to i32
    %cond3A = arith.constant 0 : i32
    %cond3A_1 = arith.cmpi ne, %convert_element_type3A, %cond3A : i32
    scf.if %cond3A_1 {
      %mul3A_29 = arith.constant 1000 : i32
      %mul3A_30 = arith.muli %arg1, %mul3A_29 : i32
      "tpu.region"() ({
        %run_scoped3A = tpu.sem_alloc : memref<!tpu.dma_semaphore, #tpu.memory_space<semaphore_mem>>
        %dma_start3A = arith.constant 0 : i32
        %dma_start3A_31 = tpu.memref_slice %arg10[%mul3A_30, %dma_start3A] : memref<10128x128xf32, #tpu.memory_space<vmem_shared>> -> memref<1000x128xf32, #tpu.memory_space<vmem_shared>>
        %dma_start3A_32 = arith.constant 0 : i32
        %dma_start3A_33 = tpu.memref_slice %arg3[%mul3A_30, %dma_start3A_32] : memref<10128x128xf32, #tpu.memory_space<hbm>> -> memref<1000x128xf32, #tpu.memory_space<hbm>>
        tpu.enqueue_dma source(%dma_start3A_33 : memref<1000x128xf32, #tpu.memory_space<hbm>>) target(%dma_start3A_31 : memref<1000x128xf32, #tpu.memory_space<vmem_shared>>) target_semaphore(%run_scoped3A : memref<!tpu.dma_semaphore, #tpu.memory_space<semaphore_mem>>)
        %dma_wait3A = arith.constant 0 : i32
        %dma_wait3A_34 = tpu.memref_slice %arg10[%mul3A_30, %dma_wait3A] : memref<10128x128xf32, #tpu.memory_space<vmem_shared>> -> memref<1000x128xf32, #tpu.memory_space<vmem_shared>>
        %dma_wait3A_35 = arith.constant 0 : i32
        %dma_wait3A_36 = tpu.memref_slice %arg3[%mul3A_30, %dma_wait3A_35] : memref<10128x128xf32, #tpu.memory_space<hbm>> -> memref<1000x128xf32, #tpu.memory_space<hbm>>
        tpu.wait_dma2 semaphore(%run_scoped3A : memref<!tpu.dma_semaphore, #tpu.memory_space<semaphore_mem>>) src(%dma_wait3A_36 : memref<1000x128xf32, #tpu.memory_space<hbm>>) dst(%dma_wait3A_34 : memref<1000x128xf32, #tpu.memory_space<vmem_shared>>)
        tpu.yield
      }) : () -> ()
    } else {
    }
    %eq3A = arith.constant 10 : i32
    %eq3A_2 = arith.cmpi eq, %arg1, %eq3A : i32
    %convert_element_type3A_3 = arith.extui %eq3A_2 : i1 to i32
    %cond3A_4 = arith.constant 0 : i32
    %cond3A_5 = arith.cmpi ne, %convert_element_type3A_3, %cond3A_4 : i32
    scf.if %cond3A_5 {
      "tpu.region"() ({
        %run_scoped3A = tpu.sem_alloc : memref<!tpu.dma_semaphore, #tpu.memory_space<semaphore_mem>>
        %dma_start3A = arith.constant 10000 : i32
        %dma_start3A_29 = arith.constant 0 : i32
        %dma_start3A_30 = tpu.memref_slice %arg10[%dma_start3A, %dma_start3A_29] : memref<10128x128xf32, #tpu.memory_space<vmem_shared>> -> memref<128x128xf32, #tpu.memory_space<vmem_shared>>
        %dma_start3A_31 = arith.constant 10000 : i32
        %dma_start3A_32 = arith.constant 0 : i32
        %dma_start3A_33 = tpu.memref_slice %arg3[%dma_start3A_31, %dma_start3A_32] : memref<10128x128xf32, #tpu.memory_space<hbm>> -> memref<128x128xf32, #tpu.memory_space<hbm>>
        tpu.enqueue_dma source(%dma_start3A_33 : memref<128x128xf32, #tpu.memory_space<hbm>>) target(%dma_start3A_30 : memref<128x128xf32, #tpu.memory_space<vmem_shared>>) target_semaphore(%run_scoped3A : memref<!tpu.dma_semaphore, #tpu.memory_space<semaphore_mem>>)
        %dma_wait3A = arith.constant 10000 : i32
        %dma_wait3A_34 = arith.constant 0 : i32
        %dma_wait3A_35 = tpu.memref_slice %arg10[%dma_wait3A, %dma_wait3A_34] : memref<10128x128xf32, #tpu.memory_space<vmem_shared>> -> memref<128x128xf32, #tpu.memory_space<vmem_shared>>
        %dma_wait3A_36 = arith.constant 10000 : i32
        %dma_wait3A_37 = arith.constant 0 : i32
        %dma_wait3A_38 = tpu.memref_slice %arg3[%dma_wait3A_36, %dma_wait3A_37] : memref<10128x128xf32, #tpu.memory_space<hbm>> -> memref<128x128xf32, #tpu.memory_space<hbm>>
        tpu.wait_dma2 semaphore(%run_scoped3A : memref<!tpu.dma_semaphore, #tpu.memory_space<semaphore_mem>>) src(%dma_wait3A_38 : memref<128x128xf32, #tpu.memory_space<hbm>>) dst(%dma_wait3A_35 : memref<128x128xf32, #tpu.memory_space<vmem_shared>>)
        tpu.yield
      }) : () -> ()
    } else {
    }
    "tpu.region"() ({
      %run_scoped3A = tpu.sem_alloc : memref<!tpu.dma_semaphore, #tpu.memory_space<semaphore_mem>>
      tpu.enqueue_dma source(%arg4 : memref<32x128xf32, #tpu.memory_space<hbm>>) target(%arg8 : memref<32x128xf32, #tpu.memory_space<vmem>>) target_semaphore(%run_scoped3A : memref<!tpu.dma_semaphore, #tpu.memory_space<semaphore_mem>>)
      tpu.wait_dma2 semaphore(%run_scoped3A : memref<!tpu.dma_semaphore, #tpu.memory_space<semaphore_mem>>) src(%arg4 : memref<32x128xf32, #tpu.memory_space<hbm>>) dst(%arg8 : memref<32x128xf32, #tpu.memory_space<vmem>>)
      tpu.yield
    }) : () -> ()
    %mul3A = arith.constant 16 : i32
    %mul3A_6 = arith.muli %arg0, %mul3A : i32
    %add3A = arith.addi %mul3A_6, %arg1 : i32
    %mul3A_7 = arith.constant 320 : i32
    %mul3A_8 = arith.muli %add3A, %mul3A_7 : i32
    %barrier3A = arith.constant 0 : index
    tpu.barrier barrier_id(%barrier3A)
    %scan3A = arith.constant 0 : i32
    %scan3A_9 = arith.constant 8 : i32
    %scan3A_10 = arith.addi %scan3A, %scan3A_9 : i32
    %scan3A_11 = arith.constant 1 : i32
    scf.for %scan3A_29 = %scan3A to %scan3A_10 step %scan3A_11  : i32 {
      %mul3A_30 = arith.constant 1 : i32
      %mul3A_31 = arith.muli %scan3A_29, %mul3A_30 : i32
      %add3A_32 = arith.constant 0 : i32
      %add3A_33 = arith.addi %add3A_32, %mul3A_31 : i32
      %mul3A_34 = arith.constant 40 : i32
      %mul3A_35 = arith.muli %add3A_33, %mul3A_34 : i32
      %add3A_36 = arith.addi %mul3A_8, %mul3A_35 : i32
      "tpu.region"() ({
        %run_scoped3A = tpu.sem_alloc : memref<!tpu.dma_semaphore, #tpu.memory_space<semaphore_mem>>
        %dma_start3A = arith.constant 0 : i32
        %dma_start3A_47 = tpu.memref_slice %arg2[%add3A_36, %dma_start3A] : memref<10240x32xi32, #tpu.memory_space<hbm>> -> memref<40x32xi32, #tpu.memory_space<hbm>>
        %dma_start3A_48 = arith.constant 0 : i32
        %dma_start3A_49 = tpu.memref_slice %arg2[%add3A_36, %dma_start3A_48] : memref<10240x32xi32, #tpu.memory_space<hbm>> -> memref<40x32xi32, #tpu.memory_space<hbm>>
        tpu.enqueue_dma source(%dma_start3A_49 : memref<40x32xi32, #tpu.memory_space<hbm>>) target(%arg7 : memref<40x32xi32, #tpu.memory_space<vmem>>) target_semaphore(%run_scoped3A : memref<!tpu.dma_semaphore, #tpu.memory_space<semaphore_mem>>)
        %dma_wait3A = arith.constant 0 : i32
        %dma_wait3A_50 = tpu.memref_slice %arg2[%add3A_36, %dma_wait3A] : memref<10240x32xi32, #tpu.memory_space<hbm>> -> memref<40x32xi32, #tpu.memory_space<hbm>>
        %dma_wait3A_51 = arith.constant 0 : i32
        %dma_wait3A_52 = tpu.memref_slice %arg2[%add3A_36, %dma_wait3A_51] : memref<10240x32xi32, #tpu.memory_space<hbm>> -> memref<40x32xi32, #tpu.memory_space<hbm>>
        tpu.wait_dma2 semaphore(%run_scoped3A : memref<!tpu.dma_semaphore, #tpu.memory_space<semaphore_mem>>) src(%dma_wait3A_52 : memref<40x32xi32, #tpu.memory_space<hbm>>) dst(%arg7 : memref<40x32xi32, #tpu.memory_space<vmem>>)
        tpu.yield
      }) : () -> ()
      %scan3A_37 = arith.constant 0 : i32
      %scan3A_38 = arith.constant 40 : i32
      %scan3A_39 = arith.addi %scan3A_37, %scan3A_38 : i32
      %scan3A_40 = arith.constant 1 : i32
      scf.for %scan3A_47 = %scan3A_37 to %scan3A_39 step %scan3A_40  : i32 {
        %mul3A_48 = arith.constant 1 : i32
        %mul3A_49 = arith.muli %scan3A_47, %mul3A_48 : i32
        %add3A_50 = arith.constant 0 : i32
        %add3A_51 = arith.addi %add3A_50, %mul3A_49 : i32
        %dma_start3A = arith.constant 0 : i32
        %dma_start3A_52 = tpu.memref_slice %arg7[%add3A_51, %dma_start3A] : memref<40x32xi32, #tpu.memory_space<vmem>> -> memref<1x32xi32, #tpu.memory_space<vmem>>
        %dma_start3A_53 = tpu.memref_squeeze %dma_start3A_52 : memref<1x32xi32, #tpu.memory_space<vmem>> -> memref<32xi32, #tpu.memory_space<vmem>>
        %dma_start3A_54 = arith.constant 0 : i32
        %dma_start3A_55 = arith.constant 0 : i32
        %dma_start3A_56 = tpu.memref_slice %arg10[%dma_start3A_54, %dma_start3A_55] : memref<10128x128xf32, #tpu.memory_space<vmem_shared>> -> memref<10128x128xf32, #tpu.memory_space<vmem_shared>>
        tpu.enqueue_indirect_dma source(%arg8 : memref<32x128xf32, #tpu.memory_space<vmem>>) target(%dma_start3A_56 : memref<10128x128xf32, #tpu.memory_space<vmem_shared>>) offsets(%dma_start3A_53 : memref<32xi32, #tpu.memory_space<vmem>>) semaphore(%arg9 : memref<!tpu.dma_semaphore, #tpu.memory_space<semaphore_mem>>) {add = true}
      }
      %scan3A_41 = arith.constant 40 : i32
      %scan3A_42 = arith.constant 0 : i32
      %scan3A_43 = arith.constant 40 : i32
      %scan3A_44 = arith.addi %scan3A_42, %scan3A_43 : i32
      %scan3A_45 = arith.constant 1 : i32
      scf.for %scan3A_47 = %scan3A_42 to %scan3A_44 step %scan3A_45  : i32 {
        %mul3A_48 = arith.constant 1 : i32
        %mul3A_49 = arith.muli %scan3A_47, %mul3A_48 : i32
        %add3A_50 = arith.constant 0 : i32
        %add3A_51 = arith.addi %add3A_50, %mul3A_49 : i32
        %dma_wait3A = arith.constant 0 : i32
        %dma_wait3A_52 = tpu.memref_slice %arg7[%add3A_51, %dma_wait3A] : memref<40x32xi32, #tpu.memory_space<vmem>> -> memref<1x32xi32, #tpu.memory_space<vmem>>
        %dma_wait3A_53 = tpu.memref_squeeze %dma_wait3A_52 : memref<1x32xi32, #tpu.memory_space<vmem>> -> memref<32xi32, #tpu.memory_space<vmem>>
        %dma_wait3A_54 = arith.constant 0 : i32
        %dma_wait3A_55 = arith.constant 0 : i32
        %dma_wait3A_56 = tpu.memref_slice %arg10[%dma_wait3A_54, %dma_wait3A_55] : memref<10128x128xf32, #tpu.memory_space<vmem_shared>> -> memref<10128x128xf32, #tpu.memory_space<vmem_shared>>
        tpu.wait_indirect_dma semaphore(%arg9 : memref<!tpu.dma_semaphore, #tpu.memory_space<semaphore_mem>>) src(%arg8 : memref<32x128xf32, #tpu.memory_space<vmem>>) dst(%dma_wait3A_56 : memref<10128x128xf32, #tpu.memory_space<vmem_shared>>)
      }
      %scan3A_46 = arith.constant 40 : i32
    }
    %scan3A_12 = arith.constant 8 : i32
    %barrier3A_13 = arith.constant 0 : index
    tpu.barrier barrier_id(%barrier3A_13)
    %eq3A_14 = arith.constant 0 : i32
    %eq3A_15 = arith.cmpi eq, %arg0, %eq3A_14 : i32
    %lt3A_16 = arith.constant 10 : i32
    %lt3A_17 = arith.cmpi slt, %arg1, %lt3A_16 : i32
    %and3A = arith.andi %eq3A_15, %lt3A_17 : i1
    %convert_element_type3A_18 = arith.extui %and3A : i1 to i32
    %cond3A_19 = arith.constant 0 : i32
    %cond3A_20 = arith.cmpi ne, %convert_element_type3A_18, %cond3A_19 : i32
    scf.if %cond3A_20 {
      %mul3A_29 = arith.constant 1000 : i32
      %mul3A_30 = arith.muli %arg1, %mul3A_29 : i32
      "tpu.region"() ({
        %run_scoped3A = tpu.sem_alloc : memref<!tpu.dma_semaphore, #tpu.memory_space<semaphore_mem>>
        %dma_start3A = arith.constant 0 : i32
        %dma_start3A_31 = tpu.memref_slice %arg5[%mul3A_30, %dma_start3A] : memref<10000x128xf32, #tpu.memory_space<hbm>> -> memref<1000x128xf32, #tpu.memory_space<hbm>>
        %dma_start3A_32 = arith.constant 0 : i32
        %dma_start3A_33 = tpu.memref_slice %arg10[%mul3A_30, %dma_start3A_32] : memref<10128x128xf32, #tpu.memory_space<vmem_shared>> -> memref<1000x128xf32, #tpu.memory_space<vmem_shared>>
        tpu.enqueue_dma source(%dma_start3A_33 : memref<1000x128xf32, #tpu.memory_space<vmem_shared>>) target(%dma_start3A_31 : memref<1000x128xf32, #tpu.memory_space<hbm>>) target_semaphore(%run_scoped3A : memref<!tpu.dma_semaphore, #tpu.memory_space<semaphore_mem>>)
        %dma_wait3A = arith.constant 0 : i32
        %dma_wait3A_34 = tpu.memref_slice %arg5[%mul3A_30, %dma_wait3A] : memref<10000x128xf32, #tpu.memory_space<hbm>> -> memref<1000x128xf32, #tpu.memory_space<hbm>>
        %dma_wait3A_35 = arith.constant 0 : i32
        %dma_wait3A_36 = tpu.memref_slice %arg10[%mul3A_30, %dma_wait3A_35] : memref<10128x128xf32, #tpu.memory_space<vmem_shared>> -> memref<1000x128xf32, #tpu.memory_space<vmem_shared>>
        tpu.wait_dma2 semaphore(%run_scoped3A : memref<!tpu.dma_semaphore, #tpu.memory_space<semaphore_mem>>) src(%dma_wait3A_36 : memref<1000x128xf32, #tpu.memory_space<vmem_shared>>) dst(%dma_wait3A_34 : memref<1000x128xf32, #tpu.memory_space<hbm>>)
        tpu.yield
      }) : () -> ()
    } else {
    }
    %eq3A_21 = arith.constant 1 : i32
    %eq3A_22 = arith.cmpi eq, %arg0, %eq3A_21 : i32
    %lt3A_23 = arith.constant 10 : i32
    %lt3A_24 = arith.cmpi slt, %arg1, %lt3A_23 : i32
    %and3A_25 = arith.andi %eq3A_22, %lt3A_24 : i1
    %convert_element_type3A_26 = arith.extui %and3A_25 : i1 to i32
    %cond3A_27 = arith.constant 0 : i32
    %cond3A_28 = arith.cmpi ne, %convert_element_type3A_26, %cond3A_27 : i32
    scf.if %cond3A_28 {
      %mul3A_29 = arith.constant 1000 : i32
      %mul3A_30 = arith.muli %arg1, %mul3A_29 : i32
      "tpu.region"() ({
        %run_scoped3A = tpu.sem_alloc : memref<!tpu.dma_semaphore, #tpu.memory_space<semaphore_mem>>
        %dma_start3A = arith.constant 0 : i32
        %dma_start3A_31 = tpu.memref_slice %arg6[%mul3A_30, %dma_start3A] : memref<10000x128xf32, #tpu.memory_space<hbm>> -> memref<1000x128xf32, #tpu.memory_space<hbm>>
        %dma_start3A_32 = arith.constant 0 : i32
        %dma_start3A_33 = tpu.memref_slice %arg10[%mul3A_30, %dma_start3A_32] : memref<10128x128xf32, #tpu.memory_space<vmem_shared>> -> memref<1000x128xf32, #tpu.memory_space<vmem_shared>>
        tpu.enqueue_dma source(%dma_start3A_33 : memref<1000x128xf32, #tpu.memory_space<vmem_shared>>) target(%dma_start3A_31 : memref<1000x128xf32, #tpu.memory_space<hbm>>) target_semaphore(%run_scoped3A : memref<!tpu.dma_semaphore, #tpu.memory_space<semaphore_mem>>)
        %dma_wait3A = arith.constant 0 : i32
        %dma_wait3A_34 = tpu.memref_slice %arg6[%mul3A_30, %dma_wait3A] : memref<10000x128xf32, #tpu.memory_space<hbm>> -> memref<1000x128xf32, #tpu.memory_space<hbm>>
        %dma_wait3A_35 = arith.constant 0 : i32
        %dma_wait3A_36 = tpu.memref_slice %arg10[%mul3A_30, %dma_wait3A_35] : memref<10128x128xf32, #tpu.memory_space<vmem_shared>> -> memref<1000x128xf32, #tpu.memory_space<vmem_shared>>
        tpu.wait_dma2 semaphore(%run_scoped3A : memref<!tpu.dma_semaphore, #tpu.memory_space<semaphore_mem>>) src(%dma_wait3A_36 : memref<1000x128xf32, #tpu.memory_space<vmem_shared>>) dst(%dma_wait3A_34 : memref<1000x128xf32, #tpu.memory_space<hbm>>)
        tpu.yield
      }) : () -> ()
    } else {
    }
    return
  }
}

#map = affine_map<(d0, d1) -> (0, 0)>
module attributes {stable_mosaic.version = 14 : i64} {
  func.func @agg(%arg0: i32, %arg1: i32, %arg2: memref<10000x128xf32, #tpu.memory_space<hbm>>, %arg3: memref<10240x32xi32, #tpu.memory_space<hbm>>, %arg4: memref<10240x32xi32, #tpu.memory_space<hbm>>, %arg5: memref<10128x128xf32, #tpu.memory_space<hbm>>, %arg6: memref<10000x128xf32, #tpu.memory_space<hbm>>, %arg7: memref<10000x128xf32, #tpu.memory_space<hbm>>, %arg8: memref<40x32xi32, #tpu.memory_space<vmem>>, %arg9: memref<40x32xi32, #tpu.memory_space<vmem>>, %arg10: memref<32x128xf32, #tpu.memory_space<vmem>>, %arg11: memref<32x128xf32, #tpu.memory_space<vmem>>, %arg12: memref<32x128xf32, #tpu.memory_space<vmem>>, %arg13: memref<32x128xf32, #tpu.memory_space<vmem>>, %arg14: memref<32x128xf32, #tpu.memory_space<vmem>>, %arg15: memref<!tpu.dma_semaphore, #tpu.memory_space<semaphore_mem>>, %arg16: memref<!tpu.dma_semaphore, #tpu.memory_space<semaphore_mem>>, %arg17: memref<!tpu.dma_semaphore, #tpu.memory_space<semaphore_mem>>, %arg18: memref<!tpu.dma_semaphore, #tpu.memory_space<semaphore_mem>>, %arg19: memref<!tpu.dma_semaphore, #tpu.memory_space<semaphore_mem>>, %arg20: memref<!tpu.dma_semaphore, #tpu.memory_space<semaphore_mem>>, %arg21: memref<!tpu.dma_semaphore, #tpu.memory_space<semaphore_mem>>, %arg22: memref<!tpu.dma_semaphore, #tpu.memory_space<semaphore_mem>>, %arg23: memref<!tpu.dma_semaphore, #tpu.memory_space<semaphore_mem>>, %arg24: memref<!tpu.dma_semaphore, #tpu.memory_space<semaphore_mem>>, %arg25: memref<10128x128xf32, #tpu.memory_space<vmem_shared>>) attributes {dimension_semantics = [#tpu.dimension_semantics<core_parallel>, #tpu.dimension_semantics<subcore_parallel>], iteration_bounds = array<i64: 2, 16>, scalar_prefetch = 0 : i64, scratch_operands = 18 : i64, tpu.core_type = #tpu.core_type<sc_vector_subcore>, window_params = [{transform_indices = #map}, {transform_indices = #map}, {transform_indices = #map}, {transform_indices = #map}, {transform_indices = #map}, {transform_indices = #map}]} {
    %lt3A = arith.constant 10 : i32
    %lt3A_0 = arith.cmpi slt, %arg1, %lt3A : i32
    %convert_element_type3A = arith.extui %lt3A_0 : i1 to i32
    %cond3A = arith.constant 0 : i32
    %cond3A_1 = arith.cmpi ne, %convert_element_type3A, %cond3A : i32
    scf.if %cond3A_1 {
      %mul3A_36 = arith.constant 1000 : i32
      %mul3A_37 = arith.muli %arg1, %mul3A_36 : i32
      "tpu.region"() ({
        %run_scoped3A = tpu.sem_alloc : memref<!tpu.dma_semaphore, #tpu.memory_space<semaphore_mem>>
        %dma_start3A = arith.constant 0 : i32
        %dma_start3A_38 = tpu.memref_slice %arg25[%mul3A_37, %dma_start3A] : memref<10128x128xf32, #tpu.memory_space<vmem_shared>> -> memref<1000x128xf32, #tpu.memory_space<vmem_shared>>
        %dma_start3A_39 = arith.constant 0 : i32
        %dma_start3A_40 = tpu.memref_slice %arg5[%mul3A_37, %dma_start3A_39] : memref<10128x128xf32, #tpu.memory_space<hbm>> -> memref<1000x128xf32, #tpu.memory_space<hbm>>
        tpu.enqueue_dma source(%dma_start3A_40 : memref<1000x128xf32, #tpu.memory_space<hbm>>) target(%dma_start3A_38 : memref<1000x128xf32, #tpu.memory_space<vmem_shared>>) target_semaphore(%run_scoped3A : memref<!tpu.dma_semaphore, #tpu.memory_space<semaphore_mem>>)
        %dma_wait3A = arith.constant 0 : i32
        %dma_wait3A_41 = tpu.memref_slice %arg25[%mul3A_37, %dma_wait3A] : memref<10128x128xf32, #tpu.memory_space<vmem_shared>> -> memref<1000x128xf32, #tpu.memory_space<vmem_shared>>
        %dma_wait3A_42 = arith.constant 0 : i32
        %dma_wait3A_43 = tpu.memref_slice %arg5[%mul3A_37, %dma_wait3A_42] : memref<10128x128xf32, #tpu.memory_space<hbm>> -> memref<1000x128xf32, #tpu.memory_space<hbm>>
        tpu.wait_dma2 semaphore(%run_scoped3A : memref<!tpu.dma_semaphore, #tpu.memory_space<semaphore_mem>>) src(%dma_wait3A_43 : memref<1000x128xf32, #tpu.memory_space<hbm>>) dst(%dma_wait3A_41 : memref<1000x128xf32, #tpu.memory_space<vmem_shared>>)
        tpu.yield
      }) : () -> ()
    } else {
    }
    %eq3A = arith.constant 10 : i32
    %eq3A_2 = arith.cmpi eq, %arg1, %eq3A : i32
    %convert_element_type3A_3 = arith.extui %eq3A_2 : i1 to i32
    %cond3A_4 = arith.constant 0 : i32
    %cond3A_5 = arith.cmpi ne, %convert_element_type3A_3, %cond3A_4 : i32
    scf.if %cond3A_5 {
      "tpu.region"() ({
        %run_scoped3A = tpu.sem_alloc : memref<!tpu.dma_semaphore, #tpu.memory_space<semaphore_mem>>
        %dma_start3A = arith.constant 10000 : i32
        %dma_start3A_36 = arith.constant 0 : i32
        %dma_start3A_37 = tpu.memref_slice %arg25[%dma_start3A, %dma_start3A_36] : memref<10128x128xf32, #tpu.memory_space<vmem_shared>> -> memref<128x128xf32, #tpu.memory_space<vmem_shared>>
        %dma_start3A_38 = arith.constant 10000 : i32
        %dma_start3A_39 = arith.constant 0 : i32
        %dma_start3A_40 = tpu.memref_slice %arg5[%dma_start3A_38, %dma_start3A_39] : memref<10128x128xf32, #tpu.memory_space<hbm>> -> memref<128x128xf32, #tpu.memory_space<hbm>>
        tpu.enqueue_dma source(%dma_start3A_40 : memref<128x128xf32, #tpu.memory_space<hbm>>) target(%dma_start3A_37 : memref<128x128xf32, #tpu.memory_space<vmem_shared>>) target_semaphore(%run_scoped3A : memref<!tpu.dma_semaphore, #tpu.memory_space<semaphore_mem>>)
        %dma_wait3A = arith.constant 10000 : i32
        %dma_wait3A_41 = arith.constant 0 : i32
        %dma_wait3A_42 = tpu.memref_slice %arg25[%dma_wait3A, %dma_wait3A_41] : memref<10128x128xf32, #tpu.memory_space<vmem_shared>> -> memref<128x128xf32, #tpu.memory_space<vmem_shared>>
        %dma_wait3A_43 = arith.constant 10000 : i32
        %dma_wait3A_44 = arith.constant 0 : i32
        %dma_wait3A_45 = tpu.memref_slice %arg5[%dma_wait3A_43, %dma_wait3A_44] : memref<10128x128xf32, #tpu.memory_space<hbm>> -> memref<128x128xf32, #tpu.memory_space<hbm>>
        tpu.wait_dma2 semaphore(%run_scoped3A : memref<!tpu.dma_semaphore, #tpu.memory_space<semaphore_mem>>) src(%dma_wait3A_45 : memref<128x128xf32, #tpu.memory_space<hbm>>) dst(%dma_wait3A_42 : memref<128x128xf32, #tpu.memory_space<vmem_shared>>)
        tpu.yield
      }) : () -> ()
    } else {
    }
    %mul3A = arith.constant 16 : i32
    %mul3A_6 = arith.muli %arg0, %mul3A : i32
    %add3A = arith.addi %mul3A_6, %arg1 : i32
    %mul3A_7 = arith.constant 320 : i32
    %mul3A_8 = arith.muli %add3A, %mul3A_7 : i32
    %mul3A_9 = arith.constant 16 : i32
    %mul3A_10 = arith.muli %arg0, %mul3A_9 : i32
    %mul3A_11 = arith.constant 320 : i32
    %mul3A_12 = arith.muli %mul3A_10, %mul3A_11 : i32
    %mul3A_13 = arith.constant 320 : i32
    %mul3A_14 = arith.muli %arg1, %mul3A_13 : i32
    %add3A_15 = arith.addi %mul3A_12, %mul3A_14 : i32
    %barrier3A = arith.constant 0 : index
    tpu.barrier barrier_id(%barrier3A)
    %scan3A = arith.constant 0 : i32
    %scan3A_16 = arith.constant 8 : i32
    %scan3A_17 = arith.addi %scan3A, %scan3A_16 : i32
    %scan3A_18 = arith.constant 1 : i32
    scf.for %scan3A_36 = %scan3A to %scan3A_17 step %scan3A_18  : i32 {
      %mul3A_37 = arith.constant 1 : i32
      %mul3A_38 = arith.muli %scan3A_36, %mul3A_37 : i32
      %add3A_39 = arith.constant 0 : i32
      %add3A_40 = arith.addi %add3A_39, %mul3A_38 : i32
      %mul3A_41 = arith.constant 40 : i32
      %mul3A_42 = arith.muli %add3A_40, %mul3A_41 : i32
      %add3A_43 = arith.addi %mul3A_8, %mul3A_42 : i32
      "tpu.region"() ({
        %run_scoped3A = tpu.sem_alloc : memref<!tpu.dma_semaphore, #tpu.memory_space<semaphore_mem>>
        %dma_start3A_190 = arith.constant 0 : i32
        %dma_start3A_191 = tpu.memref_slice %arg3[%add3A_43, %dma_start3A_190] : memref<10240x32xi32, #tpu.memory_space<hbm>> -> memref<40x32xi32, #tpu.memory_space<hbm>>
        %dma_start3A_192 = arith.constant 0 : i32
        %dma_start3A_193 = tpu.memref_slice %arg3[%add3A_43, %dma_start3A_192] : memref<10240x32xi32, #tpu.memory_space<hbm>> -> memref<40x32xi32, #tpu.memory_space<hbm>>
        tpu.enqueue_dma source(%dma_start3A_193 : memref<40x32xi32, #tpu.memory_space<hbm>>) target(%arg8 : memref<40x32xi32, #tpu.memory_space<vmem>>) target_semaphore(%run_scoped3A : memref<!tpu.dma_semaphore, #tpu.memory_space<semaphore_mem>>)
        %dma_wait3A_194 = arith.constant 0 : i32
        %dma_wait3A_195 = tpu.memref_slice %arg3[%add3A_43, %dma_wait3A_194] : memref<10240x32xi32, #tpu.memory_space<hbm>> -> memref<40x32xi32, #tpu.memory_space<hbm>>
        %dma_wait3A_196 = arith.constant 0 : i32
        %dma_wait3A_197 = tpu.memref_slice %arg3[%add3A_43, %dma_wait3A_196] : memref<10240x32xi32, #tpu.memory_space<hbm>> -> memref<40x32xi32, #tpu.memory_space<hbm>>
        tpu.wait_dma2 semaphore(%run_scoped3A : memref<!tpu.dma_semaphore, #tpu.memory_space<semaphore_mem>>) src(%dma_wait3A_197 : memref<40x32xi32, #tpu.memory_space<hbm>>) dst(%arg8 : memref<40x32xi32, #tpu.memory_space<vmem>>)
        tpu.yield
      }) : () -> ()
      %mul3A_44 = arith.constant 40 : i32
      %mul3A_45 = arith.muli %add3A_40, %mul3A_44 : i32
      %add3A_46 = arith.addi %add3A_15, %mul3A_45 : i32
      "tpu.region"() ({
        %run_scoped3A = tpu.sem_alloc : memref<!tpu.dma_semaphore, #tpu.memory_space<semaphore_mem>>
        %dma_start3A_190 = arith.constant 0 : i32
        %dma_start3A_191 = tpu.memref_slice %arg4[%add3A_46, %dma_start3A_190] : memref<10240x32xi32, #tpu.memory_space<hbm>> -> memref<40x32xi32, #tpu.memory_space<hbm>>
        %dma_start3A_192 = arith.constant 0 : i32
        %dma_start3A_193 = tpu.memref_slice %arg4[%add3A_46, %dma_start3A_192] : memref<10240x32xi32, #tpu.memory_space<hbm>> -> memref<40x32xi32, #tpu.memory_space<hbm>>
        tpu.enqueue_dma source(%dma_start3A_193 : memref<40x32xi32, #tpu.memory_space<hbm>>) target(%arg9 : memref<40x32xi32, #tpu.memory_space<vmem>>) target_semaphore(%run_scoped3A : memref<!tpu.dma_semaphore, #tpu.memory_space<semaphore_mem>>)
        %dma_wait3A_194 = arith.constant 0 : i32
        %dma_wait3A_195 = tpu.memref_slice %arg4[%add3A_46, %dma_wait3A_194] : memref<10240x32xi32, #tpu.memory_space<hbm>> -> memref<40x32xi32, #tpu.memory_space<hbm>>
        %dma_wait3A_196 = arith.constant 0 : i32
        %dma_wait3A_197 = tpu.memref_slice %arg4[%add3A_46, %dma_wait3A_196] : memref<10240x32xi32, #tpu.memory_space<hbm>> -> memref<40x32xi32, #tpu.memory_space<hbm>>
        tpu.wait_dma2 semaphore(%run_scoped3A : memref<!tpu.dma_semaphore, #tpu.memory_space<semaphore_mem>>) src(%dma_wait3A_197 : memref<40x32xi32, #tpu.memory_space<hbm>>) dst(%arg9 : memref<40x32xi32, #tpu.memory_space<vmem>>)
        tpu.yield
      }) : () -> ()
      %dma_start3A = arith.constant 0 : i32
      %dma_start3A_47 = arith.constant 0 : i32
      %dma_start3A_48 = tpu.memref_slice %arg8[%dma_start3A, %dma_start3A_47] : memref<40x32xi32, #tpu.memory_space<vmem>> -> memref<1x32xi32, #tpu.memory_space<vmem>>
      %dma_start3A_49 = tpu.memref_squeeze %dma_start3A_48 : memref<1x32xi32, #tpu.memory_space<vmem>> -> memref<32xi32, #tpu.memory_space<vmem>>
      %dma_start3A_50 = arith.constant 0 : i32
      %dma_start3A_51 = arith.constant 0 : i32
      %dma_start3A_52 = tpu.memref_slice %arg2[%dma_start3A_50, %dma_start3A_51] : memref<10000x128xf32, #tpu.memory_space<hbm>> -> memref<10000x128xf32, #tpu.memory_space<hbm>>
      tpu.enqueue_indirect_dma source(%dma_start3A_52 : memref<10000x128xf32, #tpu.memory_space<hbm>>) target(%arg10 : memref<32x128xf32, #tpu.memory_space<vmem>>) offsets(%dma_start3A_49 : memref<32xi32, #tpu.memory_space<vmem>>) semaphore(%arg15 : memref<!tpu.dma_semaphore, #tpu.memory_space<semaphore_mem>>)
      %dma_start3A_53 = arith.constant 1 : i32
      %dma_start3A_54 = arith.constant 0 : i32
      %dma_start3A_55 = tpu.memref_slice %arg8[%dma_start3A_53, %dma_start3A_54] : memref<40x32xi32, #tpu.memory_space<vmem>> -> memref<1x32xi32, #tpu.memory_space<vmem>>
      %dma_start3A_56 = tpu.memref_squeeze %dma_start3A_55 : memref<1x32xi32, #tpu.memory_space<vmem>> -> memref<32xi32, #tpu.memory_space<vmem>>
      %dma_start3A_57 = arith.constant 0 : i32
      %dma_start3A_58 = arith.constant 0 : i32
      %dma_start3A_59 = tpu.memref_slice %arg2[%dma_start3A_57, %dma_start3A_58] : memref<10000x128xf32, #tpu.memory_space<hbm>> -> memref<10000x128xf32, #tpu.memory_space<hbm>>
      tpu.enqueue_indirect_dma source(%dma_start3A_59 : memref<10000x128xf32, #tpu.memory_space<hbm>>) target(%arg11 : memref<32x128xf32, #tpu.memory_space<vmem>>) offsets(%dma_start3A_56 : memref<32xi32, #tpu.memory_space<vmem>>) semaphore(%arg16 : memref<!tpu.dma_semaphore, #tpu.memory_space<semaphore_mem>>)
      %dma_start3A_60 = arith.constant 2 : i32
      %dma_start3A_61 = arith.constant 0 : i32
      %dma_start3A_62 = tpu.memref_slice %arg8[%dma_start3A_60, %dma_start3A_61] : memref<40x32xi32, #tpu.memory_space<vmem>> -> memref<1x32xi32, #tpu.memory_space<vmem>>
      %dma_start3A_63 = tpu.memref_squeeze %dma_start3A_62 : memref<1x32xi32, #tpu.memory_space<vmem>> -> memref<32xi32, #tpu.memory_space<vmem>>
      %dma_start3A_64 = arith.constant 0 : i32
      %dma_start3A_65 = arith.constant 0 : i32
      %dma_start3A_66 = tpu.memref_slice %arg2[%dma_start3A_64, %dma_start3A_65] : memref<10000x128xf32, #tpu.memory_space<hbm>> -> memref<10000x128xf32, #tpu.memory_space<hbm>>
      tpu.enqueue_indirect_dma source(%dma_start3A_66 : memref<10000x128xf32, #tpu.memory_space<hbm>>) target(%arg12 : memref<32x128xf32, #tpu.memory_space<vmem>>) offsets(%dma_start3A_63 : memref<32xi32, #tpu.memory_space<vmem>>) semaphore(%arg17 : memref<!tpu.dma_semaphore, #tpu.memory_space<semaphore_mem>>)
      %dma_start3A_67 = arith.constant 3 : i32
      %dma_start3A_68 = arith.constant 0 : i32
      %dma_start3A_69 = tpu.memref_slice %arg8[%dma_start3A_67, %dma_start3A_68] : memref<40x32xi32, #tpu.memory_space<vmem>> -> memref<1x32xi32, #tpu.memory_space<vmem>>
      %dma_start3A_70 = tpu.memref_squeeze %dma_start3A_69 : memref<1x32xi32, #tpu.memory_space<vmem>> -> memref<32xi32, #tpu.memory_space<vmem>>
      %dma_start3A_71 = arith.constant 0 : i32
      %dma_start3A_72 = arith.constant 0 : i32
      %dma_start3A_73 = tpu.memref_slice %arg2[%dma_start3A_71, %dma_start3A_72] : memref<10000x128xf32, #tpu.memory_space<hbm>> -> memref<10000x128xf32, #tpu.memory_space<hbm>>
      tpu.enqueue_indirect_dma source(%dma_start3A_73 : memref<10000x128xf32, #tpu.memory_space<hbm>>) target(%arg13 : memref<32x128xf32, #tpu.memory_space<vmem>>) offsets(%dma_start3A_70 : memref<32xi32, #tpu.memory_space<vmem>>) semaphore(%arg18 : memref<!tpu.dma_semaphore, #tpu.memory_space<semaphore_mem>>)
      %dma_start3A_74 = arith.constant 4 : i32
      %dma_start3A_75 = arith.constant 0 : i32
      %dma_start3A_76 = tpu.memref_slice %arg8[%dma_start3A_74, %dma_start3A_75] : memref<40x32xi32, #tpu.memory_space<vmem>> -> memref<1x32xi32, #tpu.memory_space<vmem>>
      %dma_start3A_77 = tpu.memref_squeeze %dma_start3A_76 : memref<1x32xi32, #tpu.memory_space<vmem>> -> memref<32xi32, #tpu.memory_space<vmem>>
      %dma_start3A_78 = arith.constant 0 : i32
      %dma_start3A_79 = arith.constant 0 : i32
      %dma_start3A_80 = tpu.memref_slice %arg2[%dma_start3A_78, %dma_start3A_79] : memref<10000x128xf32, #tpu.memory_space<hbm>> -> memref<10000x128xf32, #tpu.memory_space<hbm>>
      tpu.enqueue_indirect_dma source(%dma_start3A_80 : memref<10000x128xf32, #tpu.memory_space<hbm>>) target(%arg14 : memref<32x128xf32, #tpu.memory_space<vmem>>) offsets(%dma_start3A_77 : memref<32xi32, #tpu.memory_space<vmem>>) semaphore(%arg19 : memref<!tpu.dma_semaphore, #tpu.memory_space<semaphore_mem>>)
      %scan3A_81 = arith.constant 0 : i32
      %scan3A_82 = arith.constant 7 : i32
      %scan3A_83 = arith.addi %scan3A_81, %scan3A_82 : i32
      %scan3A_84 = arith.constant 1 : i32
      scf.for %scan3A_190 = %scan3A_81 to %scan3A_83 step %scan3A_84  : i32 {
        %mul3A_191 = arith.constant 1 : i32
        %mul3A_192 = arith.muli %scan3A_190, %mul3A_191 : i32
        %add3A_193 = arith.constant 0 : i32
        %add3A_194 = arith.addi %add3A_193, %mul3A_192 : i32
        %mul3A_195 = arith.constant 5 : i32
        %mul3A_196 = arith.muli %mul3A_195, %add3A_194 : i32
        %add3A_197 = arith.constant 0 : i32
        %add3A_198 = arith.addi %mul3A_196, %add3A_197 : i32
        %dma_wait3A_199 = arith.constant 0 : i32
        %dma_wait3A_200 = tpu.memref_slice %arg8[%add3A_198, %dma_wait3A_199] : memref<40x32xi32, #tpu.memory_space<vmem>> -> memref<1x32xi32, #tpu.memory_space<vmem>>
        %dma_wait3A_201 = tpu.memref_squeeze %dma_wait3A_200 : memref<1x32xi32, #tpu.memory_space<vmem>> -> memref<32xi32, #tpu.memory_space<vmem>>
        %dma_wait3A_202 = arith.constant 0 : i32
        %dma_wait3A_203 = arith.constant 0 : i32
        %dma_wait3A_204 = tpu.memref_slice %arg2[%dma_wait3A_202, %dma_wait3A_203] : memref<10000x128xf32, #tpu.memory_space<hbm>> -> memref<10000x128xf32, #tpu.memory_space<hbm>>
        tpu.wait_indirect_dma semaphore(%arg15 : memref<!tpu.dma_semaphore, #tpu.memory_space<semaphore_mem>>) src(%dma_wait3A_204 : memref<10000x128xf32, #tpu.memory_space<hbm>>) dst(%arg10 : memref<32x128xf32, #tpu.memory_space<vmem>>)
        %add3A_205 = arith.constant 0 : i32
        %add3A_206 = arith.addi %mul3A_196, %add3A_205 : i32
        %dma_start3A_207 = arith.constant 0 : i32
        %dma_start3A_208 = tpu.memref_slice %arg9[%add3A_206, %dma_start3A_207] : memref<40x32xi32, #tpu.memory_space<vmem>> -> memref<1x32xi32, #tpu.memory_space<vmem>>
        %dma_start3A_209 = tpu.memref_squeeze %dma_start3A_208 : memref<1x32xi32, #tpu.memory_space<vmem>> -> memref<32xi32, #tpu.memory_space<vmem>>
        %dma_start3A_210 = arith.constant 0 : i32
        %dma_start3A_211 = arith.constant 0 : i32
        %dma_start3A_212 = tpu.memref_slice %arg25[%dma_start3A_210, %dma_start3A_211] : memref<10128x128xf32, #tpu.memory_space<vmem_shared>> -> memref<10128x128xf32, #tpu.memory_space<vmem_shared>>
        tpu.enqueue_indirect_dma source(%arg10 : memref<32x128xf32, #tpu.memory_space<vmem>>) target(%dma_start3A_212 : memref<10128x128xf32, #tpu.memory_space<vmem_shared>>) offsets(%dma_start3A_209 : memref<32xi32, #tpu.memory_space<vmem>>) semaphore(%arg20 : memref<!tpu.dma_semaphore, #tpu.memory_space<semaphore_mem>>) {add = true}
        %add3A_213 = arith.constant 1 : i32
        %add3A_214 = arith.addi %mul3A_196, %add3A_213 : i32
        %dma_wait3A_215 = arith.constant 0 : i32
        %dma_wait3A_216 = tpu.memref_slice %arg8[%add3A_214, %dma_wait3A_215] : memref<40x32xi32, #tpu.memory_space<vmem>> -> memref<1x32xi32, #tpu.memory_space<vmem>>
        %dma_wait3A_217 = tpu.memref_squeeze %dma_wait3A_216 : memref<1x32xi32, #tpu.memory_space<vmem>> -> memref<32xi32, #tpu.memory_space<vmem>>
        %dma_wait3A_218 = arith.constant 0 : i32
        %dma_wait3A_219 = arith.constant 0 : i32
        %dma_wait3A_220 = tpu.memref_slice %arg2[%dma_wait3A_218, %dma_wait3A_219] : memref<10000x128xf32, #tpu.memory_space<hbm>> -> memref<10000x128xf32, #tpu.memory_space<hbm>>
        tpu.wait_indirect_dma semaphore(%arg16 : memref<!tpu.dma_semaphore, #tpu.memory_space<semaphore_mem>>) src(%dma_wait3A_220 : memref<10000x128xf32, #tpu.memory_space<hbm>>) dst(%arg11 : memref<32x128xf32, #tpu.memory_space<vmem>>)
        %add3A_221 = arith.constant 1 : i32
        %add3A_222 = arith.addi %mul3A_196, %add3A_221 : i32
        %dma_start3A_223 = arith.constant 0 : i32
        %dma_start3A_224 = tpu.memref_slice %arg9[%add3A_222, %dma_start3A_223] : memref<40x32xi32, #tpu.memory_space<vmem>> -> memref<1x32xi32, #tpu.memory_space<vmem>>
        %dma_start3A_225 = tpu.memref_squeeze %dma_start3A_224 : memref<1x32xi32, #tpu.memory_space<vmem>> -> memref<32xi32, #tpu.memory_space<vmem>>
        %dma_start3A_226 = arith.constant 0 : i32
        %dma_start3A_227 = arith.constant 0 : i32
        %dma_start3A_228 = tpu.memref_slice %arg25[%dma_start3A_226, %dma_start3A_227] : memref<10128x128xf32, #tpu.memory_space<vmem_shared>> -> memref<10128x128xf32, #tpu.memory_space<vmem_shared>>
        tpu.enqueue_indirect_dma source(%arg11 : memref<32x128xf32, #tpu.memory_space<vmem>>) target(%dma_start3A_228 : memref<10128x128xf32, #tpu.memory_space<vmem_shared>>) offsets(%dma_start3A_225 : memref<32xi32, #tpu.memory_space<vmem>>) semaphore(%arg21 : memref<!tpu.dma_semaphore, #tpu.memory_space<semaphore_mem>>) {add = true}
        %add3A_229 = arith.constant 2 : i32
        %add3A_230 = arith.addi %mul3A_196, %add3A_229 : i32
        %dma_wait3A_231 = arith.constant 0 : i32
        %dma_wait3A_232 = tpu.memref_slice %arg8[%add3A_230, %dma_wait3A_231] : memref<40x32xi32, #tpu.memory_space<vmem>> -> memref<1x32xi32, #tpu.memory_space<vmem>>
        %dma_wait3A_233 = tpu.memref_squeeze %dma_wait3A_232 : memref<1x32xi32, #tpu.memory_space<vmem>> -> memref<32xi32, #tpu.memory_space<vmem>>
        %dma_wait3A_234 = arith.constant 0 : i32
        %dma_wait3A_235 = arith.constant 0 : i32
        %dma_wait3A_236 = tpu.memref_slice %arg2[%dma_wait3A_234, %dma_wait3A_235] : memref<10000x128xf32, #tpu.memory_space<hbm>> -> memref<10000x128xf32, #tpu.memory_space<hbm>>
        tpu.wait_indirect_dma semaphore(%arg17 : memref<!tpu.dma_semaphore, #tpu.memory_space<semaphore_mem>>) src(%dma_wait3A_236 : memref<10000x128xf32, #tpu.memory_space<hbm>>) dst(%arg12 : memref<32x128xf32, #tpu.memory_space<vmem>>)
        %add3A_237 = arith.constant 2 : i32
        %add3A_238 = arith.addi %mul3A_196, %add3A_237 : i32
        %dma_start3A_239 = arith.constant 0 : i32
        %dma_start3A_240 = tpu.memref_slice %arg9[%add3A_238, %dma_start3A_239] : memref<40x32xi32, #tpu.memory_space<vmem>> -> memref<1x32xi32, #tpu.memory_space<vmem>>
        %dma_start3A_241 = tpu.memref_squeeze %dma_start3A_240 : memref<1x32xi32, #tpu.memory_space<vmem>> -> memref<32xi32, #tpu.memory_space<vmem>>
        %dma_start3A_242 = arith.constant 0 : i32
        %dma_start3A_243 = arith.constant 0 : i32
        %dma_start3A_244 = tpu.memref_slice %arg25[%dma_start3A_242, %dma_start3A_243] : memref<10128x128xf32, #tpu.memory_space<vmem_shared>> -> memref<10128x128xf32, #tpu.memory_space<vmem_shared>>
        tpu.enqueue_indirect_dma source(%arg12 : memref<32x128xf32, #tpu.memory_space<vmem>>) target(%dma_start3A_244 : memref<10128x128xf32, #tpu.memory_space<vmem_shared>>) offsets(%dma_start3A_241 : memref<32xi32, #tpu.memory_space<vmem>>) semaphore(%arg22 : memref<!tpu.dma_semaphore, #tpu.memory_space<semaphore_mem>>) {add = true}
        %add3A_245 = arith.constant 3 : i32
        %add3A_246 = arith.addi %mul3A_196, %add3A_245 : i32
        %dma_wait3A_247 = arith.constant 0 : i32
        %dma_wait3A_248 = tpu.memref_slice %arg8[%add3A_246, %dma_wait3A_247] : memref<40x32xi32, #tpu.memory_space<vmem>> -> memref<1x32xi32, #tpu.memory_space<vmem>>
        %dma_wait3A_249 = tpu.memref_squeeze %dma_wait3A_248 : memref<1x32xi32, #tpu.memory_space<vmem>> -> memref<32xi32, #tpu.memory_space<vmem>>
        %dma_wait3A_250 = arith.constant 0 : i32
        %dma_wait3A_251 = arith.constant 0 : i32
        %dma_wait3A_252 = tpu.memref_slice %arg2[%dma_wait3A_250, %dma_wait3A_251] : memref<10000x128xf32, #tpu.memory_space<hbm>> -> memref<10000x128xf32, #tpu.memory_space<hbm>>
        tpu.wait_indirect_dma semaphore(%arg18 : memref<!tpu.dma_semaphore, #tpu.memory_space<semaphore_mem>>) src(%dma_wait3A_252 : memref<10000x128xf32, #tpu.memory_space<hbm>>) dst(%arg13 : memref<32x128xf32, #tpu.memory_space<vmem>>)
        %add3A_253 = arith.constant 3 : i32
        %add3A_254 = arith.addi %mul3A_196, %add3A_253 : i32
        %dma_start3A_255 = arith.constant 0 : i32
        %dma_start3A_256 = tpu.memref_slice %arg9[%add3A_254, %dma_start3A_255] : memref<40x32xi32, #tpu.memory_space<vmem>> -> memref<1x32xi32, #tpu.memory_space<vmem>>
        %dma_start3A_257 = tpu.memref_squeeze %dma_start3A_256 : memref<1x32xi32, #tpu.memory_space<vmem>> -> memref<32xi32, #tpu.memory_space<vmem>>
        %dma_start3A_258 = arith.constant 0 : i32
        %dma_start3A_259 = arith.constant 0 : i32
        %dma_start3A_260 = tpu.memref_slice %arg25[%dma_start3A_258, %dma_start3A_259] : memref<10128x128xf32, #tpu.memory_space<vmem_shared>> -> memref<10128x128xf32, #tpu.memory_space<vmem_shared>>
        tpu.enqueue_indirect_dma source(%arg13 : memref<32x128xf32, #tpu.memory_space<vmem>>) target(%dma_start3A_260 : memref<10128x128xf32, #tpu.memory_space<vmem_shared>>) offsets(%dma_start3A_257 : memref<32xi32, #tpu.memory_space<vmem>>) semaphore(%arg23 : memref<!tpu.dma_semaphore, #tpu.memory_space<semaphore_mem>>) {add = true}
        %add3A_261 = arith.constant 4 : i32
        %add3A_262 = arith.addi %mul3A_196, %add3A_261 : i32
        %dma_wait3A_263 = arith.constant 0 : i32
        %dma_wait3A_264 = tpu.memref_slice %arg8[%add3A_262, %dma_wait3A_263] : memref<40x32xi32, #tpu.memory_space<vmem>> -> memref<1x32xi32, #tpu.memory_space<vmem>>
        %dma_wait3A_265 = tpu.memref_squeeze %dma_wait3A_264 : memref<1x32xi32, #tpu.memory_space<vmem>> -> memref<32xi32, #tpu.memory_space<vmem>>
        %dma_wait3A_266 = arith.constant 0 : i32
        %dma_wait3A_267 = arith.constant 0 : i32
        %dma_wait3A_268 = tpu.memref_slice %arg2[%dma_wait3A_266, %dma_wait3A_267] : memref<10000x128xf32, #tpu.memory_space<hbm>> -> memref<10000x128xf32, #tpu.memory_space<hbm>>
        tpu.wait_indirect_dma semaphore(%arg19 : memref<!tpu.dma_semaphore, #tpu.memory_space<semaphore_mem>>) src(%dma_wait3A_268 : memref<10000x128xf32, #tpu.memory_space<hbm>>) dst(%arg14 : memref<32x128xf32, #tpu.memory_space<vmem>>)
        %add3A_269 = arith.constant 4 : i32
        %add3A_270 = arith.addi %mul3A_196, %add3A_269 : i32
        %dma_start3A_271 = arith.constant 0 : i32
        %dma_start3A_272 = tpu.memref_slice %arg9[%add3A_270, %dma_start3A_271] : memref<40x32xi32, #tpu.memory_space<vmem>> -> memref<1x32xi32, #tpu.memory_space<vmem>>
        %dma_start3A_273 = tpu.memref_squeeze %dma_start3A_272 : memref<1x32xi32, #tpu.memory_space<vmem>> -> memref<32xi32, #tpu.memory_space<vmem>>
        %dma_start3A_274 = arith.constant 0 : i32
        %dma_start3A_275 = arith.constant 0 : i32
        %dma_start3A_276 = tpu.memref_slice %arg25[%dma_start3A_274, %dma_start3A_275] : memref<10128x128xf32, #tpu.memory_space<vmem_shared>> -> memref<10128x128xf32, #tpu.memory_space<vmem_shared>>
        tpu.enqueue_indirect_dma source(%arg14 : memref<32x128xf32, #tpu.memory_space<vmem>>) target(%dma_start3A_276 : memref<10128x128xf32, #tpu.memory_space<vmem_shared>>) offsets(%dma_start3A_273 : memref<32xi32, #tpu.memory_space<vmem>>) semaphore(%arg24 : memref<!tpu.dma_semaphore, #tpu.memory_space<semaphore_mem>>) {add = true}
        %add3A_277 = arith.constant 0 : i32
        %add3A_278 = arith.addi %mul3A_196, %add3A_277 : i32
        %dma_wait3A_279 = arith.constant 0 : i32
        %dma_wait3A_280 = tpu.memref_slice %arg9[%add3A_278, %dma_wait3A_279] : memref<40x32xi32, #tpu.memory_space<vmem>> -> memref<1x32xi32, #tpu.memory_space<vmem>>
        %dma_wait3A_281 = tpu.memref_squeeze %dma_wait3A_280 : memref<1x32xi32, #tpu.memory_space<vmem>> -> memref<32xi32, #tpu.memory_space<vmem>>
        %dma_wait3A_282 = arith.constant 0 : i32
        %dma_wait3A_283 = arith.constant 0 : i32
        %dma_wait3A_284 = tpu.memref_slice %arg25[%dma_wait3A_282, %dma_wait3A_283] : memref<10128x128xf32, #tpu.memory_space<vmem_shared>> -> memref<10128x128xf32, #tpu.memory_space<vmem_shared>>
        tpu.wait_indirect_dma semaphore(%arg20 : memref<!tpu.dma_semaphore, #tpu.memory_space<semaphore_mem>>) src(%arg10 : memref<32x128xf32, #tpu.memory_space<vmem>>) dst(%dma_wait3A_284 : memref<10128x128xf32, #tpu.memory_space<vmem_shared>>)
        %add3A_285 = arith.constant 5 : i32
        %add3A_286 = arith.addi %mul3A_196, %add3A_285 : i32
        %add3A_287 = arith.constant 0 : i32
        %add3A_288 = arith.addi %add3A_286, %add3A_287 : i32
        %dma_start3A_289 = arith.constant 0 : i32
        %dma_start3A_290 = tpu.memref_slice %arg8[%add3A_288, %dma_start3A_289] : memref<40x32xi32, #tpu.memory_space<vmem>> -> memref<1x32xi32, #tpu.memory_space<vmem>>
        %dma_start3A_291 = tpu.memref_squeeze %dma_start3A_290 : memref<1x32xi32, #tpu.memory_space<vmem>> -> memref<32xi32, #tpu.memory_space<vmem>>
        %dma_start3A_292 = arith.constant 0 : i32
        %dma_start3A_293 = arith.constant 0 : i32
        %dma_start3A_294 = tpu.memref_slice %arg2[%dma_start3A_292, %dma_start3A_293] : memref<10000x128xf32, #tpu.memory_space<hbm>> -> memref<10000x128xf32, #tpu.memory_space<hbm>>
        tpu.enqueue_indirect_dma source(%dma_start3A_294 : memref<10000x128xf32, #tpu.memory_space<hbm>>) target(%arg10 : memref<32x128xf32, #tpu.memory_space<vmem>>) offsets(%dma_start3A_291 : memref<32xi32, #tpu.memory_space<vmem>>) semaphore(%arg15 : memref<!tpu.dma_semaphore, #tpu.memory_space<semaphore_mem>>)
        %add3A_295 = arith.constant 1 : i32
        %add3A_296 = arith.addi %mul3A_196, %add3A_295 : i32
        %dma_wait3A_297 = arith.constant 0 : i32
        %dma_wait3A_298 = tpu.memref_slice %arg9[%add3A_296, %dma_wait3A_297] : memref<40x32xi32, #tpu.memory_space<vmem>> -> memref<1x32xi32, #tpu.memory_space<vmem>>
        %dma_wait3A_299 = tpu.memref_squeeze %dma_wait3A_298 : memref<1x32xi32, #tpu.memory_space<vmem>> -> memref<32xi32, #tpu.memory_space<vmem>>
        %dma_wait3A_300 = arith.constant 0 : i32
        %dma_wait3A_301 = arith.constant 0 : i32
        %dma_wait3A_302 = tpu.memref_slice %arg25[%dma_wait3A_300, %dma_wait3A_301] : memref<10128x128xf32, #tpu.memory_space<vmem_shared>> -> memref<10128x128xf32, #tpu.memory_space<vmem_shared>>
        tpu.wait_indirect_dma semaphore(%arg21 : memref<!tpu.dma_semaphore, #tpu.memory_space<semaphore_mem>>) src(%arg11 : memref<32x128xf32, #tpu.memory_space<vmem>>) dst(%dma_wait3A_302 : memref<10128x128xf32, #tpu.memory_space<vmem_shared>>)
        %add3A_303 = arith.constant 5 : i32
        %add3A_304 = arith.addi %mul3A_196, %add3A_303 : i32
        %add3A_305 = arith.constant 1 : i32
        %add3A_306 = arith.addi %add3A_304, %add3A_305 : i32
        %dma_start3A_307 = arith.constant 0 : i32
        %dma_start3A_308 = tpu.memref_slice %arg8[%add3A_306, %dma_start3A_307] : memref<40x32xi32, #tpu.memory_space<vmem>> -> memref<1x32xi32, #tpu.memory_space<vmem>>
        %dma_start3A_309 = tpu.memref_squeeze %dma_start3A_308 : memref<1x32xi32, #tpu.memory_space<vmem>> -> memref<32xi32, #tpu.memory_space<vmem>>
        %dma_start3A_310 = arith.constant 0 : i32
        %dma_start3A_311 = arith.constant 0 : i32
        %dma_start3A_312 = tpu.memref_slice %arg2[%dma_start3A_310, %dma_start3A_311] : memref<10000x128xf32, #tpu.memory_space<hbm>> -> memref<10000x128xf32, #tpu.memory_space<hbm>>
        tpu.enqueue_indirect_dma source(%dma_start3A_312 : memref<10000x128xf32, #tpu.memory_space<hbm>>) target(%arg11 : memref<32x128xf32, #tpu.memory_space<vmem>>) offsets(%dma_start3A_309 : memref<32xi32, #tpu.memory_space<vmem>>) semaphore(%arg16 : memref<!tpu.dma_semaphore, #tpu.memory_space<semaphore_mem>>)
        %add3A_313 = arith.constant 2 : i32
        %add3A_314 = arith.addi %mul3A_196, %add3A_313 : i32
        %dma_wait3A_315 = arith.constant 0 : i32
        %dma_wait3A_316 = tpu.memref_slice %arg9[%add3A_314, %dma_wait3A_315] : memref<40x32xi32, #tpu.memory_space<vmem>> -> memref<1x32xi32, #tpu.memory_space<vmem>>
        %dma_wait3A_317 = tpu.memref_squeeze %dma_wait3A_316 : memref<1x32xi32, #tpu.memory_space<vmem>> -> memref<32xi32, #tpu.memory_space<vmem>>
        %dma_wait3A_318 = arith.constant 0 : i32
        %dma_wait3A_319 = arith.constant 0 : i32
        %dma_wait3A_320 = tpu.memref_slice %arg25[%dma_wait3A_318, %dma_wait3A_319] : memref<10128x128xf32, #tpu.memory_space<vmem_shared>> -> memref<10128x128xf32, #tpu.memory_space<vmem_shared>>
        tpu.wait_indirect_dma semaphore(%arg22 : memref<!tpu.dma_semaphore, #tpu.memory_space<semaphore_mem>>) src(%arg12 : memref<32x128xf32, #tpu.memory_space<vmem>>) dst(%dma_wait3A_320 : memref<10128x128xf32, #tpu.memory_space<vmem_shared>>)
        %add3A_321 = arith.constant 5 : i32
        %add3A_322 = arith.addi %mul3A_196, %add3A_321 : i32
        %add3A_323 = arith.constant 2 : i32
        %add3A_324 = arith.addi %add3A_322, %add3A_323 : i32
        %dma_start3A_325 = arith.constant 0 : i32
        %dma_start3A_326 = tpu.memref_slice %arg8[%add3A_324, %dma_start3A_325] : memref<40x32xi32, #tpu.memory_space<vmem>> -> memref<1x32xi32, #tpu.memory_space<vmem>>
        %dma_start3A_327 = tpu.memref_squeeze %dma_start3A_326 : memref<1x32xi32, #tpu.memory_space<vmem>> -> memref<32xi32, #tpu.memory_space<vmem>>
        %dma_start3A_328 = arith.constant 0 : i32
        %dma_start3A_329 = arith.constant 0 : i32
        %dma_start3A_330 = tpu.memref_slice %arg2[%dma_start3A_328, %dma_start3A_329] : memref<10000x128xf32, #tpu.memory_space<hbm>> -> memref<10000x128xf32, #tpu.memory_space<hbm>>
        tpu.enqueue_indirect_dma source(%dma_start3A_330 : memref<10000x128xf32, #tpu.memory_space<hbm>>) target(%arg12 : memref<32x128xf32, #tpu.memory_space<vmem>>) offsets(%dma_start3A_327 : memref<32xi32, #tpu.memory_space<vmem>>) semaphore(%arg17 : memref<!tpu.dma_semaphore, #tpu.memory_space<semaphore_mem>>)
        %add3A_331 = arith.constant 3 : i32
        %add3A_332 = arith.addi %mul3A_196, %add3A_331 : i32
        %dma_wait3A_333 = arith.constant 0 : i32
        %dma_wait3A_334 = tpu.memref_slice %arg9[%add3A_332, %dma_wait3A_333] : memref<40x32xi32, #tpu.memory_space<vmem>> -> memref<1x32xi32, #tpu.memory_space<vmem>>
        %dma_wait3A_335 = tpu.memref_squeeze %dma_wait3A_334 : memref<1x32xi32, #tpu.memory_space<vmem>> -> memref<32xi32, #tpu.memory_space<vmem>>
        %dma_wait3A_336 = arith.constant 0 : i32
        %dma_wait3A_337 = arith.constant 0 : i32
        %dma_wait3A_338 = tpu.memref_slice %arg25[%dma_wait3A_336, %dma_wait3A_337] : memref<10128x128xf32, #tpu.memory_space<vmem_shared>> -> memref<10128x128xf32, #tpu.memory_space<vmem_shared>>
        tpu.wait_indirect_dma semaphore(%arg23 : memref<!tpu.dma_semaphore, #tpu.memory_space<semaphore_mem>>) src(%arg13 : memref<32x128xf32, #tpu.memory_space<vmem>>) dst(%dma_wait3A_338 : memref<10128x128xf32, #tpu.memory_space<vmem_shared>>)
        %add3A_339 = arith.constant 5 : i32
        %add3A_340 = arith.addi %mul3A_196, %add3A_339 : i32
        %add3A_341 = arith.constant 3 : i32
        %add3A_342 = arith.addi %add3A_340, %add3A_341 : i32
        %dma_start3A_343 = arith.constant 0 : i32
        %dma_start3A_344 = tpu.memref_slice %arg8[%add3A_342, %dma_start3A_343] : memref<40x32xi32, #tpu.memory_space<vmem>> -> memref<1x32xi32, #tpu.memory_space<vmem>>
        %dma_start3A_345 = tpu.memref_squeeze %dma_start3A_344 : memref<1x32xi32, #tpu.memory_space<vmem>> -> memref<32xi32, #tpu.memory_space<vmem>>
        %dma_start3A_346 = arith.constant 0 : i32
        %dma_start3A_347 = arith.constant 0 : i32
        %dma_start3A_348 = tpu.memref_slice %arg2[%dma_start3A_346, %dma_start3A_347] : memref<10000x128xf32, #tpu.memory_space<hbm>> -> memref<10000x128xf32, #tpu.memory_space<hbm>>
        tpu.enqueue_indirect_dma source(%dma_start3A_348 : memref<10000x128xf32, #tpu.memory_space<hbm>>) target(%arg13 : memref<32x128xf32, #tpu.memory_space<vmem>>) offsets(%dma_start3A_345 : memref<32xi32, #tpu.memory_space<vmem>>) semaphore(%arg18 : memref<!tpu.dma_semaphore, #tpu.memory_space<semaphore_mem>>)
        %add3A_349 = arith.constant 4 : i32
        %add3A_350 = arith.addi %mul3A_196, %add3A_349 : i32
        %dma_wait3A_351 = arith.constant 0 : i32
        %dma_wait3A_352 = tpu.memref_slice %arg9[%add3A_350, %dma_wait3A_351] : memref<40x32xi32, #tpu.memory_space<vmem>> -> memref<1x32xi32, #tpu.memory_space<vmem>>
        %dma_wait3A_353 = tpu.memref_squeeze %dma_wait3A_352 : memref<1x32xi32, #tpu.memory_space<vmem>> -> memref<32xi32, #tpu.memory_space<vmem>>
        %dma_wait3A_354 = arith.constant 0 : i32
        %dma_wait3A_355 = arith.constant 0 : i32
        %dma_wait3A_356 = tpu.memref_slice %arg25[%dma_wait3A_354, %dma_wait3A_355] : memref<10128x128xf32, #tpu.memory_space<vmem_shared>> -> memref<10128x128xf32, #tpu.memory_space<vmem_shared>>
        tpu.wait_indirect_dma semaphore(%arg24 : memref<!tpu.dma_semaphore, #tpu.memory_space<semaphore_mem>>) src(%arg14 : memref<32x128xf32, #tpu.memory_space<vmem>>) dst(%dma_wait3A_356 : memref<10128x128xf32, #tpu.memory_space<vmem_shared>>)
        %add3A_357 = arith.constant 5 : i32
        %add3A_358 = arith.addi %mul3A_196, %add3A_357 : i32
        %add3A_359 = arith.constant 4 : i32
        %add3A_360 = arith.addi %add3A_358, %add3A_359 : i32
        %dma_start3A_361 = arith.constant 0 : i32
        %dma_start3A_362 = tpu.memref_slice %arg8[%add3A_360, %dma_start3A_361] : memref<40x32xi32, #tpu.memory_space<vmem>> -> memref<1x32xi32, #tpu.memory_space<vmem>>
        %dma_start3A_363 = tpu.memref_squeeze %dma_start3A_362 : memref<1x32xi32, #tpu.memory_space<vmem>> -> memref<32xi32, #tpu.memory_space<vmem>>
        %dma_start3A_364 = arith.constant 0 : i32
        %dma_start3A_365 = arith.constant 0 : i32
        %dma_start3A_366 = tpu.memref_slice %arg2[%dma_start3A_364, %dma_start3A_365] : memref<10000x128xf32, #tpu.memory_space<hbm>> -> memref<10000x128xf32, #tpu.memory_space<hbm>>
        tpu.enqueue_indirect_dma source(%dma_start3A_366 : memref<10000x128xf32, #tpu.memory_space<hbm>>) target(%arg14 : memref<32x128xf32, #tpu.memory_space<vmem>>) offsets(%dma_start3A_363 : memref<32xi32, #tpu.memory_space<vmem>>) semaphore(%arg19 : memref<!tpu.dma_semaphore, #tpu.memory_space<semaphore_mem>>)
      }
      %scan3A_85 = arith.constant 7 : i32
      %dma_wait3A = arith.constant 35 : i32
      %dma_wait3A_86 = arith.constant 0 : i32
      %dma_wait3A_87 = tpu.memref_slice %arg8[%dma_wait3A, %dma_wait3A_86] : memref<40x32xi32, #tpu.memory_space<vmem>> -> memref<1x32xi32, #tpu.memory_space<vmem>>
      %dma_wait3A_88 = tpu.memref_squeeze %dma_wait3A_87 : memref<1x32xi32, #tpu.memory_space<vmem>> -> memref<32xi32, #tpu.memory_space<vmem>>
      %dma_wait3A_89 = arith.constant 0 : i32
      %dma_wait3A_90 = arith.constant 0 : i32
      %dma_wait3A_91 = tpu.memref_slice %arg2[%dma_wait3A_89, %dma_wait3A_90] : memref<10000x128xf32, #tpu.memory_space<hbm>> -> memref<10000x128xf32, #tpu.memory_space<hbm>>
      tpu.wait_indirect_dma semaphore(%arg15 : memref<!tpu.dma_semaphore, #tpu.memory_space<semaphore_mem>>) src(%dma_wait3A_91 : memref<10000x128xf32, #tpu.memory_space<hbm>>) dst(%arg10 : memref<32x128xf32, #tpu.memory_space<vmem>>)
      %dma_start3A_92 = arith.constant 35 : i32
      %dma_start3A_93 = arith.constant 0 : i32
      %dma_start3A_94 = tpu.memref_slice %arg9[%dma_start3A_92, %dma_start3A_93] : memref<40x32xi32, #tpu.memory_space<vmem>> -> memref<1x32xi32, #tpu.memory_space<vmem>>
      %dma_start3A_95 = tpu.memref_squeeze %dma_start3A_94 : memref<1x32xi32, #tpu.memory_space<vmem>> -> memref<32xi32, #tpu.memory_space<vmem>>
      %dma_start3A_96 = arith.constant 0 : i32
      %dma_start3A_97 = arith.constant 0 : i32
      %dma_start3A_98 = tpu.memref_slice %arg25[%dma_start3A_96, %dma_start3A_97] : memref<10128x128xf32, #tpu.memory_space<vmem_shared>> -> memref<10128x128xf32, #tpu.memory_space<vmem_shared>>
      tpu.enqueue_indirect_dma source(%arg10 : memref<32x128xf32, #tpu.memory_space<vmem>>) target(%dma_start3A_98 : memref<10128x128xf32, #tpu.memory_space<vmem_shared>>) offsets(%dma_start3A_95 : memref<32xi32, #tpu.memory_space<vmem>>) semaphore(%arg20 : memref<!tpu.dma_semaphore, #tpu.memory_space<semaphore_mem>>) {add = true}
      %dma_wait3A_99 = arith.constant 36 : i32
      %dma_wait3A_100 = arith.constant 0 : i32
      %dma_wait3A_101 = tpu.memref_slice %arg8[%dma_wait3A_99, %dma_wait3A_100] : memref<40x32xi32, #tpu.memory_space<vmem>> -> memref<1x32xi32, #tpu.memory_space<vmem>>
      %dma_wait3A_102 = tpu.memref_squeeze %dma_wait3A_101 : memref<1x32xi32, #tpu.memory_space<vmem>> -> memref<32xi32, #tpu.memory_space<vmem>>
      %dma_wait3A_103 = arith.constant 0 : i32
      %dma_wait3A_104 = arith.constant 0 : i32
      %dma_wait3A_105 = tpu.memref_slice %arg2[%dma_wait3A_103, %dma_wait3A_104] : memref<10000x128xf32, #tpu.memory_space<hbm>> -> memref<10000x128xf32, #tpu.memory_space<hbm>>
      tpu.wait_indirect_dma semaphore(%arg16 : memref<!tpu.dma_semaphore, #tpu.memory_space<semaphore_mem>>) src(%dma_wait3A_105 : memref<10000x128xf32, #tpu.memory_space<hbm>>) dst(%arg11 : memref<32x128xf32, #tpu.memory_space<vmem>>)
      %dma_start3A_106 = arith.constant 36 : i32
      %dma_start3A_107 = arith.constant 0 : i32
      %dma_start3A_108 = tpu.memref_slice %arg9[%dma_start3A_106, %dma_start3A_107] : memref<40x32xi32, #tpu.memory_space<vmem>> -> memref<1x32xi32, #tpu.memory_space<vmem>>
      %dma_start3A_109 = tpu.memref_squeeze %dma_start3A_108 : memref<1x32xi32, #tpu.memory_space<vmem>> -> memref<32xi32, #tpu.memory_space<vmem>>
      %dma_start3A_110 = arith.constant 0 : i32
      %dma_start3A_111 = arith.constant 0 : i32
      %dma_start3A_112 = tpu.memref_slice %arg25[%dma_start3A_110, %dma_start3A_111] : memref<10128x128xf32, #tpu.memory_space<vmem_shared>> -> memref<10128x128xf32, #tpu.memory_space<vmem_shared>>
      tpu.enqueue_indirect_dma source(%arg11 : memref<32x128xf32, #tpu.memory_space<vmem>>) target(%dma_start3A_112 : memref<10128x128xf32, #tpu.memory_space<vmem_shared>>) offsets(%dma_start3A_109 : memref<32xi32, #tpu.memory_space<vmem>>) semaphore(%arg21 : memref<!tpu.dma_semaphore, #tpu.memory_space<semaphore_mem>>) {add = true}
      %dma_wait3A_113 = arith.constant 37 : i32
      %dma_wait3A_114 = arith.constant 0 : i32
      %dma_wait3A_115 = tpu.memref_slice %arg8[%dma_wait3A_113, %dma_wait3A_114] : memref<40x32xi32, #tpu.memory_space<vmem>> -> memref<1x32xi32, #tpu.memory_space<vmem>>
      %dma_wait3A_116 = tpu.memref_squeeze %dma_wait3A_115 : memref<1x32xi32, #tpu.memory_space<vmem>> -> memref<32xi32, #tpu.memory_space<vmem>>
      %dma_wait3A_117 = arith.constant 0 : i32
      %dma_wait3A_118 = arith.constant 0 : i32
      %dma_wait3A_119 = tpu.memref_slice %arg2[%dma_wait3A_117, %dma_wait3A_118] : memref<10000x128xf32, #tpu.memory_space<hbm>> -> memref<10000x128xf32, #tpu.memory_space<hbm>>
      tpu.wait_indirect_dma semaphore(%arg17 : memref<!tpu.dma_semaphore, #tpu.memory_space<semaphore_mem>>) src(%dma_wait3A_119 : memref<10000x128xf32, #tpu.memory_space<hbm>>) dst(%arg12 : memref<32x128xf32, #tpu.memory_space<vmem>>)
      %dma_start3A_120 = arith.constant 37 : i32
      %dma_start3A_121 = arith.constant 0 : i32
      %dma_start3A_122 = tpu.memref_slice %arg9[%dma_start3A_120, %dma_start3A_121] : memref<40x32xi32, #tpu.memory_space<vmem>> -> memref<1x32xi32, #tpu.memory_space<vmem>>
      %dma_start3A_123 = tpu.memref_squeeze %dma_start3A_122 : memref<1x32xi32, #tpu.memory_space<vmem>> -> memref<32xi32, #tpu.memory_space<vmem>>
      %dma_start3A_124 = arith.constant 0 : i32
      %dma_start3A_125 = arith.constant 0 : i32
      %dma_start3A_126 = tpu.memref_slice %arg25[%dma_start3A_124, %dma_start3A_125] : memref<10128x128xf32, #tpu.memory_space<vmem_shared>> -> memref<10128x128xf32, #tpu.memory_space<vmem_shared>>
      tpu.enqueue_indirect_dma source(%arg12 : memref<32x128xf32, #tpu.memory_space<vmem>>) target(%dma_start3A_126 : memref<10128x128xf32, #tpu.memory_space<vmem_shared>>) offsets(%dma_start3A_123 : memref<32xi32, #tpu.memory_space<vmem>>) semaphore(%arg22 : memref<!tpu.dma_semaphore, #tpu.memory_space<semaphore_mem>>) {add = true}
      %dma_wait3A_127 = arith.constant 38 : i32
      %dma_wait3A_128 = arith.constant 0 : i32
      %dma_wait3A_129 = tpu.memref_slice %arg8[%dma_wait3A_127, %dma_wait3A_128] : memref<40x32xi32, #tpu.memory_space<vmem>> -> memref<1x32xi32, #tpu.memory_space<vmem>>
      %dma_wait3A_130 = tpu.memref_squeeze %dma_wait3A_129 : memref<1x32xi32, #tpu.memory_space<vmem>> -> memref<32xi32, #tpu.memory_space<vmem>>
      %dma_wait3A_131 = arith.constant 0 : i32
      %dma_wait3A_132 = arith.constant 0 : i32
      %dma_wait3A_133 = tpu.memref_slice %arg2[%dma_wait3A_131, %dma_wait3A_132] : memref<10000x128xf32, #tpu.memory_space<hbm>> -> memref<10000x128xf32, #tpu.memory_space<hbm>>
      tpu.wait_indirect_dma semaphore(%arg18 : memref<!tpu.dma_semaphore, #tpu.memory_space<semaphore_mem>>) src(%dma_wait3A_133 : memref<10000x128xf32, #tpu.memory_space<hbm>>) dst(%arg13 : memref<32x128xf32, #tpu.memory_space<vmem>>)
      %dma_start3A_134 = arith.constant 38 : i32
      %dma_start3A_135 = arith.constant 0 : i32
      %dma_start3A_136 = tpu.memref_slice %arg9[%dma_start3A_134, %dma_start3A_135] : memref<40x32xi32, #tpu.memory_space<vmem>> -> memref<1x32xi32, #tpu.memory_space<vmem>>
      %dma_start3A_137 = tpu.memref_squeeze %dma_start3A_136 : memref<1x32xi32, #tpu.memory_space<vmem>> -> memref<32xi32, #tpu.memory_space<vmem>>
      %dma_start3A_138 = arith.constant 0 : i32
      %dma_start3A_139 = arith.constant 0 : i32
      %dma_start3A_140 = tpu.memref_slice %arg25[%dma_start3A_138, %dma_start3A_139] : memref<10128x128xf32, #tpu.memory_space<vmem_shared>> -> memref<10128x128xf32, #tpu.memory_space<vmem_shared>>
      tpu.enqueue_indirect_dma source(%arg13 : memref<32x128xf32, #tpu.memory_space<vmem>>) target(%dma_start3A_140 : memref<10128x128xf32, #tpu.memory_space<vmem_shared>>) offsets(%dma_start3A_137 : memref<32xi32, #tpu.memory_space<vmem>>) semaphore(%arg23 : memref<!tpu.dma_semaphore, #tpu.memory_space<semaphore_mem>>) {add = true}
      %dma_wait3A_141 = arith.constant 39 : i32
      %dma_wait3A_142 = arith.constant 0 : i32
      %dma_wait3A_143 = tpu.memref_slice %arg8[%dma_wait3A_141, %dma_wait3A_142] : memref<40x32xi32, #tpu.memory_space<vmem>> -> memref<1x32xi32, #tpu.memory_space<vmem>>
      %dma_wait3A_144 = tpu.memref_squeeze %dma_wait3A_143 : memref<1x32xi32, #tpu.memory_space<vmem>> -> memref<32xi32, #tpu.memory_space<vmem>>
      %dma_wait3A_145 = arith.constant 0 : i32
      %dma_wait3A_146 = arith.constant 0 : i32
      %dma_wait3A_147 = tpu.memref_slice %arg2[%dma_wait3A_145, %dma_wait3A_146] : memref<10000x128xf32, #tpu.memory_space<hbm>> -> memref<10000x128xf32, #tpu.memory_space<hbm>>
      tpu.wait_indirect_dma semaphore(%arg19 : memref<!tpu.dma_semaphore, #tpu.memory_space<semaphore_mem>>) src(%dma_wait3A_147 : memref<10000x128xf32, #tpu.memory_space<hbm>>) dst(%arg14 : memref<32x128xf32, #tpu.memory_space<vmem>>)
      %dma_start3A_148 = arith.constant 39 : i32
      %dma_start3A_149 = arith.constant 0 : i32
      %dma_start3A_150 = tpu.memref_slice %arg9[%dma_start3A_148, %dma_start3A_149] : memref<40x32xi32, #tpu.memory_space<vmem>> -> memref<1x32xi32, #tpu.memory_space<vmem>>
      %dma_start3A_151 = tpu.memref_squeeze %dma_start3A_150 : memref<1x32xi32, #tpu.memory_space<vmem>> -> memref<32xi32, #tpu.memory_space<vmem>>
      %dma_start3A_152 = arith.constant 0 : i32
      %dma_start3A_153 = arith.constant 0 : i32
      %dma_start3A_154 = tpu.memref_slice %arg25[%dma_start3A_152, %dma_start3A_153] : memref<10128x128xf32, #tpu.memory_space<vmem_shared>> -> memref<10128x128xf32, #tpu.memory_space<vmem_shared>>
      tpu.enqueue_indirect_dma source(%arg14 : memref<32x128xf32, #tpu.memory_space<vmem>>) target(%dma_start3A_154 : memref<10128x128xf32, #tpu.memory_space<vmem_shared>>) offsets(%dma_start3A_151 : memref<32xi32, #tpu.memory_space<vmem>>) semaphore(%arg24 : memref<!tpu.dma_semaphore, #tpu.memory_space<semaphore_mem>>) {add = true}
      %dma_wait3A_155 = arith.constant 35 : i32
      %dma_wait3A_156 = arith.constant 0 : i32
      %dma_wait3A_157 = tpu.memref_slice %arg9[%dma_wait3A_155, %dma_wait3A_156] : memref<40x32xi32, #tpu.memory_space<vmem>> -> memref<1x32xi32, #tpu.memory_space<vmem>>
      %dma_wait3A_158 = tpu.memref_squeeze %dma_wait3A_157 : memref<1x32xi32, #tpu.memory_space<vmem>> -> memref<32xi32, #tpu.memory_space<vmem>>
      %dma_wait3A_159 = arith.constant 0 : i32
      %dma_wait3A_160 = arith.constant 0 : i32
      %dma_wait3A_161 = tpu.memref_slice %arg25[%dma_wait3A_159, %dma_wait3A_160] : memref<10128x128xf32, #tpu.memory_space<vmem_shared>> -> memref<10128x128xf32, #tpu.memory_space<vmem_shared>>
      tpu.wait_indirect_dma semaphore(%arg20 : memref<!tpu.dma_semaphore, #tpu.memory_space<semaphore_mem>>) src(%arg10 : memref<32x128xf32, #tpu.memory_space<vmem>>) dst(%dma_wait3A_161 : memref<10128x128xf32, #tpu.memory_space<vmem_shared>>)
      %dma_wait3A_162 = arith.constant 36 : i32
      %dma_wait3A_163 = arith.constant 0 : i32
      %dma_wait3A_164 = tpu.memref_slice %arg9[%dma_wait3A_162, %dma_wait3A_163] : memref<40x32xi32, #tpu.memory_space<vmem>> -> memref<1x32xi32, #tpu.memory_space<vmem>>
      %dma_wait3A_165 = tpu.memref_squeeze %dma_wait3A_164 : memref<1x32xi32, #tpu.memory_space<vmem>> -> memref<32xi32, #tpu.memory_space<vmem>>
      %dma_wait3A_166 = arith.constant 0 : i32
      %dma_wait3A_167 = arith.constant 0 : i32
      %dma_wait3A_168 = tpu.memref_slice %arg25[%dma_wait3A_166, %dma_wait3A_167] : memref<10128x128xf32, #tpu.memory_space<vmem_shared>> -> memref<10128x128xf32, #tpu.memory_space<vmem_shared>>
      tpu.wait_indirect_dma semaphore(%arg21 : memref<!tpu.dma_semaphore, #tpu.memory_space<semaphore_mem>>) src(%arg11 : memref<32x128xf32, #tpu.memory_space<vmem>>) dst(%dma_wait3A_168 : memref<10128x128xf32, #tpu.memory_space<vmem_shared>>)
      %dma_wait3A_169 = arith.constant 37 : i32
      %dma_wait3A_170 = arith.constant 0 : i32
      %dma_wait3A_171 = tpu.memref_slice %arg9[%dma_wait3A_169, %dma_wait3A_170] : memref<40x32xi32, #tpu.memory_space<vmem>> -> memref<1x32xi32, #tpu.memory_space<vmem>>
      %dma_wait3A_172 = tpu.memref_squeeze %dma_wait3A_171 : memref<1x32xi32, #tpu.memory_space<vmem>> -> memref<32xi32, #tpu.memory_space<vmem>>
      %dma_wait3A_173 = arith.constant 0 : i32
      %dma_wait3A_174 = arith.constant 0 : i32
      %dma_wait3A_175 = tpu.memref_slice %arg25[%dma_wait3A_173, %dma_wait3A_174] : memref<10128x128xf32, #tpu.memory_space<vmem_shared>> -> memref<10128x128xf32, #tpu.memory_space<vmem_shared>>
      tpu.wait_indirect_dma semaphore(%arg22 : memref<!tpu.dma_semaphore, #tpu.memory_space<semaphore_mem>>) src(%arg12 : memref<32x128xf32, #tpu.memory_space<vmem>>) dst(%dma_wait3A_175 : memref<10128x128xf32, #tpu.memory_space<vmem_shared>>)
      %dma_wait3A_176 = arith.constant 38 : i32
      %dma_wait3A_177 = arith.constant 0 : i32
      %dma_wait3A_178 = tpu.memref_slice %arg9[%dma_wait3A_176, %dma_wait3A_177] : memref<40x32xi32, #tpu.memory_space<vmem>> -> memref<1x32xi32, #tpu.memory_space<vmem>>
      %dma_wait3A_179 = tpu.memref_squeeze %dma_wait3A_178 : memref<1x32xi32, #tpu.memory_space<vmem>> -> memref<32xi32, #tpu.memory_space<vmem>>
      %dma_wait3A_180 = arith.constant 0 : i32
      %dma_wait3A_181 = arith.constant 0 : i32
      %dma_wait3A_182 = tpu.memref_slice %arg25[%dma_wait3A_180, %dma_wait3A_181] : memref<10128x128xf32, #tpu.memory_space<vmem_shared>> -> memref<10128x128xf32, #tpu.memory_space<vmem_shared>>
      tpu.wait_indirect_dma semaphore(%arg23 : memref<!tpu.dma_semaphore, #tpu.memory_space<semaphore_mem>>) src(%arg13 : memref<32x128xf32, #tpu.memory_space<vmem>>) dst(%dma_wait3A_182 : memref<10128x128xf32, #tpu.memory_space<vmem_shared>>)
      %dma_wait3A_183 = arith.constant 39 : i32
      %dma_wait3A_184 = arith.constant 0 : i32
      %dma_wait3A_185 = tpu.memref_slice %arg9[%dma_wait3A_183, %dma_wait3A_184] : memref<40x32xi32, #tpu.memory_space<vmem>> -> memref<1x32xi32, #tpu.memory_space<vmem>>
      %dma_wait3A_186 = tpu.memref_squeeze %dma_wait3A_185 : memref<1x32xi32, #tpu.memory_space<vmem>> -> memref<32xi32, #tpu.memory_space<vmem>>
      %dma_wait3A_187 = arith.constant 0 : i32
      %dma_wait3A_188 = arith.constant 0 : i32
      %dma_wait3A_189 = tpu.memref_slice %arg25[%dma_wait3A_187, %dma_wait3A_188] : memref<10128x128xf32, #tpu.memory_space<vmem_shared>> -> memref<10128x128xf32, #tpu.memory_space<vmem_shared>>
      tpu.wait_indirect_dma semaphore(%arg24 : memref<!tpu.dma_semaphore, #tpu.memory_space<semaphore_mem>>) src(%arg14 : memref<32x128xf32, #tpu.memory_space<vmem>>) dst(%dma_wait3A_189 : memref<10128x128xf32, #tpu.memory_space<vmem_shared>>)
    }
    %scan3A_19 = arith.constant 8 : i32
    %barrier3A_20 = arith.constant 0 : index
    tpu.barrier barrier_id(%barrier3A_20)
    %eq3A_21 = arith.constant 0 : i32
    %eq3A_22 = arith.cmpi eq, %arg0, %eq3A_21 : i32
    %lt3A_23 = arith.constant 10 : i32
    %lt3A_24 = arith.cmpi slt, %arg1, %lt3A_23 : i32
    %and3A = arith.andi %eq3A_22, %lt3A_24 : i1
    %convert_element_type3A_25 = arith.extui %and3A : i1 to i32
    %cond3A_26 = arith.constant 0 : i32
    %cond3A_27 = arith.cmpi ne, %convert_element_type3A_25, %cond3A_26 : i32
    scf.if %cond3A_27 {
      %mul3A_36 = arith.constant 1000 : i32
      %mul3A_37 = arith.muli %arg1, %mul3A_36 : i32
      "tpu.region"() ({
        %run_scoped3A = tpu.sem_alloc : memref<!tpu.dma_semaphore, #tpu.memory_space<semaphore_mem>>
        %dma_start3A = arith.constant 0 : i32
        %dma_start3A_38 = tpu.memref_slice %arg6[%mul3A_37, %dma_start3A] : memref<10000x128xf32, #tpu.memory_space<hbm>> -> memref<1000x128xf32, #tpu.memory_space<hbm>>
        %dma_start3A_39 = arith.constant 0 : i32
        %dma_start3A_40 = tpu.memref_slice %arg25[%mul3A_37, %dma_start3A_39] : memref<10128x128xf32, #tpu.memory_space<vmem_shared>> -> memref<1000x128xf32, #tpu.memory_space<vmem_shared>>
        tpu.enqueue_dma source(%dma_start3A_40 : memref<1000x128xf32, #tpu.memory_space<vmem_shared>>) target(%dma_start3A_38 : memref<1000x128xf32, #tpu.memory_space<hbm>>) target_semaphore(%run_scoped3A : memref<!tpu.dma_semaphore, #tpu.memory_space<semaphore_mem>>)
        %dma_wait3A = arith.constant 0 : i32
        %dma_wait3A_41 = tpu.memref_slice %arg6[%mul3A_37, %dma_wait3A] : memref<10000x128xf32, #tpu.memory_space<hbm>> -> memref<1000x128xf32, #tpu.memory_space<hbm>>
        %dma_wait3A_42 = arith.constant 0 : i32
        %dma_wait3A_43 = tpu.memref_slice %arg25[%mul3A_37, %dma_wait3A_42] : memref<10128x128xf32, #tpu.memory_space<vmem_shared>> -> memref<1000x128xf32, #tpu.memory_space<vmem_shared>>
        tpu.wait_dma2 semaphore(%run_scoped3A : memref<!tpu.dma_semaphore, #tpu.memory_space<semaphore_mem>>) src(%dma_wait3A_43 : memref<1000x128xf32, #tpu.memory_space<vmem_shared>>) dst(%dma_wait3A_41 : memref<1000x128xf32, #tpu.memory_space<hbm>>)
        tpu.yield
      }) : () -> ()
    } else {
    }
    %eq3A_28 = arith.constant 1 : i32
    %eq3A_29 = arith.cmpi eq, %arg0, %eq3A_28 : i32
    %lt3A_30 = arith.constant 10 : i32
    %lt3A_31 = arith.cmpi slt, %arg1, %lt3A_30 : i32
    %and3A_32 = arith.andi %eq3A_29, %lt3A_31 : i1
    %convert_element_type3A_33 = arith.extui %and3A_32 : i1 to i32
    %cond3A_34 = arith.constant 0 : i32
    %cond3A_35 = arith.cmpi ne, %convert_element_type3A_33, %cond3A_34 : i32
    scf.if %cond3A_35 {
      %mul3A_36 = arith.constant 1000 : i32
      %mul3A_37 = arith.muli %arg1, %mul3A_36 : i32
      "tpu.region"() ({
        %run_scoped3A = tpu.sem_alloc : memref<!tpu.dma_semaphore, #tpu.memory_space<semaphore_mem>>
        %dma_start3A = arith.constant 0 : i32
        %dma_start3A_38 = tpu.memref_slice %arg7[%mul3A_37, %dma_start3A] : memref<10000x128xf32, #tpu.memory_space<hbm>> -> memref<1000x128xf32, #tpu.memory_space<hbm>>
        %dma_start3A_39 = arith.constant 0 : i32
        %dma_start3A_40 = tpu.memref_slice %arg25[%mul3A_37, %dma_start3A_39] : memref<10128x128xf32, #tpu.memory_space<vmem_shared>> -> memref<1000x128xf32, #tpu.memory_space<vmem_shared>>
        tpu.enqueue_dma source(%dma_start3A_40 : memref<1000x128xf32, #tpu.memory_space<vmem_shared>>) target(%dma_start3A_38 : memref<1000x128xf32, #tpu.memory_space<hbm>>) target_semaphore(%run_scoped3A : memref<!tpu.dma_semaphore, #tpu.memory_space<semaphore_mem>>)
        %dma_wait3A = arith.constant 0 : i32
        %dma_wait3A_41 = tpu.memref_slice %arg7[%mul3A_37, %dma_wait3A] : memref<10000x128xf32, #tpu.memory_space<hbm>> -> memref<1000x128xf32, #tpu.memory_space<hbm>>
        %dma_wait3A_42 = arith.constant 0 : i32
        %dma_wait3A_43 = tpu.memref_slice %arg25[%mul3A_37, %dma_wait3A_42] : memref<10128x128xf32, #tpu.memory_space<vmem_shared>> -> memref<1000x128xf32, #tpu.memory_space<vmem_shared>>
        tpu.wait_dma2 semaphore(%run_scoped3A : memref<!tpu.dma_semaphore, #tpu.memory_space<semaphore_mem>>) src(%dma_wait3A_43 : memref<1000x128xf32, #tpu.memory_space<vmem_shared>>) dst(%dma_wait3A_41 : memref<1000x128xf32, #tpu.memory_space<hbm>>)
        tpu.yield
      }) : () -> ()
    } else {
    }
    return
  }
}

module attributes {stable_mosaic.version = 14 : i64} {
  func.func @_scale_body(%arg0: i32, %arg1: memref<1000x128xf32, #tpu.memory_space<vmem>>, %arg2: memref<1000x128xf32, #tpu.memory_space<vmem>>, %arg3: memref<1000x128xf32, #tpu.memory_space<vmem>>, %arg4: memref<1000x128xf32, #tpu.memory_space<vmem>>) attributes {dimension_semantics = [#tpu.dimension_semantics<arbitrary>], iteration_bounds = array<i64: 10>, scalar_prefetch = 0 : i64, scratch_operands = 0 : i64, tpu.core_type = #tpu.core_type<tc>, window_params = [{transform_indices = @transform_0, window_bounds = array<i64: 1000, 128>}, {transform_indices = @transform_1, window_bounds = array<i64: 1000, 128>}, {transform_indices = @transform_2, window_bounds = array<i64: 1000, 128>}, {transform_indices = @transform_3, window_bounds = array<i64: 1000, 128>}]} {
    %get3A = arith.constant 0 : index
    %get3A_0 = arith.constant 0 : index
    %get3A_1 = vector.load %arg1[%get3A, %get3A_0] : memref<1000x128xf32, #tpu.memory_space<vmem>>, vector<1000x1xf32>
    %get3A_2 = arith.constant 0 : index
    %get3A_3 = arith.constant 0 : index
    %get3A_4 = vector.load %arg2[%get3A_2, %get3A_3] : memref<1000x128xf32, #tpu.memory_space<vmem>>, vector<1000x1xf32>
    %add3A = arith.addf %get3A_1, %get3A_4 : vector<1000x1xf32>
    %add3A_5 = arith.constant 1.000000e+00 : f32
    %add3A_6 = vector.broadcast %add3A_5 : f32 to vector<1000x1xf32>
    %add3A_7 = arith.addf %add3A, %add3A_6 : vector<1000x1xf32>
    %get3A_8 = arith.constant 0 : index
    %get3A_9 = arith.constant 0 : index
    %get3A_10 = vector.load %arg3[%get3A_8, %get3A_9] : memref<1000x128xf32, #tpu.memory_space<vmem>>, vector<1000x128xf32>
    %rsqrt3A = math.rsqrt %add3A_7 : vector<1000x1xf32>
    %mul3A = vector.broadcast %rsqrt3A : vector<1000x1xf32> to vector<1000x128xf32>
    %mul3A_11 = arith.mulf %get3A_10, %mul3A : vector<1000x128xf32>
    %swap3A = arith.constant 0 : index
    %swap3A_12 = arith.constant 0 : index
    %swap3A_13 = vector.load %arg4[%swap3A, %swap3A_12] : memref<1000x128xf32, #tpu.memory_space<vmem>>, vector<1000x128xf32>
    tpu.vector_store %arg4[%swap3A, %swap3A_12], %mul3A_11 {strides = array<i32>} : memref<1000x128xf32, #tpu.memory_space<vmem>>, vector<1000x128xf32>,
    return
  }
  func.func @transform_0(%arg0: i32) -> (i32, i32) {
    %c0_i32 = arith.constant 0 : i32
    %c0_i32_0 = arith.constant 0 : i32
    return %arg0, %c0_i32 : i32, i32
  }
  func.func @transform_1(%arg0: i32) -> (i32, i32) {
    %c0_i32 = arith.constant 0 : i32
    %c0_i32_0 = arith.constant 0 : i32
    return %arg0, %c0_i32 : i32, i32
  }
  func.func @transform_2(%arg0: i32) -> (i32, i32) {
    %c0_i32 = arith.constant 0 : i32
    %c0_i32_0 = arith.constant 0 : i32
    return %arg0, %c0_i32 : i32, i32
  }
  func.func @transform_3(%arg0: i32) -> (i32, i32) {
    %c0_i32 = arith.constant 0 : i32
    %c0_i32_0 = arith.constant 0 : i32
    return %arg0, %c0_i32 : i32, i32
  }
}

module attributes {stable_mosaic.version = 14 : i64} {
  func.func @_mid_body(%arg0: i32, %arg1: memref<1000x128xf32, #tpu.memory_space<vmem>>, %arg2: memref<1000x128xf32, #tpu.memory_space<vmem>>, %arg3: memref<1000x128xf32, #tpu.memory_space<vmem>>, %arg4: memref<1000x128xf32, #tpu.memory_space<vmem>>, %arg5: memref<1000x128xf32, #tpu.memory_space<vmem>>, %arg6: memref<128x512xf32, #tpu.memory_space<vmem>>, %arg7: memref<1x512xf32, #tpu.memory_space<vmem>>, %arg8: memref<512x256xf32, #tpu.memory_space<vmem>>, %arg9: memref<2000x128xf32, #tpu.memory_space<vmem>>) attributes {dimension_semantics = [#tpu.dimension_semantics<arbitrary>], iteration_bounds = array<i64: 10>, scalar_prefetch = 0 : i64, scratch_operands = 0 : i64, tpu.core_type = #tpu.core_type<tc>, window_params = [{transform_indices = @transform_0, window_bounds = array<i64: 1000, 128>}, {transform_indices = @transform_1, window_bounds = array<i64: 1000, 128>}, {transform_indices = @transform_2, window_bounds = array<i64: 1000, 128>}, {transform_indices = @transform_3, window_bounds = array<i64: 1000, 128>}, {transform_indices = @transform_4, window_bounds = array<i64: 1000, 128>}, {pipeline_mode = #tpu.pipeline_mode<synchronous>, transform_indices = @transform_5, window_bounds = array<i64: 128, 512>}, {pipeline_mode = #tpu.pipeline_mode<synchronous>, transform_indices = @transform_6, window_bounds = array<i64: 1, 512>}, {pipeline_mode = #tpu.pipeline_mode<synchronous>, transform_indices = @transform_7, window_bounds = array<i64: 512, 256>}, {transform_indices = @transform_8, window_bounds = array<i64: 2000, 128>}]} {
    %get3A = arith.constant 0 : index
    %get3A_0 = arith.constant 0 : index
    %get3A_1 = vector.load %arg4[%get3A, %get3A_0] : memref<1000x128xf32, #tpu.memory_space<vmem>>, vector<1000x1xf32>
    %get3A_2 = arith.constant 0 : index
    %get3A_3 = arith.constant 0 : index
    %get3A_4 = vector.load %arg5[%get3A_2, %get3A_3] : memref<1000x128xf32, #tpu.memory_space<vmem>>, vector<1000x1xf32>
    %add3A = arith.addf %get3A_1, %get3A_4 : vector<1000x1xf32>
    %add3A_5 = arith.constant 1.000000e+00 : f32
    %add3A_6 = vector.broadcast %add3A_5 : f32 to vector<1000x1xf32>
    %add3A_7 = arith.addf %add3A, %add3A_6 : vector<1000x1xf32>
    %rsqrt3A = math.rsqrt %add3A_7 : vector<1000x1xf32>
    %get3A_8 = arith.constant 0 : index
    %get3A_9 = arith.constant 0 : index
    %get3A_10 = vector.load %arg1[%get3A_8, %get3A_9] : memref<1000x128xf32, #tpu.memory_space<vmem>>, vector<1000x128xf32>
    %get3A_11 = arith.constant 0 : index
    %get3A_12 = arith.constant 0 : index
    %get3A_13 = vector.load %arg2[%get3A_11, %get3A_12] : memref<1000x128xf32, #tpu.memory_space<vmem>>, vector<1000x128xf32>
    %add3A_14 = arith.addf %get3A_10, %get3A_13 : vector<1000x128xf32>
    %get3A_15 = arith.constant 0 : index
    %get3A_16 = arith.constant 0 : index
    %get3A_17 = vector.load %arg3[%get3A_15, %get3A_16] : memref<1000x128xf32, #tpu.memory_space<vmem>>, vector<1000x128xf32>
    %add3A_18 = arith.addf %add3A_14, %get3A_17 : vector<1000x128xf32>
    %mul3A = vector.broadcast %rsqrt3A : vector<1000x1xf32> to vector<1000x128xf32>
    %mul3A_19 = arith.mulf %add3A_18, %mul3A : vector<1000x128xf32>
    %get3A_20 = arith.constant 0 : index
    %get3A_21 = arith.constant 0 : index
    %get3A_22 = vector.load %arg6[%get3A_20, %get3A_21] : memref<128x512xf32, #tpu.memory_space<vmem>>, vector<128x512xf32>
    %dot_general3A = arith.constant dense<0.000000e+00> : vector<1000x512xf32>
    %dot_general3A_23 = tpu.matmul %mul3A_19, %get3A_22, %dot_general3A {dimension_numbers = #tpu.dot_dimension_numbers<[1], [0], [0], [1], [0, 0, 1, 1], [], []>, transpose_lhs_hint = false} : vector<1000x128xf32>, vector<128x512xf32>, vector<1000x512xf32> -> vector<1000x512xf32>
    %get3A_24 = arith.constant 0 : index
    %get3A_25 = arith.constant 0 : index
    %get3A_26 = vector.load %arg7[%get3A_24, %get3A_25] : memref<1x512xf32, #tpu.memory_space<vmem>>, vector<1x512xf32>
    %add3A_27 = vector.broadcast %get3A_26 : vector<1x512xf32> to vector<1000x512xf32>
    %add3A_28 = arith.addf %dot_general3A_23, %add3A_27 : vector<1000x512xf32>
    %max3A = arith.constant 0.000000e+00 : f32
    %max3A_29 = vector.broadcast %max3A : f32 to vector<1000x512xf32>
    %max3A_30 = arith.maximumf %add3A_28, %max3A_29 : vector<1000x512xf32>
    %get3A_31 = arith.constant 0 : index
    %get3A_32 = arith.constant 0 : index
    %get3A_33 = vector.load %arg8[%get3A_31, %get3A_32] : memref<512x256xf32, #tpu.memory_space<vmem>>, vector<512x256xf32>
    %dot_general3A_34 = arith.constant dense<0.000000e+00> : vector<1000x256xf32>
    %dot_general3A_35 = tpu.matmul %max3A_30, %get3A_33, %dot_general3A_34 {dimension_numbers = #tpu.dot_dimension_numbers<[1], [0], [0], [1], [0, 0, 1, 1], [], []>, transpose_lhs_hint = false} : vector<1000x512xf32>, vector<512x256xf32>, vector<1000x256xf32> -> vector<1000x256xf32>
    %mul3A_36 = vector.broadcast %rsqrt3A : vector<1000x1xf32> to vector<1000x256xf32>
    %mul3A_37 = arith.mulf %dot_general3A_35, %mul3A_36 : vector<1000x256xf32>
    %reshape3A = vector.shape_cast %mul3A_37 : vector<1000x256xf32> to vector<2000x128xf32>
    %swap3A = arith.constant 0 : index
    %swap3A_38 = arith.constant 0 : index
    %swap3A_39 = vector.load %arg9[%swap3A, %swap3A_38] : memref<2000x128xf32, #tpu.memory_space<vmem>>, vector<2000x128xf32>
    tpu.vector_store %arg9[%swap3A, %swap3A_38], %reshape3A {strides = array<i32>} : memref<2000x128xf32, #tpu.memory_space<vmem>>, vector<2000x128xf32>,
    return
  }
  func.func @transform_0(%arg0: i32) -> (i32, i32) {
    %c0_i32 = arith.constant 0 : i32
    %c0_i32_0 = arith.constant 0 : i32
    return %arg0, %c0_i32 : i32, i32
  }
  func.func @transform_1(%arg0: i32) -> (i32, i32) {
    %c0_i32 = arith.constant 0 : i32
    %c0_i32_0 = arith.constant 0 : i32
    return %arg0, %c0_i32 : i32, i32
  }
  func.func @transform_2(%arg0: i32) -> (i32, i32) {
    %c0_i32 = arith.constant 0 : i32
    %c0_i32_0 = arith.constant 0 : i32
    return %arg0, %c0_i32 : i32, i32
  }
  func.func @transform_3(%arg0: i32) -> (i32, i32) {
    %c0_i32 = arith.constant 0 : i32
    %c0_i32_0 = arith.constant 0 : i32
    return %arg0, %c0_i32 : i32, i32
  }
  func.func @transform_4(%arg0: i32) -> (i32, i32) {
    %c0_i32 = arith.constant 0 : i32
    %c0_i32_0 = arith.constant 0 : i32
    return %arg0, %c0_i32 : i32, i32
  }
  func.func @transform_5(%arg0: i32) -> (i32, i32) {
    %c0_i32 = arith.constant 0 : i32
    %c0_i32_0 = arith.constant 0 : i32
    %c0_i32_1 = arith.constant 0 : i32
    return %c0_i32, %c0_i32_0 : i32, i32
  }
  func.func @transform_6(%arg0: i32) -> (i32, i32) {
    %c0_i32 = arith.constant 0 : i32
    %c0_i32_0 = arith.constant 0 : i32
    %c0_i32_1 = arith.constant 0 : i32
    return %c0_i32, %c0_i32_0 : i32, i32
  }
  func.func @transform_7(%arg0: i32) -> (i32, i32) {
    %c0_i32 = arith.constant 0 : i32
    %c0_i32_0 = arith.constant 0 : i32
    %c0_i32_1 = arith.constant 0 : i32
    return %c0_i32, %c0_i32_0 : i32, i32
  }
  func.func @transform_8(%arg0: i32) -> (i32, i32) {
    %c0_i32 = arith.constant 0 : i32
    %c0_i32_0 = arith.constant 0 : i32
    return %arg0, %c0_i32 : i32, i32
  }
}

module attributes {stable_mosaic.version = 14 : i64} {
  func.func @_final_body(%arg0: i32, %arg1: memref<1000x128xf32, #tpu.memory_space<vmem>>, %arg2: memref<1000x128xf32, #tpu.memory_space<vmem>>, %arg3: memref<2000x128xf32, #tpu.memory_space<vmem>>, %arg4: memref<1000x128xf32, #tpu.memory_space<vmem>>, %arg5: memref<1000x128xf32, #tpu.memory_space<vmem>>, %arg6: memref<1x256xf32, #tpu.memory_space<vmem>>, %arg7: memref<1000x250xf32, #tpu.memory_space<vmem>>) attributes {dimension_semantics = [#tpu.dimension_semantics<arbitrary>], iteration_bounds = array<i64: 10>, scalar_prefetch = 0 : i64, scratch_operands = 0 : i64, tpu.core_type = #tpu.core_type<tc>, window_params = [{transform_indices = @transform_0, window_bounds = array<i64: 1000, 128>}, {transform_indices = @transform_1, window_bounds = array<i64: 1000, 128>}, {transform_indices = @transform_2, window_bounds = array<i64: 2000, 128>}, {transform_indices = @transform_3, window_bounds = array<i64: 1000, 128>}, {transform_indices = @transform_4, window_bounds = array<i64: 1000, 128>}, {pipeline_mode = #tpu.pipeline_mode<synchronous>, transform_indices = @transform_5, window_bounds = array<i64: 1, 256>}, {transform_indices = @transform_6, window_bounds = array<i64: 1000, 250>}]} {
    %get3A = arith.constant 0 : index
    %get3A_0 = arith.constant 0 : index
    %get3A_1 = vector.load %arg4[%get3A, %get3A_0] : memref<1000x128xf32, #tpu.memory_space<vmem>>, vector<1000x1xf32>
    %get3A_2 = arith.constant 0 : index
    %get3A_3 = arith.constant 0 : index
    %get3A_4 = vector.load %arg5[%get3A_2, %get3A_3] : memref<1000x128xf32, #tpu.memory_space<vmem>>, vector<1000x1xf32>
    %add3A = arith.addf %get3A_1, %get3A_4 : vector<1000x1xf32>
    %add3A_5 = arith.constant 1.000000e+00 : f32
    %add3A_6 = vector.broadcast %add3A_5 : f32 to vector<1000x1xf32>
    %add3A_7 = arith.addf %add3A, %add3A_6 : vector<1000x1xf32>
    %rsqrt3A = math.rsqrt %add3A_7 : vector<1000x1xf32>
    %get3A_8 = arith.constant 0 : index
    %get3A_9 = arith.constant 0 : index
    %get3A_10 = vector.load %arg3[%get3A_8, %get3A_9] : memref<2000x128xf32, #tpu.memory_space<vmem>>, vector<2000x128xf32>
    %reshape3A = vector.shape_cast %get3A_10 : vector<2000x128xf32> to vector<1000x256xf32>
    %get3A_11 = arith.constant 0 : index
    %get3A_12 = arith.constant 0 : index
    %get3A_13 = vector.load %arg1[%get3A_11, %get3A_12] : memref<1000x128xf32, #tpu.memory_space<vmem>>, vector<1000x128xf32>
    %get3A_14 = arith.constant 0 : index
    %get3A_15 = arith.constant 0 : index
    %get3A_16 = vector.load %arg2[%get3A_14, %get3A_15] : memref<1000x128xf32, #tpu.memory_space<vmem>>, vector<1000x128xf32>
    %concatenate3A = tpu.concatenate %get3A_13, %get3A_16 in 1 : vector<1000x128xf32>, vector<1000x128xf32> -> vector<1000x256xf32>
    %add3A_17 = arith.addf %concatenate3A, %reshape3A : vector<1000x256xf32>
    %mul3A = vector.broadcast %rsqrt3A : vector<1000x1xf32> to vector<1000x256xf32>
    %mul3A_18 = arith.mulf %add3A_17, %mul3A : vector<1000x256xf32>
    %get3A_19 = arith.constant 0 : index
    %get3A_20 = arith.constant 0 : index
    %get3A_21 = vector.load %arg6[%get3A_19, %get3A_20] : memref<1x256xf32, #tpu.memory_space<vmem>>, vector<1x256xf32>
    %add3A_22 = vector.broadcast %get3A_21 : vector<1x256xf32> to vector<1000x256xf32>
    %add3A_23 = arith.addf %mul3A_18, %add3A_22 : vector<1000x256xf32>
    %max3A = arith.constant 0.000000e+00 : f32
    %max3A_24 = vector.broadcast %max3A : f32 to vector<1000x256xf32>
    %max3A_25 = arith.maximumf %add3A_23, %max3A_24 : vector<1000x256xf32>
    %slice3A = vector.extract_strided_slice %max3A_25 {offsets = [0, 0], sizes = [1000, 250], strides = [1, 1]} : vector<1000x256xf32> to vector<1000x250xf32>
    %swap3A = arith.constant 0 : index
    %swap3A_26 = arith.constant 0 : index
    %swap3A_27 = vector.load %arg7[%swap3A, %swap3A_26] : memref<1000x250xf32, #tpu.memory_space<vmem>>, vector<1000x250xf32>
    tpu.vector_store %arg7[%swap3A, %swap3A_26], %slice3A {strides = array<i32>} : memref<1000x250xf32, #tpu.memory_space<vmem>>, vector<1000x250xf32>,
    return
  }
  func.func @transform_0(%arg0: i32) -> (i32, i32) {
    %c0_i32 = arith.constant 0 : i32
    %c0_i32_0 = arith.constant 0 : i32
    return %arg0, %c0_i32 : i32, i32
  }
  func.func @transform_1(%arg0: i32) -> (i32, i32) {
    %c0_i32 = arith.constant 0 : i32
    %c0_i32_0 = arith.constant 0 : i32
    return %arg0, %c0_i32 : i32, i32
  }
  func.func @transform_2(%arg0: i32) -> (i32, i32) {
    %c0_i32 = arith.constant 0 : i32
    %c0_i32_0 = arith.constant 0 : i32
    return %arg0, %c0_i32 : i32, i32
  }
  func.func @transform_3(%arg0: i32) -> (i32, i32) {
    %c0_i32 = arith.constant 0 : i32
    %c0_i32_0 = arith.constant 0 : i32
    return %arg0, %c0_i32 : i32, i32
  }
  func.func @transform_4(%arg0: i32) -> (i32, i32) {
    %c0_i32 = arith.constant 0 : i32
    %c0_i32_0 = arith.constant 0 : i32
    return %arg0, %c0_i32 : i32, i32
  }
  func.func @transform_5(%arg0: i32) -> (i32, i32) {
    %c0_i32 = arith.constant 0 : i32
    %c0_i32_0 = arith.constant 0 : i32
    %c0_i32_1 = arith.constant 0 : i32
    return %c0_i32, %c0_i32_0 : i32, i32
  }
  func.func @transform_6(%arg0: i32) -> (i32, i32) {
    %c0_i32 = arith.constant 0 : i32
    %c0_i32_0 = arith.constant 0 : i32
    return %arg0, %c0_i32 : i32, i32
  }
}

</mosaic_0001>

<sc_bundles>
// kernel: kernel.11.cloned.1.call-start
scs
__scs_entry_jumppad:
0x0: {  	(pc) =	sbr.rel $0x88, $3  }
0x1: {  	(tag) =	ssettag $0x0;
	lr =	simm.s32 $0x1  }
0x2: {  	[smem:$0x3F9B] =	sst lr;
	_ =	strace $0xD0000000  }
0x3: {  	_ = 	snop  }
0x4: {  	_ = 	snop  }
0x5: {  	_ = 	snop  }
0x6: {  	_ = 	snop  }
0x7: {  	_ = 	snop  }
__scs_overlays_trampoline_lowered:
0x8: {  	[smem:$0x3FAA] =	sst s0  }
0x9: {  	[smem:$0x3FAB] =	sst s1  }
0xa: {  	[smem:$0x3FAC] =	sst s2  }
0xb: {  	[smem:$0x3FAD] =	sst s3  }
0xc: {  	[smem:$0x3FAE] =	sst s4  }
0xd: {  	[smem:$0x3FAF] =	sst s5  }
0xe: {  	[smem:$0x3FB0] =	sst s6  }
0xf: {  	[smem:$0x3FB1] =	sst s7  }
0x10: {  	[smem:$0x3FB2] =	sst s8  }
0x11: {  	[smem:$0x3FB3] =	sst s9;
	s0 =	simm.s32 @!p0 $0x0  }
0x12: {  	s1 =	sld [smem:$0x3F99];
	s0 =	simm.s32 @p0 $0x1  }
0x13: {  	[smem:$0x3FB4] =	sst s0;
	s0 =	simm.s32 @!p1 $0x0  }
0x14: {  	s2 =	sld [smem:$0x3F98];
	s0 =	simm.s32 @p1 $0x1  }
0x15: {  	[smem:$0x3FB5] =	sst s0;
	s0 =	simm.s32 @!p2 $0x0  }
0x16: {  	s3 =	sld [smem:$0x3FDB];
	s0 =	simm.s32 @p2 $0x1  }
0x17: {  	s4 =	simm.s32 $0x1BF5;
	[smem:$0x3FB7] =	sst s0  }
0x18: {  	s0 =	sld [smem:$0x3F9A];
	_ =	swait.ge [sflag:s4], $0x0  }
0x19: {  	s7 =	sld [smem:$0x3F9B]  }
0x1a: {  	s8 =	sadd.s32 $0xFFFFE003, lr  }
0x1b: {  	s9 =	sadd.s32 $0xFFFFFEF7, lr;
	s5 =	simm.s32 $0xFFFFFFFF;
	p2 =	slt.u32 s8, $0xFFFFF086  }
0x1c: {  	p1 =	slt.u32 s9, $0xF7A;
	s5 =	simm.s32 @!p2 $0x0  }
0x1d: {  	s5 =	simm.s32 @p1 $0x1;
	p0 =	seq.s32 s7, s2  }
0x1e: {  	s7 =	smul.u32 @!p0 $0xF7A, s2;
	p2 =	seq.s32 @!p0 s5, $0x0  }
0x1f: {  	s9 =	smul.u32 $0xF7A, s1;
	s8 =	simm.s32 @!p0 $0x1BF5;
	p2 =	por !p2, p0  }
0x20: {  	[sflag:s8] =	ssyncset.s32 @!p0 $0xFFFFF086;
	s6 =	sadd.s32 @!p0 s3, s7;
	s7 =	simm.s32 @!p0 $0x108  }
0x21: {  	s3 =	sadd.s32 s3, s9;
	s6 =	sadd.s32 @!p0 $0x88, s6;
	s7 =	simm.s32 @p2 $0x1082  }
0x22: {  	[simem:s7], [sflag:s8] =	dma.local @!p0 [hbm:s6], $0xF7A  }
0x23: {  	s9 =	sor.u32 $0xD0000000, s2;
	s6 =	simm.s32 $0x108;
	_ =	swait.ge @!p0 [sflag:s8], $0x0  }
0x24: {  	s3 =	sadd.s32 $0x88, s3;
	s6 =	simm.s32 @!p1 $0x1082;
	[sflag:s4] =	ssyncset.s32 $0xFFFFF086  }
0x25: {  	[simem:s6], [sflag:s4] =	dma.local [hbm:s3], $0xF7A  }
0x26: {  	[smem:$0x3F9B] =	sst s1;
	(tag) =	ssettag s2;
	_ =	strace s9  }
0x27: {  	s1 =	sld [smem:$0x3FAB]  }
0x28: {  	s2 =	sld [smem:$0x3FAC]  }
0x29: {  	s4 =	sld [smem:$0x3FAE]  }
0x2a: {  	p0 =	seq.s32 s5, $0x0;
	s5 =	sld [smem:$0x3FAF]  }
0x2b: {  	s6 =	sld [smem:$0x3FB0]  }
0x2c: {  	s7 =	sld [smem:$0x3FB1]  }
0x2d: {  	s3 =	simm.s32 $0x108;
	s8 =	sld [smem:$0x3FB2]  }
0x2e: {  	s3 =	simm.s32 @!p0 $0x1082;
	s9 =	sld [smem:$0x3FB3]  }
0x2f: {  	lr =	sadd.s32 s0, s3;
	s0 =	sld [smem:$0x3FAA]  }
0x30: {  	s3 =	sld [smem:$0x3FAD]  }
0x31: {  	[smem:$0x3FB6] =	sst s10  }
0x32: {  	s10 =	sld [smem:$0x3FB4];
	_ =	sdelay $0x3  }
0x33: {  	p0 =	seq.s32 s10, $0x1;
	s10 =	sld [smem:$0x3FB6];
	_ =	sdelay $0x3  }
0x34: {  	[smem:$0x3FB6] =	sst s10  }
0x35: {  	s10 =	sld [smem:$0x3FB5];
	_ =	sdelay $0x3  }
0x36: {  	p1 =	seq.s32 s10, $0x1;
	s10 =	sld [smem:$0x3FB6];
	_ =	sdelay $0x3  }
0x37: {  	[smem:$0x3FB6] =	sst s10  }
0x38: {  	s10 =	sld [smem:$0x3FB7]  }
0x39: {  	_ = 	snop;
	(pc) =	sbr.ind lr, $3  }
0x3a: {  	_ = 	snop  }
0x3b: {  	_ = 	snop  }
0x3c: {  	p2 =	seq.s32 s10, $0x1;
	s10 =	sld [smem:$0x3FB6]  }
0x3d: {  	_ =	shalt  }
0x3e: {  	_ =	shalt  }
0x3f: {  	_ =	shalt  }
0x40: {  	_ =	shalt  }
0x41: {  	_ =	shalt  }
0x42: {  	_ =	shalt  }
0x43: {  	_ =	shalt  }
0x44: {  	_ =	shalt  }
0x45: {  	_ =	shalt  }
0x46: {  	_ =	shalt  }
0x47: {  	_ =	shalt  }
0x48: {  	_ =	shalt  }
0x49: {  	_ =	shalt  }
0x4a: {  	_ =	shalt  }
0x4b: {  	_ =	shalt  }
0x4c: {  	_ =	shalt  }
0x4d: {  	_ =	shalt  }
0x4e: {  	_ =	shalt  }
0x4f: {  	_ =	shalt  }
0x50: {  	_ =	shalt  }
0x51: {  	_ =	shalt  }
0x52: {  	_ =	shalt  }
0x53: {  	_ =	shalt  }
0x54: {  	_ =	shalt  }
0x55: {  	_ =	shalt  }
0x56: {  	_ =	shalt  }
0x57: {  	_ =	shalt  }
0x58: {  	_ =	shalt  }
0x59: {  	_ =	shalt  }
0x5a: {  	_ =	shalt  }
0x5b: {  	_ =	shalt  }
0x5c: {  	_ =	shalt  }
0x5d: {  	_ =	shalt  }
0x5e: {  	_ =	shalt  }
0x5f: {  	_ =	shalt  }
0x60: {  	_ =	shalt  }
0x61: {  	_ =	shalt  }
0x62: {  	_ =	shalt  }
0x63: {  	_ =	shalt  }
0x64: {  	_ =	shalt  }
0x65: {  	_ =	shalt  }
0x66: {  	_ =	shalt  }
0x67: {  	_ =	shalt  }
0x68: {  	_ =	shalt  }
0x69: {  	_ =	shalt  }
0x6a: {  	_ =	shalt  }
0x6b: {  	_ =	shalt  }
0x6c: {  	_ =	shalt  }
0x6d: {  	_ =	shalt  }
0x6e: {  	_ =	shalt  }
0x6f: {  	_ =	shalt  }
0x70: {  	_ =	shalt  }
0x71: {  	_ =	shalt  }
0x72: {  	_ =	shalt  }
0x73: {  	_ =	shalt  }
0x74: {  	_ =	shalt  }
0x75: {  	_ =	shalt  }
0x76: {  	_ =	shalt  }
0x77: {  	_ =	shalt  }
0x78: {  	_ =	shalt  }
0x79: {  	_ =	shalt  }
0x7a: {  	_ =	shalt  }
0x7b: {  	_ =	shalt  }
0x7c: {  	_ =	shalt  }
0x7d: {  	_ =	shalt  }
0x7e: {  	_ =	shalt  }
0x7f: {  	_ =	shalt  }
0x80: {  	_ =	shalt  }
0x81: {  	_ =	shalt  }
0x82: {  	_ =	shalt  }
0x83: {  	_ =	shalt  }
0x84: {  	_ =	shalt  }
0x85: {  	_ =	shalt  }
0x86: {  	_ =	shalt  }
0x87: {  	_ =	shalt  }
.Lfunc_end0:
.L_simem_size_0:
called_computation.1_lowered:
.L_overlay_start_0:
0x88: {  	s2 =	sld [smem:$0x3FD9]  }
0x89: {  	s3 =	sld [smem:$0x3FFE];
	_ =	sdelay $0x1  }
0x8a: {  	s1 =	srdreg.scid  }
0x8b: {  	s0 =	sand.u32 $0x1, s1  }
0x8c: {  	s17 =	sshll.u32 s0, $0xA;
	s2 =	sadd.s32 s3, s2  }
0x8d: {  	s2 =	sadd.s32 s2, s17  }
0x8e: {  	[smem:$0x3FC2] =	sst s2  }
0x8f: {  	_ = 	snop  }
0x90: {  	s2 =	sld [smem:$0x3FD0];
	(tm) =	ssettm $0x1  }
0x91: {  	s18 =	sld [smem:$0x3FFB];
	_ =	sdelay $0x3  }
0x92: {  	_ =	strace s18  }
0x93: {  	s3 =	sld [smem:$0x3FFC];
	_ =	sdelay $0x3  }
0x94: {  	_ =	strace s3  }
0x95: {  	s3 =	sld [smem:$0x3FFD];
	_ =	sdelay $0x3  }
0x96: {  	_ =	strace s3  }
0x97: {  	_ =	strace $0x8FFFFFFF  }
0x98: {  	s19 =	sld [smem:$0x3FDB];
	_ =	sdelay $0x1  }
0x99: {  	s4 =	simm.s32 $_scs_section_size  }
0x9a: {  	s5 =	simm.s32 $_size__tile_overlayer_lowered;
	s6 =	simm.s32 $_tile_overlayer_lowered  }
0x9b: {  	s22 =	simm.s32 $0x1BFF;
	s21 =	sshll.u32 s6, $0x1;
	s3 =	sadd.s32 s4, s19  }
0x9c: {  	s7 =	simm.s32 $0x0;
	s20 =	sshll.u32 s5, $0x1;
	s5 =	sadd.s32 s21, s3  }
0x9d: {  	[timem:s7], [sflag:s22] =	dma.local [hbm:s5], s20  }
0x9e: {  	_ =	swait.ge [sflag:s22], s20  }
0x9f: {  	s4 =	ssub.s32 $0x0, s20;
	[sflag:s22] =	ssyncset.done $0x0  }
0xa0: {  	[sflag:s22] =	ssyncadd.s32 s4;
	_ =	sdelay $0x1  }
0xa1: {  	s23 =	simm.s32 $0x1B8B  }
0xa2: {  	_ =	swait.ge [sflag:s23], $0x1  }
0xa3: {  	[sflag:s23] =	ssyncset.done $0x0  }
0xa4: {  	s25 =	simm.s32 $0x1B8E;
	s24 =	sld [smem:$0x3FFE];
	[sflag:s23] =	ssyncadd.s32 $0xFFFFFFFF  }
0xa5: {  	s26 =	simm.s32 $execute0_lowered;
	[smem:$0x3FD2] =	sst s25  }
0xa6: {  	s5 =	sshll.u32 s26, $0x1;
	_ =	strace $0x80000049;
	[dreg:$0x1] =	wrdreg $0xFFFFFFFF  }
0xa7: {  	s28 =	simm.s32 $_size_execute0_lowered;
	s3 =	sadd.s32 s3, s5;
	[dreg:$0x0] =	wrdreg $0x0  }
0xa8: {  	s5 =	sshll.u32 s28, $0x1;
	[dreg:$0x2] =	wrdreg s3  }
0xa9: {  	[dreg:$0x3] =	wrdreg s5  }
0xaa: {  	[dreg:$0x4] =	wrdreg $0xC0  }
0xab: {  	_ =	task [dreg:s7], $0x5FFFF  }
0xac: {  	[dreg:$0x1] =	wrdreg $0xFFFFFFFF  }
0xad: {  	[dreg:$0x0] =	wrdreg $0x60  }
0xae: {  	[dreg:$0x2] =	wrdreg s24  }
0xaf: {  	[dreg:$0x3] =	wrdreg s2  }
0xb0: {  	[dreg:$0x4] =	wrdreg $0x78000  }
0xb1: {  	[dreg:$0x5] =	wrdreg $0x9  }
0xb2: {  	_ =	task.clear_ibuf [dreg:s7], $0x6FFFF;
	_ =	strace $0x90000049  }
0xb3: {  	s29 =	simm.s32 $0x9;
	_ =	strace $0x8000004B  }
0xb4: {  	_ =	swait.ge [sflag:s29], $0x1  }
0xb5: {  	[sflag:s29] =	ssyncadd.s32 $0xFFFFFFFF  }
0xb6: {  	_ =	strace $0x9000004B  }
0xb7: {  	_ =	sfence  }
0xb8: {  	s30 =	sld [smem:$0x0];
	_ =	sdelay $0x2  }
0xb9: {  	s31 =	sshll.u32 s1, $0xD;
	s1 =	sshrl.u32 s1, $0x2  }
0xba: {  	s3 =	sand.u32 $0x4000, s31;
	s1 =	sadd.s32 s1, s30  }
0xbb: {  	s0 =	sor.u32 s3, s0;
	s1 =	sshll.u32 s1, $0x11  }
0xbc: {  	s0 =	sor.u32 s1, s0  }
0xbd: {  	s0 =	sadd.s32 $0x8F2B, s0  }
0xbe: {  	[sflag:s0] =	ssyncadd.remote.s32 $0x1  }
0xbf: {  	_ =	sfence.sel $0xFFFF  }
0xc0: {  	[dreg:$0x0] =	wrdreg $0xFFFFFFFF;
	(pc) =	sbr.abs _section_cstart, $3  }
0xc1: {  	[dreg:$0x1] =	wrdreg $0xFFFFFFFF  }
0xc2: {  	_ =	task.clear_ibuf [dreg:s7], $0x2FFFF;
	_ =	strace $0x9FFFFFFF  }
0xc3: {  	(tm) =	ssettm $0x7FFFFFFF  }
tec
execute0_lowered:
.L_overlay_start_1:
0x0: {  	(tag) =	ssettag $0x1  }
0x1: {  	s0 =	rddreg [dreg:$0x0]  }
0x2: {  	s2 =	rddreg [dreg:$0x2];
	s24 =	simm.s32 $0x0  }
0x3: {  	s1 =	srdreg.scid;
	s12 =	stileid.u32;
	s18 =	simm.s32 $0xB  }
0x4: {  	s20 =	simm.s32 $0x20;
	s28 =	simm.s32 $0x5800;
	s30 =	simm.s32 $0x6800  }
0x5: {  	s31 =	simm.s32 $0x1;
	s14 =	simm.s32 $0x7;
	s15 =	simm.s32 $0x9  }
0x6: {  	s16 =	simm.s32 $0xA;
	s17 =	simm.s32 $0x2580;
	s19 =	simm.s32 $0x2780  }
0x7: {  	[smem:$0x7FF] =	sst s24;
	s1 =	sand.u32 $0x1, s1;
	s3 =	smul.u32 $0x3E80, s12  }
0x8: {  	s5 =	sadd.s32 $0x2C400, s0;
	s6 =	sadd.s32 $0x7AA00, s0;
	s8 =	smul.u32 $0x7D000, s12  }
0x9: {  	p1 =	slt.u32 s12, $0xA;
	s9 =	smul.u32 $0x140, s12;
	_ =	strace $0x8000004A  }
0xa: {  	s4 =	ssub.s32 $0x2, s1;
	s22 =	sshll.u32 s1, $0x4;
	s23 =	smul.u32 $0x1400, s1  }
0xb: {  	p0 =	seq.s32 s1, $0x0;
	p2 =	seq.s32 s1, $0x1;
	s7 =	sshrl.u32 s4, $0x1  }
0xc: {  	s3 =	sadd.s32 s3, s0;
	s0 =	sadd.s32 $0x2BB00, s0;
	s21 =	sshrl.u32 s8, $0x2  }
0xd: {  	p0 =	por !p0, !p1;
	p2 =	por !p1, !p2;
	p1 =	sgt.u32 s12, $0x9  }
0xe: {  	s8 =	simm.s32 $0x2600;
	s4 =	ssub.s32 s4, s7;
	s7 =	sadd.s32 $0x138800, s2  }
0xf: {  	[dreg:$0x5] =	wrdreg s0;
	s13 =	sadd.s32 s21, s2;
	s0 =	sor.u32 s12, s22  }
0x10: {  	s10 =	sadd.s32 $0x4A00, s3;
	s11 =	sadd.s32 s9, s23;
	p0 =	por !p0, !p0  }
0x11: {  	s25 =	sadd.s32 $0xA2A00, s3;
	p2 =	por !p2, !p2;
	s26 =	sadd.s32 $0xC9C00, s3  }
0x12: {  	p3 =	sne.s32 @p1 s12, $0xA;
	s21 =	simm.s32 $0x2800;
	[dreg:$0x7] =	wrdreg s10  }
0x13: {  	s23 =	simm.s32 $0x3800;
	s9 =	simm.s32 $0x4;
	[dreg:$0x8] =	wrdreg s25  }
0x14: {  	s3 =	simm.s32 $0x8;
	s10 =	smul.u32 $0x140, s0;
	[dreg:$0x9] =	wrdreg s26  }
0x15: {  	s29 =	smax.u32 s4, $0x1;
	p3 =	por p3, !p1;
	s0 =	sshll.u32 @!p1 s12, $0x6  }
0x16: {  	[dreg:$0x6] =	wrdreg s13;
	s25 =	simm.s32 $0x4800;
	s12 =	simm.s32 $0x5  }
0x17: {  	s4 =	simm.s32 $0x2680;
	[dreg:$0xa] =	wrdreg s29;
	s1 =	sshrl.u32 @!p3 s7, $0x3  }
0x18: {  	s0 =	sor.u32 @!p1 $0x1C0B, s0;
	s7 =	simm.s32 $0x3;
	[dreg:$0xb] =	wrdreg s1  }
0x19: {  	[dreg:$0xc] =	wrdreg s0;
	s0 =	sshrl.u32 @!p1 s13, $0x3;
	s13 =	simm.s32 $0x6  }
0x1a: {  	s1 =	simm.s32 $0x2700;
	[dreg:$0xd] =	wrdreg s0;
	s0 =	simm.s32 $0x2  }
.LBB2_1:
0x1b: {  	[dreg:$0x4] =	wrdreg s24  }
0x1c: {  	s24 =	rddreg [dreg:$0x5]  }
0x1d: {  	s22 =	simm.s32 @!p3 $0x1E8B;
	s26 =	rddreg [dreg:$0xb]  }
0x1e: {  	[spmem:s26], [sflag:s22] =	dma.local @!p3 [hbm:s24], $0x800  }
0x1f: {  	s22 =	simm.s32 @!p3 $0xB  }
0x20: {  	_ =	swait.ge @!p3 [sflag:s22], $0x800  }
0x21: {  	s24 =	rddreg [dreg:$0xc]  }
0x22: {  	[sflag:s22] =	ssyncset.done @!p3 $0x0;
	s26 =	rddreg [dreg:$0xd]  }
0x23: {  	[sflag:s22] =	ssyncadd.s32 @!p3 $0xFFFFF800;
	s22 =	rddreg [dreg:$0x7]  }
0x24: {  	[spmem:s26], [sflag:s24] =	dma.local @!p1 [hbm:s22], $0x3E80  }
0x25: {  	s22 =	simm.s32 @!p1 $0xB  }
0x26: {  	_ =	swait.ge @!p1 [sflag:s22], $0x3E80  }
0x27: {  	[sflag:s22] =	ssyncset.done @!p1 $0x0  }
0x28: {  	[sflag:s22] =	ssyncadd.s32 @!p1 $0xFFFFC180  }
0x29: {  	s22 =	simm.s32 $0x0;
	[bflag:$0x0] =	sbarrier.arrive $0xFFFF  }
.LBB2_2:
0x2a: {  	s24 =	smul.u32 $0x28, s22;
	_ =	sdelay $0x1  }
0x2b: {  	s26 =	sadd.s32 s10, s24  }
0x2c: {  	s26 =	sshll.u32 s26, $0x4  }
0x2d: {  	s29 =	simm.s32 $0x0;
	s26 =	sadd.s32 s6, s26  }
0x2e: {  	[tilespmem:s29], [sflag:$0xB] =	stream.linear.gather [hbm4b:s26+s29], $0x1400, $0x38;
	[tilespmem:$0x1B480] =	vst v63  }
0x2f: {  	_ =	swait.ge [sflag:s18], $0x1400  }
0x30: {  	[sflag:s18] =	ssyncset.done $0x0  }
0x31: {  	s24 =	sadd.s32 s24, s11;
	[sflag:s18] =	ssyncadd.s32 $0xFFFFEC00  }
0x32: {  	s24 =	sshll.u32 s24, $0x4;
	s26 =	rddreg [dreg:$0x1]  }
0x33: {  	s24 =	sadd.s32 s26, s24;
	s26 =	simm.s32 $0x1400  }
0x34: {  	[tilespmem:s26], [sflag:$0xB] =	stream.linear.gather [hbm4b:s24+s29], $0x1400, $0x38;
	[tilespmem:$0x1B480] =	vst v63  }
0x35: {  	_ =	swait.ge [sflag:s18], $0x1400  }
0x36: {  	[sflag:s18] =	ssyncset.done $0x0  }
0x37: {  	[sflag:s18] =	ssyncadd.s32 $0xFFFFEC00  }
0x38: {  	[tilespmem:s21], [sflag:$0x1] =	stream.indirect.gather [hbm4b:s5+s20], $0x80, s29, s20, $0xb8;
	[tilespmem:$0x1B480] =	vst v63  }
0x39: {  	s29 =	simm.s32 $0x80  }
0x3a: {  	[tilespmem:s23], [sflag:$0x2] =	stream.indirect.gather [hbm4b:s5+s20], $0x80, s29, s20, $0xb8;
	[tilespmem:$0x1B480] =	vst v63  }
0x3b: {  	s26 =	simm.s32 $0x100  }
0x3c: {  	[tilespmem:s25], [sflag:$0x3] =	stream.indirect.gather [hbm4b:s5+s20], $0x80, s26, s20, $0xb8;
	[tilespmem:$0x1B480] =	vst v63  }
0x3d: {  	s29 =	simm.s32 $0x180  }
0x3e: {  	[tilespmem:s28], [sflag:$0x4] =	stream.indirect.gather [hbm4b:s5+s20], $0x80, s29, s20, $0xb8;
	[tilespmem:$0x1B480] =	vst v63  }
0x3f: {  	s26 =	simm.s32 $0x200  }
0x40: {  	[tilespmem:s30], [sflag:$0x5] =	stream.indirect.gather [hbm4b:s5+s20], $0x80, s26, s20, $0xb8;
	[tilespmem:$0x1B480] =	vst v63  }
0x41: {  	_ =	swait.ge [sflag:s31], $0x1000  }
0x42: {  	[sflag:s31] =	ssyncset.done $0x0  }
0x43: {  	s29 =	simm.s32 $0x1400;
	[sflag:s31] =	ssyncadd.s32 $0xFFFFF000  }
0x44: {  	[spmem:s2] =	stream.indirect.scatter.add.f32 [tilespmem:s21], [sflag:$0x6], $0x80, s29, s20, $0xb8;
	[tilespmem:$0x1B480] =	vst v63  }
0x45: {  	_ =	swait.ge [sflag:s0], $0x1000  }
0x46: {  	[sflag:s0] =	ssyncset.done $0x0  }
0x47: {  	s26 =	simm.s32 $0x1480;
	[sflag:s0] =	ssyncadd.s32 $0xFFFFF000  }
0x48: {  	[spmem:s2] =	stream.indirect.scatter.add.f32 [tilespmem:s23], [sflag:$0x7], $0x80, s26, s20, $0xb8;
	[tilespmem:$0x1B480] =	vst v63  }
0x49: {  	_ =	swait.ge [sflag:s7], $0x1000  }
0x4a: {  	[sflag:s7] =	ssyncset.done $0x0  }
0x4b: {  	s29 =	simm.s32 $0x1500;
	[sflag:s7] =	ssyncadd.s32 $0xFFFFF000  }
0x4c: {  	[spmem:s2] =	stream.indirect.scatter.add.f32 [tilespmem:s25], [sflag:$0x8], $0x80, s29, s20, $0xb8;
	[tilespmem:$0x1B480] =	vst v63  }
0x4d: {  	_ =	swait.ge [sflag:s9], $0x1000  }
0x4e: {  	[sflag:s9] =	ssyncset.done $0x0  }
0x4f: {  	s26 =	simm.s32 $0x1580;
	[sflag:s9] =	ssyncadd.s32 $0xFFFFF000  }
0x50: {  	[spmem:s2] =	stream.indirect.scatter.add.f32 [tilespmem:s28], [sflag:$0x9], $0x80, s26, s20, $0xb8;
	[tilespmem:$0x1B480] =	vst v63  }
0x51: {  	_ =	swait.ge [sflag:s12], $0x1000  }
0x52: {  	[sflag:s12] =	ssyncset.done $0x0  }
0x53: {  	s29 =	simm.s32 $0x1600;
	[sflag:s12] =	ssyncadd.s32 $0xFFFFF000  }
0x54: {  	[spmem:s2] =	stream.indirect.scatter.add.f32 [tilespmem:s30], [sflag:$0xA], $0x80, s29, s20, $0xb8;
	[tilespmem:$0x1B480] =	vst v63  }
0x55: {  	_ =	swait.ge [sflag:s13], $0x1000  }
0x56: {  	[sflag:s13] =	ssyncset.done $0x0  }
0x57: {  	s26 =	simm.s32 $0x280;
	[sflag:s13] =	ssyncadd.s32 $0xFFFFF000  }
0x58: {  	[tilespmem:s21], [sflag:$0x1] =	stream.indirect.gather [hbm4b:s5+s20], $0x80, s26, s20, $0xb8;
	[tilespmem:$0x1B480] =	vst v63  }
0x59: {  	_ =	swait.ge [sflag:s14], $0x1000  }
0x5a: {  	[sflag:s14] =	ssyncset.done $0x0  }
0x5b: {  	s29 =	simm.s32 $0x300;
	[sflag:s14] =	ssyncadd.s32 $0xFFFFF000  }
0x5c: {  	[tilespmem:s23], [sflag:$0x2] =	stream.indirect.gather [hbm4b:s5+s20], $0x80, s29, s20, $0xb8;
	[tilespmem:$0x1B480] =	vst v63  }
0x5d: {  	_ =	swait.ge [sflag:s3], $0x1000  }
0x5e: {  	[sflag:s3] =	ssyncset.done $0x0  }
0x5f: {  	s26 =	simm.s32 $0x380;
	[sflag:s3] =	ssyncadd.s32 $0xFFFFF000  }
0x60: {  	[tilespmem:s25], [sflag:$0x3] =	stream.indirect.gather [hbm4b:s5+s20], $0x80, s26, s20, $0xb8;
	[tilespmem:$0x1B480] =	vst v63  }
0x61: {  	_ =	swait.ge [sflag:s15], $0x1000  }
0x62: {  	[sflag:s15] =	ssyncset.done $0x0  }
0x63: {  	s29 =	simm.s32 $0x400;
	[sflag:s15] =	ssyncadd.s32 $0xFFFFF000  }
0x64: {  	[tilespmem:s28], [sflag:$0x4] =	stream.indirect.gather [hbm4b:s5+s20], $0x80, s29, s20, $0xb8;
	[tilespmem:$0x1B480] =	vst v63  }
0x65: {  	_ =	swait.ge [sflag:s16], $0x1000  }
0x66: {  	[sflag:s16] =	ssyncset.done $0x0  }
0x67: {  	s24 =	simm.s32 $0xA00;
	s26 =	simm.s32 $0x480;
	[sflag:s16] =	ssyncadd.s32 $0xFFFFF000  }
.LBB2_3:
0x68: {  	[tilespmem:s30], [sflag:$0x5] =	stream.indirect.gather [hbm4b:s5+s20], $0x80, s26, s20, $0xb8;
	[tilespmem:$0x1B480] =	vst v63  }
0x69: {  	s26 =	smov.u32 s24  }
0x6a: {  	p4 =	sne.s32 s24, $0x3C00;
	s24 =	sadd.s32 $0xA00, s24;
	_ =	swait.ge [sflag:s31], $0x1000  }
0x6b: {  	s26 =	sshra.s32 s26, $0x2;
	[sflag:s31] =	ssyncset.done $0x0  }
0x6c: {  	s29 =	sadd.s32 $0x1400, s26;
	[sflag:s31] =	ssyncadd.s32 $0xFFFFF000  }
0x6d: {  	[spmem:s2] =	stream.indirect.scatter.add.f32 [tilespmem:s21], [sflag:$0x6], $0x80, s29, s20, $0xb8;
	[tilespmem:$0x1B480] =	vst v63  }
0x6e: {  	_ =	swait.ge [sflag:s0], $0x1000  }
0x6f: {  	[sflag:s0] =	ssyncset.done $0x0  }
0x70: {  	s29 =	sadd.s32 $0x1480, s26;
	[sflag:s0] =	ssyncadd.s32 $0xFFFFF000  }
0x71: {  	[spmem:s2] =	stream.indirect.scatter.add.f32 [tilespmem:s23], [sflag:$0x7], $0x80, s29, s20, $0xb8;
	[tilespmem:$0x1B480] =	vst v63  }
0x72: {  	_ =	swait.ge [sflag:s7], $0x1000  }
0x73: {  	[sflag:s7] =	ssyncset.done $0x0  }
0x74: {  	s29 =	sadd.s32 $0x1500, s26;
	[sflag:s7] =	ssyncadd.s32 $0xFFFFF000  }
0x75: {  	[spmem:s2] =	stream.indirect.scatter.add.f32 [tilespmem:s25], [sflag:$0x8], $0x80, s29, s20, $0xb8;
	[tilespmem:$0x1B480] =	vst v63  }
0x76: {  	_ =	swait.ge [sflag:s9], $0x1000  }
0x77: {  	[sflag:s9] =	ssyncset.done $0x0  }
0x78: {  	s29 =	sadd.s32 $0x1580, s26;
	[sflag:s9] =	ssyncadd.s32 $0xFFFFF000  }
0x79: {  	[spmem:s2] =	stream.indirect.scatter.add.f32 [tilespmem:s28], [sflag:$0x9], $0x80, s29, s20, $0xb8;
	[tilespmem:$0x1B480] =	vst v63  }
0x7a: {  	_ =	swait.ge [sflag:s12], $0x1000  }
0x7b: {  	[sflag:s12] =	ssyncset.done $0x0  }
0x7c: {  	s29 =	sadd.s32 $0x1600, s26;
	[sflag:s12] =	ssyncadd.s32 $0xFFFFF000  }
0x7d: {  	[spmem:s2] =	stream.indirect.scatter.add.f32 [tilespmem:s30], [sflag:$0xA], $0x80, s29, s20, $0xb8;
	[tilespmem:$0x1B480] =	vst v63  }
0x7e: {  	_ =	swait.ge [sflag:s13], $0x1000  }
0x7f: {  	[sflag:s13] =	ssyncset.done $0x0  }
0x80: {  	s29 =	sadd.s32 $0x280, s26;
	[sflag:s13] =	ssyncadd.s32 $0xFFFFF000  }
0x81: {  	[tilespmem:s21], [sflag:$0x1] =	stream.indirect.gather [hbm4b:s5+s20], $0x80, s29, s20, $0xb8;
	[tilespmem:$0x1B480] =	vst v63  }
0x82: {  	_ =	swait.ge [sflag:s14], $0x1000  }
0x83: {  	[sflag:s14] =	ssyncset.done $0x0  }
0x84: {  	s29 =	sadd.s32 $0x300, s26;
	[sflag:s14] =	ssyncadd.s32 $0xFFFFF000  }
0x85: {  	[tilespmem:s23], [sflag:$0x2] =	stream.indirect.gather [hbm4b:s5+s20], $0x80, s29, s20, $0xb8;
	[tilespmem:$0x1B480] =	vst v63  }
0x86: {  	_ =	swait.ge [sflag:s3], $0x1000  }
0x87: {  	[sflag:s3] =	ssyncset.done $0x0  }
0x88: {  	s29 =	sadd.s32 $0x380, s26;
	[sflag:s3] =	ssyncadd.s32 $0xFFFFF000  }
0x89: {  	[tilespmem:s25], [sflag:$0x3] =	stream.indirect.gather [hbm4b:s5+s20], $0x80, s29, s20, $0xb8;
	[tilespmem:$0x1B480] =	vst v63  }
0x8a: {  	_ =	swait.ge [sflag:s15], $0x1000  }
0x8b: {  	[sflag:s15] =	ssyncset.done $0x0  }
.Ltmp0:
0x8c: {  	s29 =	sadd.s32 $0x400, s26;
	[sflag:s15] =	ssyncadd.s32 $0xFFFFF000;
	(pc) =	sbr.rel @p4 .LBB2_3-.Ltmp0, $4  }
0x8d: {  	[tilespmem:s28], [sflag:$0x4] =	stream.indirect.gather [hbm4b:s5+s20], $0x80, s29, s20, $0xb8;
	[tilespmem:$0x1B480] =	vst v63  }
0x8e: {  	_ =	swait.ge [sflag:s16], $0x1000  }
0x8f: {  	[sflag:s16] =	ssyncset.done $0x0  }
0x90: {  	s26 =	sadd.s32 $0x480, s26;
	[sflag:s16] =	ssyncadd.s32 $0xFFFFF000  }
0x91: {  	[tilespmem:s30], [sflag:$0x5] =	stream.indirect.gather [hbm4b:s5+s20], $0x80, s26, s20, $0xb8;
	[tilespmem:$0x1B480] =	vst v63  }
0x92: {  	_ =	swait.ge [sflag:s31], $0x1000  }
0x93: {  	[sflag:s31] =	ssyncset.done $0x0  }
0x94: {  	[sflag:s31] =	ssyncadd.s32 $0xFFFFF000  }
0x95: {  	[spmem:s2] =	stream.indirect.scatter.add.f32 [tilespmem:s21], [sflag:$0x6], $0x80, s17, s20, $0xb8;
	[tilespmem:$0x1B480] =	vst v63  }
0x96: {  	_ =	swait.ge [sflag:s0], $0x1000  }
0x97: {  	[sflag:s0] =	ssyncset.done $0x0  }
0x98: {  	[sflag:s0] =	ssyncadd.s32 $0xFFFFF000  }
0x99: {  	[spmem:s2] =	stream.indirect.scatter.add.f32 [tilespmem:s23], [sflag:$0x7], $0x80, s8, s20, $0xb8;
	[tilespmem:$0x1B480] =	vst v63  }
0x9a: {  	_ =	swait.ge [sflag:s7], $0x1000  }
0x9b: {  	[sflag:s7] =	ssyncset.done $0x0  }
0x9c: {  	[sflag:s7] =	ssyncadd.s32 $0xFFFFF000  }
0x9d: {  	[spmem:s2] =	stream.indirect.scatter.add.f32 [tilespmem:s25], [sflag:$0x8], $0x80, s4, s20, $0xb8;
	[tilespmem:$0x1B480] =	vst v63  }
0x9e: {  	_ =	swait.ge [sflag:s9], $0x1000  }
0x9f: {  	[sflag:s9] =	ssyncset.done $0x0  }
0xa0: {  	[sflag:s9] =	ssyncadd.s32 $0xFFFFF000  }
0xa1: {  	[spmem:s2] =	stream.indirect.scatter.add.f32 [tilespmem:s28], [sflag:$0x9], $0x80, s1, s20, $0xb8;
	[tilespmem:$0x1B480] =	vst v63  }
0xa2: {  	_ =	swait.ge [sflag:s12], $0x1000  }
0xa3: {  	[sflag:s12] =	ssyncset.done $0x0  }
0xa4: {  	[sflag:s12] =	ssyncadd.s32 $0xFFFFF000  }
0xa5: {  	[spmem:s2] =	stream.indirect.scatter.add.f32 [tilespmem:s30], [sflag:$0xA], $0x80, s19, s20, $0xb8;
	[tilespmem:$0x1B480] =	vst v63  }
0xa6: {  	_ =	swait.ge [sflag:s13], $0x1000  }
0xa7: {  	[sflag:s13] =	ssyncset.done $0x0  }
0xa8: {  	[sflag:s13] =	ssyncadd.s32 $0xFFFFF000  }
0xa9: {  	_ =	swait.ge [sflag:s14], $0x1000  }
0xaa: {  	[sflag:s14] =	ssyncset.done $0x0  }
0xab: {  	[sflag:s14] =	ssyncadd.s32 $0xFFFFF000  }
0xac: {  	_ =	swait.ge [sflag:s3], $0x1000  }
0xad: {  	[sflag:s3] =	ssyncset.done $0x0  }
0xae: {  	s22 =	sadd.s32 $0x1, s22;
	[sflag:s3] =	ssyncadd.s32 $0xFFFFF000  }
0xaf: {  	p4 =	sne.s32 s22, $0x8;
	_ =	swait.ge [sflag:s15], $0x1000  }
.Ltmp1:
0xb0: {  	[sflag:s15] =	ssyncset.done $0x0;
	(pc) =	sbr.rel @p4 .LBB2_2-.Ltmp1, $4  }
0xb1: {  	[sflag:s15] =	ssyncadd.s32 $0xFFFFF000  }
0xb2: {  	_ =	swait.ge [sflag:s16], $0x1000  }
0xb3: {  	[sflag:s16] =	ssyncset.done $0x0  }
0xb4: {  	[sflag:s16] =	ssyncadd.s32 $0xFFFFF000  }
0xb5: {  	s22 =	stileid.u32;
	[bflag:$0x0] =	sbarrier.arrive $0xFFFF  }
0xb6: {  	s22 =	sshll.u32 @p0 s22, $0x6;
	s26 =	rddreg [dreg:$0x6]  }
0xb7: {  	s29 =	rddreg [dreg:$0x8];
	s22 =	sor.u32 @p0 $0x1C0B, s22;
	s24 =	sshrl.u32 @p0 s26, $0x3  }
0xb8: {  	[hbm:s29], [sflag:s22] =	dma.local @p0 [spmem:s24], $0x3E80  }
0xb9: {  	s22 =	simm.s32 @p0 $0xB  }
0xba: {  	_ =	swait.ge @p0 [sflag:s22], $0x3E80  }
0xbb: {  	s24 =	stileid.u32;
	[sflag:s22] =	ssyncset.done @p0 $0x0  }
0xbc: {  	s24 =	sshll.u32 @p2 s24, $0x6;
	[sflag:s22] =	ssyncadd.s32 @p0 $0xFFFFC180  }
0xbd: {  	s22 =	sor.u32 @p2 $0x1C0B, s24;
	s24 =	sshrl.u32 @p2 s26, $0x3;
	s26 =	rddreg [dreg:$0x9]  }
0xbe: {  	[hbm:s26], [sflag:s22] =	dma.local @p2 [spmem:s24], $0x3E80  }
0xbf: {  	s22 =	simm.s32 @p2 $0xB  }
0xc0: {  	_ =	swait.ge @p2 [sflag:s22], $0x3E80  }
0xc1: {  	s26 =	rddreg [dreg:$0x4]  }
0xc2: {  	s29 =	rddreg [dreg:$0xa];
	s24 =	sadd.s32 $0x1, s26  }
0xc3: {  	p4 =	sne.s32 s24, s29  }
.Ltmp2:
0xc4: {  	_ = 	snop;
	(pc) =	sbr.rel @p4 .LBB2_1-.Ltmp2, $3  }
0xc5: {  	_ =	sdelay $0x1  }
0xc6: {  	[sflag:s22] =	ssyncset.done @p2 $0x0  }
0xc7: {  	[sflag:s22] =	ssyncadd.s32 @p2 $0xFFFFC180  }
0xc8: {  	_ =	sfence.sel $0x180000  }
0xc9: {  	[bflag:$0x0] =	sbarrier.arrive $0xFFFF  }
0xca: {  	_ =	strace $0x9000004A  }
0xcb: {  	s0 =	stileid.u32;
	[bflag:$0x2] =	sbarrier.arrive $0xFFFF  }
0xcc: {  	p0 =	sne.s32 s0, $0x0;
	s0 =	rddreg [dreg:$0x3]  }
0xcd: {  	s0 =	sadd.s32 @!p0 $0x100000, s0  }
0xce: {  	[sflag:s0] =	ssyncadd.tile.s32 @!p0 $0x1;
	_ =	shalt  }
.Lfunc_end2:
_tile_overlayer_lowered:
.L_overlay_start_2:
0xcf: {  	(tag) =	ssettag $0x2  }
0xd0: {  	s0 =	rddreg [dreg:$0x0];
	s2 =	stileid.u32  }
0xd1: {  	s1 =	rddreg [dreg:$0x1];
	p0 =	sne.s32 s2, $0x0  }
0xd2: {  	s3 =	rddreg [dreg:$0x2];
	[bflag:$0x3] =	sbarrier.arrive $0xFFFF;
	s2 =	simm.s32 @!p0 $0x1C0B  }
0xd3: {  	[timem:s3], [sflag:s2] =	dma.local @!p0 [hbm:s0], s1  }
0xd4: {  	s0 =	simm.s32 @!p0 $0xB  }
0xd5: {  	_ =	swait.ge @!p0 [sflag:s0], s1  }
0xd6: {  	s1 =	ssub.s32 @!p0 $0x0, s1;
	[sflag:s0] =	ssyncset.done @!p0 $0x0  }
0xd7: {  	[sflag:s0] =	ssyncadd.s32 @!p0 s1  }
0xd8: {  	[bflag:$0x3] =	sbarrier.arrive $0xFFFF  }
0xd9: {  	_ =	shalt  }

// kernel: kernel.14.cloned.1.call-start
scs
__scs_entry_jumppad:
0x0: {  	(pc) =	sbr.rel $0x88, $3  }
0x1: {  	(tag) =	ssettag $0x0;
	lr =	simm.s32 $0x1  }
0x2: {  	[smem:$0x3F9B] =	sst lr;
	_ =	strace $0xD0000000  }
0x3: {  	_ = 	snop  }
0x4: {  	_ = 	snop  }
0x5: {  	_ = 	snop  }
0x6: {  	_ = 	snop  }
0x7: {  	_ = 	snop  }
__scs_overlays_trampoline_lowered:
0x8: {  	[smem:$0x3FAA] =	sst s0  }
0x9: {  	[smem:$0x3FAB] =	sst s1  }
0xa: {  	[smem:$0x3FAC] =	sst s2  }
0xb: {  	[smem:$0x3FAD] =	sst s3  }
0xc: {  	[smem:$0x3FAE] =	sst s4  }
0xd: {  	[smem:$0x3FAF] =	sst s5  }
0xe: {  	[smem:$0x3FB0] =	sst s6  }
0xf: {  	[smem:$0x3FB1] =	sst s7  }
0x10: {  	[smem:$0x3FB2] =	sst s8  }
0x11: {  	[smem:$0x3FB3] =	sst s9;
	s0 =	simm.s32 @!p0 $0x0  }
0x12: {  	s1 =	sld [smem:$0x3F99];
	s0 =	simm.s32 @p0 $0x1  }
0x13: {  	[smem:$0x3FB4] =	sst s0;
	s0 =	simm.s32 @!p1 $0x0  }
0x14: {  	s2 =	sld [smem:$0x3F98];
	s0 =	simm.s32 @p1 $0x1  }
0x15: {  	[smem:$0x3FB5] =	sst s0;
	s0 =	simm.s32 @!p2 $0x0  }
0x16: {  	s3 =	sld [smem:$0x3FDB];
	s0 =	simm.s32 @p2 $0x1  }
0x17: {  	s4 =	simm.s32 $0x1BF5;
	[smem:$0x3FB7] =	sst s0  }
0x18: {  	s0 =	sld [smem:$0x3F9A];
	_ =	swait.ge [sflag:s4], $0x0  }
0x19: {  	s7 =	sld [smem:$0x3F9B]  }
0x1a: {  	s8 =	sadd.s32 $0xFFFFE003, lr  }
0x1b: {  	s9 =	sadd.s32 $0xFFFFFEF7, lr;
	s5 =	simm.s32 $0xFFFFFFFF;
	p2 =	slt.u32 s8, $0xFFFFF086  }
0x1c: {  	p1 =	slt.u32 s9, $0xF7A;
	s5 =	simm.s32 @!p2 $0x0  }
0x1d: {  	s5 =	simm.s32 @p1 $0x1;
	p0 =	seq.s32 s7, s2  }
0x1e: {  	s7 =	smul.u32 @!p0 $0xF7A, s2;
	p2 =	seq.s32 @!p0 s5, $0x0  }
0x1f: {  	s9 =	smul.u32 $0xF7A, s1;
	s8 =	simm.s32 @!p0 $0x1BF5;
	p2 =	por !p2, p0  }
0x20: {  	[sflag:s8] =	ssyncset.s32 @!p0 $0xFFFFF086;
	s6 =	sadd.s32 @!p0 s3, s7;
	s7 =	simm.s32 @!p0 $0x108  }
0x21: {  	s3 =	sadd.s32 s3, s9;
	s6 =	sadd.s32 @!p0 $0x88, s6;
	s7 =	simm.s32 @p2 $0x1082  }
0x22: {  	[simem:s7], [sflag:s8] =	dma.local @!p0 [hbm:s6], $0xF7A  }
0x23: {  	s9 =	sor.u32 $0xD0000000, s2;
	s6 =	simm.s32 $0x108;
	_ =	swait.ge @!p0 [sflag:s8], $0x0  }
0x24: {  	s3 =	sadd.s32 $0x88, s3;
	s6 =	simm.s32 @!p1 $0x1082;
	[sflag:s4] =	ssyncset.s32 $0xFFFFF086  }
0x25: {  	[simem:s6], [sflag:s4] =	dma.local [hbm:s3], $0xF7A  }
0x26: {  	[smem:$0x3F9B] =	sst s1;
	(tag) =	ssettag s2;
	_ =	strace s9  }
0x27: {  	s1 =	sld [smem:$0x3FAB]  }
0x28: {  	s2 =	sld [smem:$0x3FAC]  }
0x29: {  	s4 =	sld [smem:$0x3FAE]  }
0x2a: {  	p0 =	seq.s32 s5, $0x0;
	s5 =	sld [smem:$0x3FAF]  }
0x2b: {  	s6 =	sld [smem:$0x3FB0]  }
0x2c: {  	s7 =	sld [smem:$0x3FB1]  }
0x2d: {  	s3 =	simm.s32 $0x108;
	s8 =	sld [smem:$0x3FB2]  }
0x2e: {  	s3 =	simm.s32 @!p0 $0x1082;
	s9 =	sld [smem:$0x3FB3]  }
0x2f: {  	lr =	sadd.s32 s0, s3;
	s0 =	sld [smem:$0x3FAA]  }
0x30: {  	s3 =	sld [smem:$0x3FAD]  }
0x31: {  	[smem:$0x3FB6] =	sst s10  }
0x32: {  	s10 =	sld [smem:$0x3FB4];
	_ =	sdelay $0x3  }
0x33: {  	p0 =	seq.s32 s10, $0x1;
	s10 =	sld [smem:$0x3FB6];
	_ =	sdelay $0x3  }
0x34: {  	[smem:$0x3FB6] =	sst s10  }
0x35: {  	s10 =	sld [smem:$0x3FB5];
	_ =	sdelay $0x3  }
0x36: {  	p1 =	seq.s32 s10, $0x1;
	s10 =	sld [smem:$0x3FB6];
	_ =	sdelay $0x3  }
0x37: {  	[smem:$0x3FB6] =	sst s10  }
0x38: {  	s10 =	sld [smem:$0x3FB7]  }
0x39: {  	_ = 	snop;
	(pc) =	sbr.ind lr, $3  }
0x3a: {  	_ = 	snop  }
0x3b: {  	_ = 	snop  }
0x3c: {  	p2 =	seq.s32 s10, $0x1;
	s10 =	sld [smem:$0x3FB6]  }
0x3d: {  	_ =	shalt  }
0x3e: {  	_ =	shalt  }
0x3f: {  	_ =	shalt  }
0x40: {  	_ =	shalt  }
0x41: {  	_ =	shalt  }
0x42: {  	_ =	shalt  }
0x43: {  	_ =	shalt  }
0x44: {  	_ =	shalt  }
0x45: {  	_ =	shalt  }
0x46: {  	_ =	shalt  }
0x47: {  	_ =	shalt  }
0x48: {  	_ =	shalt  }
0x49: {  	_ =	shalt  }
0x4a: {  	_ =	shalt  }
0x4b: {  	_ =	shalt  }
0x4c: {  	_ =	shalt  }
0x4d: {  	_ =	shalt  }
0x4e: {  	_ =	shalt  }
0x4f: {  	_ =	shalt  }
0x50: {  	_ =	shalt  }
0x51: {  	_ =	shalt  }
0x52: {  	_ =	shalt  }
0x53: {  	_ =	shalt  }
0x54: {  	_ =	shalt  }
0x55: {  	_ =	shalt  }
0x56: {  	_ =	shalt  }
0x57: {  	_ =	shalt  }
0x58: {  	_ =	shalt  }
0x59: {  	_ =	shalt  }
0x5a: {  	_ =	shalt  }
0x5b: {  	_ =	shalt  }
0x5c: {  	_ =	shalt  }
0x5d: {  	_ =	shalt  }
0x5e: {  	_ =	shalt  }
0x5f: {  	_ =	shalt  }
0x60: {  	_ =	shalt  }
0x61: {  	_ =	shalt  }
0x62: {  	_ =	shalt  }
0x63: {  	_ =	shalt  }
0x64: {  	_ =	shalt  }
0x65: {  	_ =	shalt  }
0x66: {  	_ =	shalt  }
0x67: {  	_ =	shalt  }
0x68: {  	_ =	shalt  }
0x69: {  	_ =	shalt  }
0x6a: {  	_ =	shalt  }
0x6b: {  	_ =	shalt  }
0x6c: {  	_ =	shalt  }
0x6d: {  	_ =	shalt  }
0x6e: {  	_ =	shalt  }
0x6f: {  	_ =	shalt  }
0x70: {  	_ =	shalt  }
0x71: {  	_ =	shalt  }
0x72: {  	_ =	shalt  }
0x73: {  	_ =	shalt  }
0x74: {  	_ =	shalt  }
0x75: {  	_ =	shalt  }
0x76: {  	_ =	shalt  }
0x77: {  	_ =	shalt  }
0x78: {  	_ =	shalt  }
0x79: {  	_ =	shalt  }
0x7a: {  	_ =	shalt  }
0x7b: {  	_ =	shalt  }
0x7c: {  	_ =	shalt  }
0x7d: {  	_ =	shalt  }
0x7e: {  	_ =	shalt  }
0x7f: {  	_ =	shalt  }
0x80: {  	_ =	shalt  }
0x81: {  	_ =	shalt  }
0x82: {  	_ =	shalt  }
0x83: {  	_ =	shalt  }
0x84: {  	_ =	shalt  }
0x85: {  	_ =	shalt  }
0x86: {  	_ =	shalt  }
0x87: {  	_ =	shalt  }
.Lfunc_end0:
.L_simem_size_0:
called_computation.2_lowered:
.L_overlay_start_0:
0x88: {  	s2 =	sld [smem:$0x3FD9]  }
0x89: {  	s3 =	sld [smem:$0x3FFE];
	_ =	sdelay $0x1  }
0x8a: {  	s1 =	srdreg.scid  }
0x8b: {  	s0 =	sand.u32 $0x1, s1  }
0x8c: {  	s17 =	sshll.u32 s0, $0xA;
	s2 =	sadd.s32 s3, s2  }
0x8d: {  	s2 =	sadd.s32 s2, s17  }
0x8e: {  	[smem:$0x3FC2] =	sst s2  }
0x8f: {  	_ = 	snop  }
0x90: {  	s2 =	sld [smem:$0x3FD0];
	(tm) =	ssettm $0x1  }
0x91: {  	s18 =	sld [smem:$0x3FFB];
	_ =	sdelay $0x3  }
0x92: {  	_ =	strace s18  }
0x93: {  	s3 =	sld [smem:$0x3FFC];
	_ =	sdelay $0x3  }
0x94: {  	_ =	strace s3  }
0x95: {  	s3 =	sld [smem:$0x3FFD];
	_ =	sdelay $0x3  }
0x96: {  	_ =	strace s3  }
0x97: {  	_ =	strace $0x8FFFFFFF  }
0x98: {  	s19 =	sld [smem:$0x3FDB];
	_ =	sdelay $0x1  }
0x99: {  	s4 =	simm.s32 $_scs_section_size  }
0x9a: {  	s5 =	simm.s32 $_size__tile_overlayer_lowered;
	s6 =	simm.s32 $_tile_overlayer_lowered  }
0x9b: {  	s22 =	simm.s32 $0x1BFF;
	s21 =	sshll.u32 s6, $0x1;
	s3 =	sadd.s32 s4, s19  }
0x9c: {  	s7 =	simm.s32 $0x0;
	s20 =	sshll.u32 s5, $0x1;
	s5 =	sadd.s32 s21, s3  }
0x9d: {  	[timem:s7], [sflag:s22] =	dma.local [hbm:s5], s20  }
0x9e: {  	_ =	swait.ge [sflag:s22], s20  }
0x9f: {  	s4 =	ssub.s32 $0x0, s20;
	[sflag:s22] =	ssyncset.done $0x0  }
0xa0: {  	[sflag:s22] =	ssyncadd.s32 s4;
	_ =	sdelay $0x1  }
0xa1: {  	s23 =	simm.s32 $0x1B8B  }
0xa2: {  	_ =	swait.ge [sflag:s23], $0x1  }
0xa3: {  	[sflag:s23] =	ssyncset.done $0x0  }
0xa4: {  	s25 =	simm.s32 $0x1B8E;
	s24 =	sld [smem:$0x3FFE];
	[sflag:s23] =	ssyncadd.s32 $0xFFFFFFFF  }
0xa5: {  	s26 =	simm.s32 $execute0_lowered;
	[smem:$0x3FD2] =	sst s25  }
0xa6: {  	s5 =	sshll.u32 s26, $0x1;
	_ =	strace $0x8000004C;
	[dreg:$0x1] =	wrdreg $0xFFFFFFFF  }
0xa7: {  	s28 =	simm.s32 $_size_execute0_lowered;
	s3 =	sadd.s32 s3, s5;
	[dreg:$0x0] =	wrdreg $0x0  }
0xa8: {  	s5 =	sshll.u32 s28, $0x1;
	[dreg:$0x2] =	wrdreg s3  }
0xa9: {  	[dreg:$0x3] =	wrdreg s5  }
0xaa: {  	[dreg:$0x4] =	wrdreg $0xC0  }
0xab: {  	_ =	task [dreg:s7], $0x5FFFF  }
0xac: {  	[dreg:$0x1] =	wrdreg $0xFFFFFFFF  }
0xad: {  	[dreg:$0x0] =	wrdreg $0x60  }
0xae: {  	[dreg:$0x2] =	wrdreg s24  }
0xaf: {  	[dreg:$0x3] =	wrdreg s2  }
0xb0: {  	[dreg:$0x4] =	wrdreg $0x78000  }
0xb1: {  	[dreg:$0x5] =	wrdreg $0x9  }
0xb2: {  	_ =	task.clear_ibuf [dreg:s7], $0x6FFFF;
	_ =	strace $0x9000004C  }
0xb3: {  	s29 =	simm.s32 $0x9;
	_ =	strace $0x8000004E  }
0xb4: {  	_ =	swait.ge [sflag:s29], $0x1  }
0xb5: {  	[sflag:s29] =	ssyncadd.s32 $0xFFFFFFFF  }
0xb6: {  	_ =	strace $0x9000004E  }
0xb7: {  	_ =	sfence  }
0xb8: {  	s30 =	sld [smem:$0x0];
	_ =	sdelay $0x2  }
0xb9: {  	s31 =	sshll.u32 s1, $0xD;
	s1 =	sshrl.u32 s1, $0x2  }
0xba: {  	s3 =	sand.u32 $0x4000, s31;
	s1 =	sadd.s32 s1, s30  }
0xbb: {  	s0 =	sor.u32 s3, s0;
	s1 =	sshll.u32 s1, $0x11  }
0xbc: {  	s0 =	sor.u32 s1, s0  }
0xbd: {  	s0 =	sadd.s32 $0x8F2B, s0  }
0xbe: {  	[sflag:s0] =	ssyncadd.remote.s32 $0x1  }
0xbf: {  	_ =	sfence.sel $0xFFFF  }
0xc0: {  	[dreg:$0x0] =	wrdreg $0xFFFFFFFF;
	(pc) =	sbr.abs _section_cstart, $3  }
0xc1: {  	[dreg:$0x1] =	wrdreg $0xFFFFFFFF  }
0xc2: {  	_ =	task.clear_ibuf [dreg:s7], $0x2FFFF;
	_ =	strace $0x9FFFFFFF  }
0xc3: {  	(tm) =	ssettm $0x7FFFFFFF  }
tec
execute0_lowered:
.L_overlay_start_1:
0x0: {  	(tag) =	ssettag $0x1  }
0x1: {  	s0 =	rddreg [dreg:$0x0]  }
0x2: {  	s3 =	rddreg [dreg:$0x2];
	s24 =	simm.s32 $0x0;
	s9 =	stileid.u32  }
0x3: {  	s1 =	srdreg.scid;
	s18 =	simm.s32 $0xB;
	s28 =	simm.s32 $0x5800  }
0x4: {  	s30 =	simm.s32 $0x6800;
	s31 =	simm.s32 $0x1;
	s13 =	simm.s32 $0x6  }
0x5: {  	s14 =	simm.s32 $0x7;
	s15 =	simm.s32 $0x9;
	s16 =	simm.s32 $0xA  }
0x6: {  	s17 =	simm.s32 $0x2580;
	s19 =	simm.s32 $0x2780;
	[smem:$0x7FF] =	sst s24  }
0x7: {  	s2 =	smul.u32 $0x3E80, s9;
	s1 =	sand.u32 $0x1, s1;
	s5 =	sadd.s32 $0x7AA00, s0  }
0x8: {  	s6 =	sadd.s32 $0xF0E00, s0;
	s8 =	smul.u32 $0x7D000, s9;
	p1 =	slt.u32 s9, $0xA  }
0x9: {  	s11 =	smul.u32 $0x280, s9;
	_ =	strace $0x8000004D;
	s4 =	ssub.s32 $0x2, s1  }
0xa: {  	s21 =	sshll.u32 s1, $0x4;
	p0 =	seq.s32 s1, $0x0;
	p2 =	seq.s32 s1, $0x1  }
0xb: {  	s2 =	sadd.s32 s2, s0;
	s7 =	sshrl.u32 s4, $0x1;
	s0 =	sadd.s32 $0x2BB00, s0  }
0xc: {  	s20 =	sshrl.u32 s8, $0x2;
	s22 =	sor.u32 s9, s21;
	p0 =	por !p0, !p1  }
0xd: {  	p2 =	por !p1, !p2;
	p1 =	sgt.u32 s9, $0x9;
	s21 =	simm.s32 $0x2800  }
0xe: {  	s8 =	simm.s32 $0x2600;
	s4 =	ssub.s32 s4, s7;
	s7 =	sadd.s32 $0x138800, s3  }
0xf: {  	[dreg:$0x5] =	wrdreg s0;
	s12 =	sadd.s32 s20, s3;
	s23 =	sadd.s32 $0x4A00, s2  }
0x10: {  	s10 =	smul.u32 $0x280, s22;
	p0 =	por !p0, !p0;
	s25 =	sadd.s32 $0x2C400, s2  }
0x11: {  	p2 =	por !p2, !p2;
	s26 =	sadd.s32 $0xC8C00, s2;
	p3 =	sne.s32 @p1 s9, $0xA  }
0x12: {  	s0 =	sshll.u32 @!p1 s9, $0x6;
	s20 =	simm.s32 $0x20;
	[dreg:$0x7] =	wrdreg s23  }
0x13: {  	s9 =	simm.s32 $0x4;
	s2 =	simm.s32 $0x8;
	[dreg:$0x8] =	wrdreg s25  }
0x14: {  	[dreg:$0x9] =	wrdreg s26;
	s29 =	smax.u32 s4, $0x1;
	p3 =	por p3, !p1  }
0x15: {  	s0 =	sor.u32 @!p1 $0x1C0B, s0;
	[dreg:$0x6] =	wrdreg s12;
	s23 =	simm.s32 $0x3800  }
0x16: {  	s25 =	simm.s32 $0x4800;
	s4 =	simm.s32 $0x2680;
	[dreg:$0xa] =	wrdreg s29  }
0x17: {  	s1 =	sshrl.u32 @!p3 s7, $0x3;
	[dreg:$0xc] =	wrdreg s0;
	s0 =	sshrl.u32 @!p1 s12, $0x3  }
0x18: {  	s7 =	simm.s32 $0x3;
	s12 =	simm.s32 $0x5;
	[dreg:$0xb] =	wrdreg s1  }
0x19: {  	[dreg:$0xd] =	wrdreg s0;
	s0 =	simm.s32 $0x2;
	s1 =	simm.s32 $0x2700  }
.LBB2_1:
0x1a: {  	[dreg:$0x4] =	wrdreg s24  }
0x1b: {  	s24 =	rddreg [dreg:$0x5]  }
0x1c: {  	s22 =	simm.s32 @!p3 $0x1E8B;
	s26 =	rddreg [dreg:$0xb]  }
0x1d: {  	[spmem:s26], [sflag:s22] =	dma.local @!p3 [hbm:s24], $0x800  }
0x1e: {  	s22 =	simm.s32 @!p3 $0xB  }
0x1f: {  	_ =	swait.ge @!p3 [sflag:s22], $0x800  }
0x20: {  	s24 =	rddreg [dreg:$0xc]  }
0x21: {  	[sflag:s22] =	ssyncset.done @!p3 $0x0;
	s26 =	rddreg [dreg:$0xd]  }
0x22: {  	[sflag:s22] =	ssyncadd.s32 @!p3 $0xFFFFF800;
	s22 =	rddreg [dreg:$0x7]  }
0x23: {  	[spmem:s26], [sflag:s24] =	dma.local @!p1 [hbm:s22], $0x3E80  }
0x24: {  	s22 =	simm.s32 @!p1 $0xB  }
0x25: {  	_ =	swait.ge @!p1 [sflag:s22], $0x3E80  }
0x26: {  	[sflag:s22] =	ssyncset.done @!p1 $0x0  }
0x27: {  	[sflag:s22] =	ssyncadd.s32 @!p1 $0xFFFFC180  }
0x28: {  	s22 =	simm.s32 $0x0;
	[bflag:$0x0] =	sbarrier.arrive $0xFFFF  }
.LBB2_2:
0x29: {  	s24 =	smul.u32 $0x28, s22;
	_ =	sdelay $0x1  }
0x2a: {  	s26 =	sadd.s32 s10, s24  }
0x2b: {  	s26 =	sshll.u32 s26, $0x4  }
0x2c: {  	s29 =	simm.s32 $0x0;
	s26 =	sadd.s32 s6, s26  }
0x2d: {  	[tilespmem:s29], [sflag:$0xB] =	stream.linear.gather [hbm4b:s26+s29], $0x1400, $0x38;
	[tilespmem:$0x1B480] =	vst v63  }
0x2e: {  	_ =	swait.ge [sflag:s18], $0x1400  }
0x2f: {  	[sflag:s18] =	ssyncset.done $0x0  }
0x30: {  	s24 =	sadd.s32 s11, s24;
	[sflag:s18] =	ssyncadd.s32 $0xFFFFEC00  }
0x31: {  	s24 =	sshll.u32 s24, $0x4;
	s26 =	rddreg [dreg:$0x1]  }
0x32: {  	s24 =	sadd.s32 s26, s24;
	s26 =	simm.s32 $0x1400  }
0x33: {  	[tilespmem:s26], [sflag:$0xB] =	stream.linear.gather [hbm4b:s24+s29], $0x1400, $0x38;
	[tilespmem:$0x1B480] =	vst v63  }
0x34: {  	_ =	swait.ge [sflag:s18], $0x1400  }
0x35: {  	[sflag:s18] =	ssyncset.done $0x0  }
0x36: {  	[sflag:s18] =	ssyncadd.s32 $0xFFFFEC00  }
0x37: {  	[tilespmem:s21], [sflag:$0x1] =	stream.indirect.gather [hbm4b:s5+s20], $0x80, s29, s20, $0xb8;
	[tilespmem:$0x1B480] =	vst v63  }
0x38: {  	s29 =	simm.s32 $0x80  }
0x39: {  	[tilespmem:s23], [sflag:$0x2] =	stream.indirect.gather [hbm4b:s5+s20], $0x80, s29, s20, $0xb8;
	[tilespmem:$0x1B480] =	vst v63  }
0x3a: {  	s26 =	simm.s32 $0x100  }
0x3b: {  	[tilespmem:s25], [sflag:$0x3] =	stream.indirect.gather [hbm4b:s5+s20], $0x80, s26, s20, $0xb8;
	[tilespmem:$0x1B480] =	vst v63  }
0x3c: {  	s29 =	simm.s32 $0x180  }
0x3d: {  	[tilespmem:s28], [sflag:$0x4] =	stream.indirect.gather [hbm4b:s5+s20], $0x80, s29, s20, $0xb8;
	[tilespmem:$0x1B480] =	vst v63  }
0x3e: {  	s26 =	simm.s32 $0x200  }
0x3f: {  	[tilespmem:s30], [sflag:$0x5] =	stream.indirect.gather [hbm4b:s5+s20], $0x80, s26, s20, $0xb8;
	[tilespmem:$0x1B480] =	vst v63  }
0x40: {  	_ =	swait.ge [sflag:s31], $0x1000  }
0x41: {  	[sflag:s31] =	ssyncset.done $0x0  }
0x42: {  	s29 =	simm.s32 $0x1400;
	[sflag:s31] =	ssyncadd.s32 $0xFFFFF000  }
0x43: {  	[spmem:s3] =	stream.indirect.scatter.add.f32 [tilespmem:s21], [sflag:$0x6], $0x80, s29, s20, $0xb8;
	[tilespmem:$0x1B480] =	vst v63  }
0x44: {  	_ =	swait.ge [sflag:s0], $0x1000  }
0x45: {  	[sflag:s0] =	ssyncset.done $0x0  }
0x46: {  	s26 =	simm.s32 $0x1480;
	[sflag:s0] =	ssyncadd.s32 $0xFFFFF000  }
0x47: {  	[spmem:s3] =	stream.indirect.scatter.add.f32 [tilespmem:s23], [sflag:$0x7], $0x80, s26, s20, $0xb8;
	[tilespmem:$0x1B480] =	vst v63  }
0x48: {  	_ =	swait.ge [sflag:s7], $0x1000  }
0x49: {  	[sflag:s7] =	ssyncset.done $0x0  }
0x4a: {  	s29 =	simm.s32 $0x1500;
	[sflag:s7] =	ssyncadd.s32 $0xFFFFF000  }
0x4b: {  	[spmem:s3] =	stream.indirect.scatter.add.f32 [tilespmem:s25], [sflag:$0x8], $0x80, s29, s20, $0xb8;
	[tilespmem:$0x1B480] =	vst v63  }
0x4c: {  	_ =	swait.ge [sflag:s9], $0x1000  }
0x4d: {  	[sflag:s9] =	ssyncset.done $0x0  }
0x4e: {  	s26 =	simm.s32 $0x1580;
	[sflag:s9] =	ssyncadd.s32 $0xFFFFF000  }
0x4f: {  	[spmem:s3] =	stream.indirect.scatter.add.f32 [tilespmem:s28], [sflag:$0x9], $0x80, s26, s20, $0xb8;
	[tilespmem:$0x1B480] =	vst v63  }
0x50: {  	_ =	swait.ge [sflag:s12], $0x1000  }
0x51: {  	[sflag:s12] =	ssyncset.done $0x0  }
0x52: {  	s29 =	simm.s32 $0x1600;
	[sflag:s12] =	ssyncadd.s32 $0xFFFFF000  }
0x53: {  	[spmem:s3] =	stream.indirect.scatter.add.f32 [tilespmem:s30], [sflag:$0xA], $0x80, s29, s20, $0xb8;
	[tilespmem:$0x1B480] =	vst v63  }
0x54: {  	_ =	swait.ge [sflag:s13], $0x1000  }
0x55: {  	[sflag:s13] =	ssyncset.done $0x0  }
0x56: {  	s26 =	simm.s32 $0x280;
	[sflag:s13] =	ssyncadd.s32 $0xFFFFF000  }
0x57: {  	[tilespmem:s21], [sflag:$0x1] =	stream.indirect.gather [hbm4b:s5+s20], $0x80, s26, s20, $0xb8;
	[tilespmem:$0x1B480] =	vst v63  }
0x58: {  	_ =	swait.ge [sflag:s14], $0x1000  }
0x59: {  	[sflag:s14] =	ssyncset.done $0x0  }
0x5a: {  	s29 =	simm.s32 $0x300;
	[sflag:s14] =	ssyncadd.s32 $0xFFFFF000  }
0x5b: {  	[tilespmem:s23], [sflag:$0x2] =	stream.indirect.gather [hbm4b:s5+s20], $0x80, s29, s20, $0xb8;
	[tilespmem:$0x1B480] =	vst v63  }
0x5c: {  	_ =	swait.ge [sflag:s2], $0x1000  }
0x5d: {  	[sflag:s2] =	ssyncset.done $0x0  }
0x5e: {  	s26 =	simm.s32 $0x380;
	[sflag:s2] =	ssyncadd.s32 $0xFFFFF000  }
0x5f: {  	[tilespmem:s25], [sflag:$0x3] =	stream.indirect.gather [hbm4b:s5+s20], $0x80, s26, s20, $0xb8;
	[tilespmem:$0x1B480] =	vst v63  }
0x60: {  	_ =	swait.ge [sflag:s15], $0x1000  }
0x61: {  	[sflag:s15] =	ssyncset.done $0x0  }
0x62: {  	s29 =	simm.s32 $0x400;
	[sflag:s15] =	ssyncadd.s32 $0xFFFFF000  }
0x63: {  	[tilespmem:s28], [sflag:$0x4] =	stream.indirect.gather [hbm4b:s5+s20], $0x80, s29, s20, $0xb8;
	[tilespmem:$0x1B480] =	vst v63  }
0x64: {  	_ =	swait.ge [sflag:s16], $0x1000  }
0x65: {  	[sflag:s16] =	ssyncset.done $0x0  }
0x66: {  	s24 =	simm.s32 $0xA00;
	s26 =	simm.s32 $0x480;
	[sflag:s16] =	ssyncadd.s32 $0xFFFFF000  }
.LBB2_3:
0x67: {  	[tilespmem:s30], [sflag:$0x5] =	stream.indirect.gather [hbm4b:s5+s20], $0x80, s26, s20, $0xb8;
	[tilespmem:$0x1B480] =	vst v63  }
0x68: {  	s26 =	smov.u32 s24  }
0x69: {  	p4 =	sne.s32 s24, $0x3C00;
	s24 =	sadd.s32 $0xA00, s24;
	_ =	swait.ge [sflag:s31], $0x1000  }
0x6a: {  	s26 =	sshra.s32 s26, $0x2;
	[sflag:s31] =	ssyncset.done $0x0  }
0x6b: {  	s29 =	sadd.s32 $0x1400, s26;
	[sflag:s31] =	ssyncadd.s32 $0xFFFFF000  }
0x6c: {  	[spmem:s3] =	stream.indirect.scatter.add.f32 [tilespmem:s21], [sflag:$0x6], $0x80, s29, s20, $0xb8;
	[tilespmem:$0x1B480] =	vst v63  }
0x6d: {  	_ =	swait.ge [sflag:s0], $0x1000  }
0x6e: {  	[sflag:s0] =	ssyncset.done $0x0  }
0x6f: {  	s29 =	sadd.s32 $0x1480, s26;
	[sflag:s0] =	ssyncadd.s32 $0xFFFFF000  }
0x70: {  	[spmem:s3] =	stream.indirect.scatter.add.f32 [tilespmem:s23], [sflag:$0x7], $0x80, s29, s20, $0xb8;
	[tilespmem:$0x1B480] =	vst v63  }
0x71: {  	_ =	swait.ge [sflag:s7], $0x1000  }
0x72: {  	[sflag:s7] =	ssyncset.done $0x0  }
0x73: {  	s29 =	sadd.s32 $0x1500, s26;
	[sflag:s7] =	ssyncadd.s32 $0xFFFFF000  }
0x74: {  	[spmem:s3] =	stream.indirect.scatter.add.f32 [tilespmem:s25], [sflag:$0x8], $0x80, s29, s20, $0xb8;
	[tilespmem:$0x1B480] =	vst v63  }
0x75: {  	_ =	swait.ge [sflag:s9], $0x1000  }
0x76: {  	[sflag:s9] =	ssyncset.done $0x0  }
0x77: {  	s29 =	sadd.s32 $0x1580, s26;
	[sflag:s9] =	ssyncadd.s32 $0xFFFFF000  }
0x78: {  	[spmem:s3] =	stream.indirect.scatter.add.f32 [tilespmem:s28], [sflag:$0x9], $0x80, s29, s20, $0xb8;
	[tilespmem:$0x1B480] =	vst v63  }
0x79: {  	_ =	swait.ge [sflag:s12], $0x1000  }
0x7a: {  	[sflag:s12] =	ssyncset.done $0x0  }
0x7b: {  	s29 =	sadd.s32 $0x1600, s26;
	[sflag:s12] =	ssyncadd.s32 $0xFFFFF000  }
0x7c: {  	[spmem:s3] =	stream.indirect.scatter.add.f32 [tilespmem:s30], [sflag:$0xA], $0x80, s29, s20, $0xb8;
	[tilespmem:$0x1B480] =	vst v63  }
0x7d: {  	_ =	swait.ge [sflag:s13], $0x1000  }
0x7e: {  	[sflag:s13] =	ssyncset.done $0x0  }
0x7f: {  	s29 =	sadd.s32 $0x280, s26;
	[sflag:s13] =	ssyncadd.s32 $0xFFFFF000  }
0x80: {  	[tilespmem:s21], [sflag:$0x1] =	stream.indirect.gather [hbm4b:s5+s20], $0x80, s29, s20, $0xb8;
	[tilespmem:$0x1B480] =	vst v63  }
0x81: {  	_ =	swait.ge [sflag:s14], $0x1000  }
0x82: {  	[sflag:s14] =	ssyncset.done $0x0  }
0x83: {  	s29 =	sadd.s32 $0x300, s26;
	[sflag:s14] =	ssyncadd.s32 $0xFFFFF000  }
0x84: {  	[tilespmem:s23], [sflag:$0x2] =	stream.indirect.gather [hbm4b:s5+s20], $0x80, s29, s20, $0xb8;
	[tilespmem:$0x1B480] =	vst v63  }
0x85: {  	_ =	swait.ge [sflag:s2], $0x1000  }
0x86: {  	[sflag:s2] =	ssyncset.done $0x0  }
0x87: {  	s29 =	sadd.s32 $0x380, s26;
	[sflag:s2] =	ssyncadd.s32 $0xFFFFF000  }
0x88: {  	[tilespmem:s25], [sflag:$0x3] =	stream.indirect.gather [hbm4b:s5+s20], $0x80, s29, s20, $0xb8;
	[tilespmem:$0x1B480] =	vst v63  }
0x89: {  	_ =	swait.ge [sflag:s15], $0x1000  }
0x8a: {  	[sflag:s15] =	ssyncset.done $0x0  }
.Ltmp0:
0x8b: {  	s29 =	sadd.s32 $0x400, s26;
	[sflag:s15] =	ssyncadd.s32 $0xFFFFF000;
	(pc) =	sbr.rel @p4 .LBB2_3-.Ltmp0, $4  }
0x8c: {  	[tilespmem:s28], [sflag:$0x4] =	stream.indirect.gather [hbm4b:s5+s20], $0x80, s29, s20, $0xb8;
	[tilespmem:$0x1B480] =	vst v63  }
0x8d: {  	_ =	swait.ge [sflag:s16], $0x1000  }
0x8e: {  	[sflag:s16] =	ssyncset.done $0x0  }
0x8f: {  	s26 =	sadd.s32 $0x480, s26;
	[sflag:s16] =	ssyncadd.s32 $0xFFFFF000  }
0x90: {  	[tilespmem:s30], [sflag:$0x5] =	stream.indirect.gather [hbm4b:s5+s20], $0x80, s26, s20, $0xb8;
	[tilespmem:$0x1B480] =	vst v63  }
0x91: {  	_ =	swait.ge [sflag:s31], $0x1000  }
0x92: {  	[sflag:s31] =	ssyncset.done $0x0  }
0x93: {  	[sflag:s31] =	ssyncadd.s32 $0xFFFFF000  }
0x94: {  	[spmem:s3] =	stream.indirect.scatter.add.f32 [tilespmem:s21], [sflag:$0x6], $0x80, s17, s20, $0xb8;
	[tilespmem:$0x1B480] =	vst v63  }
0x95: {  	_ =	swait.ge [sflag:s0], $0x1000  }
0x96: {  	[sflag:s0] =	ssyncset.done $0x0  }
0x97: {  	[sflag:s0] =	ssyncadd.s32 $0xFFFFF000  }
0x98: {  	[spmem:s3] =	stream.indirect.scatter.add.f32 [tilespmem:s23], [sflag:$0x7], $0x80, s8, s20, $0xb8;
	[tilespmem:$0x1B480] =	vst v63  }
0x99: {  	_ =	swait.ge [sflag:s7], $0x1000  }
0x9a: {  	[sflag:s7] =	ssyncset.done $0x0  }
0x9b: {  	[sflag:s7] =	ssyncadd.s32 $0xFFFFF000  }
0x9c: {  	[spmem:s3] =	stream.indirect.scatter.add.f32 [tilespmem:s25], [sflag:$0x8], $0x80, s4, s20, $0xb8;
	[tilespmem:$0x1B480] =	vst v63  }
0x9d: {  	_ =	swait.ge [sflag:s9], $0x1000  }
0x9e: {  	[sflag:s9] =	ssyncset.done $0x0  }
0x9f: {  	[sflag:s9] =	ssyncadd.s32 $0xFFFFF000  }
0xa0: {  	[spmem:s3] =	stream.indirect.scatter.add.f32 [tilespmem:s28], [sflag:$0x9], $0x80, s1, s20, $0xb8;
	[tilespmem:$0x1B480] =	vst v63  }
0xa1: {  	_ =	swait.ge [sflag:s12], $0x1000  }
0xa2: {  	[sflag:s12] =	ssyncset.done $0x0  }
0xa3: {  	[sflag:s12] =	ssyncadd.s32 $0xFFFFF000  }
0xa4: {  	[spmem:s3] =	stream.indirect.scatter.add.f32 [tilespmem:s30], [sflag:$0xA], $0x80, s19, s20, $0xb8;
	[tilespmem:$0x1B480] =	vst v63  }
0xa5: {  	_ =	swait.ge [sflag:s13], $0x1000  }
0xa6: {  	[sflag:s13] =	ssyncset.done $0x0  }
0xa7: {  	[sflag:s13] =	ssyncadd.s32 $0xFFFFF000  }
0xa8: {  	_ =	swait.ge [sflag:s14], $0x1000  }
0xa9: {  	[sflag:s14] =	ssyncset.done $0x0  }
0xaa: {  	[sflag:s14] =	ssyncadd.s32 $0xFFFFF000  }
0xab: {  	_ =	swait.ge [sflag:s2], $0x1000  }
0xac: {  	[sflag:s2] =	ssyncset.done $0x0  }
0xad: {  	s22 =	sadd.s32 $0x1, s22;
	[sflag:s2] =	ssyncadd.s32 $0xFFFFF000  }
0xae: {  	p4 =	sne.s32 s22, $0x10;
	_ =	swait.ge [sflag:s15], $0x1000  }
.Ltmp1:
0xaf: {  	[sflag:s15] =	ssyncset.done $0x0;
	(pc) =	sbr.rel @p4 .LBB2_2-.Ltmp1, $4  }
0xb0: {  	[sflag:s15] =	ssyncadd.s32 $0xFFFFF000  }
0xb1: {  	_ =	swait.ge [sflag:s16], $0x1000  }
0xb2: {  	[sflag:s16] =	ssyncset.done $0x0  }
0xb3: {  	[sflag:s16] =	ssyncadd.s32 $0xFFFFF000  }
0xb4: {  	s22 =	stileid.u32;
	[bflag:$0x0] =	sbarrier.arrive $0xFFFF  }
0xb5: {  	s22 =	sshll.u32 @p0 s22, $0x6;
	s26 =	rddreg [dreg:$0x6]  }
0xb6: {  	s29 =	rddreg [dreg:$0x8];
	s22 =	sor.u32 @p0 $0x1C0B, s22;
	s24 =	sshrl.u32 @p0 s26, $0x3  }
0xb7: {  	[hbm:s29], [sflag:s22] =	dma.local @p0 [spmem:s24], $0x3E80  }
0xb8: {  	s22 =	simm.s32 @p0 $0xB  }
0xb9: {  	_ =	swait.ge @p0 [sflag:s22], $0x3E80  }
0xba: {  	s24 =	stileid.u32;
	[sflag:s22] =	ssyncset.done @p0 $0x0  }
0xbb: {  	s24 =	sshll.u32 @p2 s24, $0x6;
	[sflag:s22] =	ssyncadd.s32 @p0 $0xFFFFC180  }
0xbc: {  	s22 =	sor.u32 @p2 $0x1C0B, s24;
	s24 =	sshrl.u32 @p2 s26, $0x3;
	s26 =	rddreg [dreg:$0x9]  }
0xbd: {  	[hbm:s26], [sflag:s22] =	dma.local @p2 [spmem:s24], $0x3E80  }
0xbe: {  	s22 =	simm.s32 @p2 $0xB  }
0xbf: {  	_ =	swait.ge @p2 [sflag:s22], $0x3E80  }
0xc0: {  	s26 =	rddreg [dreg:$0x4]  }
0xc1: {  	s29 =	rddreg [dreg:$0xa];
	s24 =	sadd.s32 $0x1, s26  }
0xc2: {  	p4 =	sne.s32 s24, s29  }
.Ltmp2:
0xc3: {  	_ = 	snop;
	(pc) =	sbr.rel @p4 .LBB2_1-.Ltmp2, $3  }
0xc4: {  	_ =	sdelay $0x1  }
0xc5: {  	[sflag:s22] =	ssyncset.done @p2 $0x0  }
0xc6: {  	[sflag:s22] =	ssyncadd.s32 @p2 $0xFFFFC180  }
0xc7: {  	_ =	sfence.sel $0x180000  }
0xc8: {  	[bflag:$0x0] =	sbarrier.arrive $0xFFFF  }
0xc9: {  	_ =	strace $0x9000004D  }
0xca: {  	s0 =	stileid.u32;
	[bflag:$0x2] =	sbarrier.arrive $0xFFFF  }
0xcb: {  	p0 =	sne.s32 s0, $0x0;
	s0 =	rddreg [dreg:$0x3]  }
0xcc: {  	s0 =	sadd.s32 @!p0 $0x100000, s0  }
0xcd: {  	[sflag:s0] =	ssyncadd.tile.s32 @!p0 $0x1;
	_ =	shalt  }
.Lfunc_end2:
_tile_overlayer_lowered:
.L_overlay_start_2:
0xce: {  	(tag) =	ssettag $0x2  }
0xcf: {  	s0 =	rddreg [dreg:$0x0];
	s2 =	stileid.u32  }
0xd0: {  	s1 =	rddreg [dreg:$0x1];
	p0 =	sne.s32 s2, $0x0  }
0xd1: {  	s3 =	rddreg [dreg:$0x2];
	[bflag:$0x3] =	sbarrier.arrive $0xFFFF;
	s2 =	simm.s32 @!p0 $0x1C0B  }
0xd2: {  	[timem:s3], [sflag:s2] =	dma.local @!p0 [hbm:s0], s1  }
0xd3: {  	s0 =	simm.s32 @!p0 $0xB  }
0xd4: {  	_ =	swait.ge @!p0 [sflag:s0], s1  }
0xd5: {  	s1 =	ssub.s32 @!p0 $0x0, s1;
	[sflag:s0] =	ssyncset.done @!p0 $0x0  }
0xd6: {  	[sflag:s0] =	ssyncadd.s32 @!p0 s1  }
0xd7: {  	[bflag:$0x3] =	sbarrier.arrive $0xFFFF  }
0xd8: {  	_ =	shalt  }

// kernel: kernel.8.cloned.1.call-start
scs
__scs_entry_jumppad:
0x0: {  	(pc) =	sbr.rel $0x88, $3  }
0x1: {  	(tag) =	ssettag $0x0;
	lr =	simm.s32 $0x1  }
0x2: {  	[smem:$0x3F9B] =	sst lr;
	_ =	strace $0xD0000000  }
0x3: {  	_ = 	snop  }
0x4: {  	_ = 	snop  }
0x5: {  	_ = 	snop  }
0x6: {  	_ = 	snop  }
0x7: {  	_ = 	snop  }
__scs_overlays_trampoline_lowered:
0x8: {  	[smem:$0x3FAA] =	sst s0  }
0x9: {  	[smem:$0x3FAB] =	sst s1  }
0xa: {  	[smem:$0x3FAC] =	sst s2  }
0xb: {  	[smem:$0x3FAD] =	sst s3  }
0xc: {  	[smem:$0x3FAE] =	sst s4  }
0xd: {  	[smem:$0x3FAF] =	sst s5  }
0xe: {  	[smem:$0x3FB0] =	sst s6  }
0xf: {  	[smem:$0x3FB1] =	sst s7  }
0x10: {  	[smem:$0x3FB2] =	sst s8  }
0x11: {  	[smem:$0x3FB3] =	sst s9;
	s0 =	simm.s32 @!p0 $0x0  }
0x12: {  	s1 =	sld [smem:$0x3F99];
	s0 =	simm.s32 @p0 $0x1  }
0x13: {  	[smem:$0x3FB4] =	sst s0;
	s0 =	simm.s32 @!p1 $0x0  }
0x14: {  	s2 =	sld [smem:$0x3F98];
	s0 =	simm.s32 @p1 $0x1  }
0x15: {  	[smem:$0x3FB5] =	sst s0;
	s0 =	simm.s32 @!p2 $0x0  }
0x16: {  	s3 =	sld [smem:$0x3FDB];
	s0 =	simm.s32 @p2 $0x1  }
0x17: {  	s4 =	simm.s32 $0x1BF5;
	[smem:$0x3FB7] =	sst s0  }
0x18: {  	s0 =	sld [smem:$0x3F9A];
	_ =	swait.ge [sflag:s4], $0x0  }
0x19: {  	s7 =	sld [smem:$0x3F9B]  }
0x1a: {  	s8 =	sadd.s32 $0xFFFFE003, lr  }
0x1b: {  	s9 =	sadd.s32 $0xFFFFFEF7, lr;
	s5 =	simm.s32 $0xFFFFFFFF;
	p2 =	slt.u32 s8, $0xFFFFF086  }
0x1c: {  	p1 =	slt.u32 s9, $0xF7A;
	s5 =	simm.s32 @!p2 $0x0  }
0x1d: {  	s5 =	simm.s32 @p1 $0x1;
	p0 =	seq.s32 s7, s2  }
0x1e: {  	s7 =	smul.u32 @!p0 $0xF7A, s2;
	p2 =	seq.s32 @!p0 s5, $0x0  }
0x1f: {  	s9 =	smul.u32 $0xF7A, s1;
	s8 =	simm.s32 @!p0 $0x1BF5;
	p2 =	por !p2, p0  }
0x20: {  	[sflag:s8] =	ssyncset.s32 @!p0 $0xFFFFF086;
	s6 =	sadd.s32 @!p0 s3, s7;
	s7 =	simm.s32 @!p0 $0x108  }
0x21: {  	s3 =	sadd.s32 s3, s9;
	s6 =	sadd.s32 @!p0 $0x88, s6;
	s7 =	simm.s32 @p2 $0x1082  }
0x22: {  	[simem:s7], [sflag:s8] =	dma.local @!p0 [hbm:s6], $0xF7A  }
0x23: {  	s9 =	sor.u32 $0xD0000000, s2;
	s6 =	simm.s32 $0x108;
	_ =	swait.ge @!p0 [sflag:s8], $0x0  }
0x24: {  	s3 =	sadd.s32 $0x88, s3;
	s6 =	simm.s32 @!p1 $0x1082;
	[sflag:s4] =	ssyncset.s32 $0xFFFFF086  }
0x25: {  	[simem:s6], [sflag:s4] =	dma.local [hbm:s3], $0xF7A  }
0x26: {  	[smem:$0x3F9B] =	sst s1;
	(tag) =	ssettag s2;
	_ =	strace s9  }
0x27: {  	s1 =	sld [smem:$0x3FAB]  }
0x28: {  	s2 =	sld [smem:$0x3FAC]  }
0x29: {  	s4 =	sld [smem:$0x3FAE]  }
0x2a: {  	p0 =	seq.s32 s5, $0x0;
	s5 =	sld [smem:$0x3FAF]  }
0x2b: {  	s6 =	sld [smem:$0x3FB0]  }
0x2c: {  	s7 =	sld [smem:$0x3FB1]  }
0x2d: {  	s3 =	simm.s32 $0x108;
	s8 =	sld [smem:$0x3FB2]  }
0x2e: {  	s3 =	simm.s32 @!p0 $0x1082;
	s9 =	sld [smem:$0x3FB3]  }
0x2f: {  	lr =	sadd.s32 s0, s3;
	s0 =	sld [smem:$0x3FAA]  }
0x30: {  	s3 =	sld [smem:$0x3FAD]  }
0x31: {  	[smem:$0x3FB6] =	sst s10  }
0x32: {  	s10 =	sld [smem:$0x3FB4];
	_ =	sdelay $0x3  }
0x33: {  	p0 =	seq.s32 s10, $0x1;
	s10 =	sld [smem:$0x3FB6];
	_ =	sdelay $0x3  }
0x34: {  	[smem:$0x3FB6] =	sst s10  }
0x35: {  	s10 =	sld [smem:$0x3FB5];
	_ =	sdelay $0x3  }
0x36: {  	p1 =	seq.s32 s10, $0x1;
	s10 =	sld [smem:$0x3FB6];
	_ =	sdelay $0x3  }
0x37: {  	[smem:$0x3FB6] =	sst s10  }
0x38: {  	s10 =	sld [smem:$0x3FB7]  }
0x39: {  	_ = 	snop;
	(pc) =	sbr.ind lr, $3  }
0x3a: {  	_ = 	snop  }
0x3b: {  	_ = 	snop  }
0x3c: {  	p2 =	seq.s32 s10, $0x1;
	s10 =	sld [smem:$0x3FB6]  }
0x3d: {  	_ =	shalt  }
0x3e: {  	_ =	shalt  }
0x3f: {  	_ =	shalt  }
0x40: {  	_ =	shalt  }
0x41: {  	_ =	shalt  }
0x42: {  	_ =	shalt  }
0x43: {  	_ =	shalt  }
0x44: {  	_ =	shalt  }
0x45: {  	_ =	shalt  }
0x46: {  	_ =	shalt  }
0x47: {  	_ =	shalt  }
0x48: {  	_ =	shalt  }
0x49: {  	_ =	shalt  }
0x4a: {  	_ =	shalt  }
0x4b: {  	_ =	shalt  }
0x4c: {  	_ =	shalt  }
0x4d: {  	_ =	shalt  }
0x4e: {  	_ =	shalt  }
0x4f: {  	_ =	shalt  }
0x50: {  	_ =	shalt  }
0x51: {  	_ =	shalt  }
0x52: {  	_ =	shalt  }
0x53: {  	_ =	shalt  }
0x54: {  	_ =	shalt  }
0x55: {  	_ =	shalt  }
0x56: {  	_ =	shalt  }
0x57: {  	_ =	shalt  }
0x58: {  	_ =	shalt  }
0x59: {  	_ =	shalt  }
0x5a: {  	_ =	shalt  }
0x5b: {  	_ =	shalt  }
0x5c: {  	_ =	shalt  }
0x5d: {  	_ =	shalt  }
0x5e: {  	_ =	shalt  }
0x5f: {  	_ =	shalt  }
0x60: {  	_ =	shalt  }
0x61: {  	_ =	shalt  }
0x62: {  	_ =	shalt  }
0x63: {  	_ =	shalt  }
0x64: {  	_ =	shalt  }
0x65: {  	_ =	shalt  }
0x66: {  	_ =	shalt  }
0x67: {  	_ =	shalt  }
0x68: {  	_ =	shalt  }
0x69: {  	_ =	shalt  }
0x6a: {  	_ =	shalt  }
0x6b: {  	_ =	shalt  }
0x6c: {  	_ =	shalt  }
0x6d: {  	_ =	shalt  }
0x6e: {  	_ =	shalt  }
0x6f: {  	_ =	shalt  }
0x70: {  	_ =	shalt  }
0x71: {  	_ =	shalt  }
0x72: {  	_ =	shalt  }
0x73: {  	_ =	shalt  }
0x74: {  	_ =	shalt  }
0x75: {  	_ =	shalt  }
0x76: {  	_ =	shalt  }
0x77: {  	_ =	shalt  }
0x78: {  	_ =	shalt  }
0x79: {  	_ =	shalt  }
0x7a: {  	_ =	shalt  }
0x7b: {  	_ =	shalt  }
0x7c: {  	_ =	shalt  }
0x7d: {  	_ =	shalt  }
0x7e: {  	_ =	shalt  }
0x7f: {  	_ =	shalt  }
0x80: {  	_ =	shalt  }
0x81: {  	_ =	shalt  }
0x82: {  	_ =	shalt  }
0x83: {  	_ =	shalt  }
0x84: {  	_ =	shalt  }
0x85: {  	_ =	shalt  }
0x86: {  	_ =	shalt  }
0x87: {  	_ =	shalt  }
.Lfunc_end0:
.L_simem_size_0:
called_computation_lowered:
.L_overlay_start_0:
0x88: {  	s2 =	sld [smem:$0x3FD9]  }
0x89: {  	s3 =	sld [smem:$0x3FFE];
	_ =	sdelay $0x1  }
0x8a: {  	s1 =	srdreg.scid  }
0x8b: {  	s0 =	sand.u32 $0x1, s1  }
0x8c: {  	s17 =	sshll.u32 s0, $0xA;
	s2 =	sadd.s32 s3, s2  }
0x8d: {  	s2 =	sadd.s32 s2, s17  }
0x8e: {  	[smem:$0x3FC2] =	sst s2  }
0x8f: {  	_ = 	snop  }
0x90: {  	s2 =	sld [smem:$0x3FD0];
	(tm) =	ssettm $0x1  }
0x91: {  	s18 =	sld [smem:$0x3FFB];
	_ =	sdelay $0x3  }
0x92: {  	_ =	strace s18  }
0x93: {  	s3 =	sld [smem:$0x3FFC];
	_ =	sdelay $0x3  }
0x94: {  	_ =	strace s3  }
0x95: {  	s3 =	sld [smem:$0x3FFD];
	_ =	sdelay $0x3  }
0x96: {  	_ =	strace s3  }
0x97: {  	_ =	strace $0x8FFFFFFF  }
0x98: {  	s19 =	sld [smem:$0x3FDB];
	_ =	sdelay $0x1  }
0x99: {  	s4 =	simm.s32 $_scs_section_size  }
0x9a: {  	s5 =	simm.s32 $_size__tile_overlayer_lowered;
	s6 =	simm.s32 $_tile_overlayer_lowered  }
0x9b: {  	s22 =	simm.s32 $0x1BFF;
	s21 =	sshll.u32 s6, $0x1;
	s3 =	sadd.s32 s4, s19  }
0x9c: {  	s7 =	simm.s32 $0x0;
	s20 =	sshll.u32 s5, $0x1;
	s5 =	sadd.s32 s21, s3  }
0x9d: {  	[timem:s7], [sflag:s22] =	dma.local [hbm:s5], s20  }
0x9e: {  	_ =	swait.ge [sflag:s22], s20  }
0x9f: {  	s4 =	ssub.s32 $0x0, s20;
	[sflag:s22] =	ssyncset.done $0x0  }
0xa0: {  	[sflag:s22] =	ssyncadd.s32 s4;
	_ =	sdelay $0x1  }
0xa1: {  	s23 =	simm.s32 $0x1B8B  }
0xa2: {  	_ =	swait.ge [sflag:s23], $0x1  }
0xa3: {  	[sflag:s23] =	ssyncset.done $0x0  }
0xa4: {  	s25 =	simm.s32 $0x1B8E;
	s24 =	sld [smem:$0x3FFE];
	[sflag:s23] =	ssyncadd.s32 $0xFFFFFFFF  }
0xa5: {  	s26 =	simm.s32 $execute0_lowered;
	[smem:$0x3FD2] =	sst s25  }
0xa6: {  	s5 =	sshll.u32 s26, $0x1;
	_ =	strace $0x80000046;
	[dreg:$0x1] =	wrdreg $0xFFFFFFFF  }
0xa7: {  	s28 =	simm.s32 $_size_execute0_lowered;
	s3 =	sadd.s32 s3, s5;
	[dreg:$0x0] =	wrdreg $0x0  }
0xa8: {  	s5 =	sshll.u32 s28, $0x1;
	[dreg:$0x2] =	wrdreg s3  }
0xa9: {  	[dreg:$0x3] =	wrdreg s5  }
0xaa: {  	[dreg:$0x4] =	wrdreg $0xC0  }
0xab: {  	_ =	task [dreg:s7], $0x5FFFF  }
0xac: {  	[dreg:$0x1] =	wrdreg $0xFFFFFFFF  }
0xad: {  	[dreg:$0x0] =	wrdreg $0x60  }
0xae: {  	[dreg:$0x2] =	wrdreg s2  }
0xaf: {  	[dreg:$0x3] =	wrdreg s24  }
0xb0: {  	[dreg:$0x4] =	wrdreg $0x24000  }
0xb1: {  	[dreg:$0x5] =	wrdreg $0x9  }
0xb2: {  	_ =	task.clear_ibuf [dreg:s7], $0x6FFFF;
	_ =	strace $0x90000046  }
0xb3: {  	s29 =	simm.s32 $0x9;
	_ =	strace $0x80000048  }
0xb4: {  	_ =	swait.ge [sflag:s29], $0x1  }
0xb5: {  	[sflag:s29] =	ssyncadd.s32 $0xFFFFFFFF  }
0xb6: {  	_ =	strace $0x90000048  }
0xb7: {  	_ =	sfence  }
0xb8: {  	s30 =	sld [smem:$0x0];
	_ =	sdelay $0x2  }
0xb9: {  	s31 =	sshll.u32 s1, $0xD;
	s1 =	sshrl.u32 s1, $0x2  }
0xba: {  	s3 =	sand.u32 $0x4000, s31;
	s1 =	sadd.s32 s1, s30  }
0xbb: {  	s0 =	sor.u32 s3, s0;
	s1 =	sshll.u32 s1, $0x11  }
0xbc: {  	s0 =	sor.u32 s1, s0  }
0xbd: {  	s0 =	sadd.s32 $0x8F2B, s0  }
0xbe: {  	[sflag:s0] =	ssyncadd.remote.s32 $0x1  }
0xbf: {  	_ =	sfence.sel $0xFFFF  }
0xc0: {  	[dreg:$0x0] =	wrdreg $0xFFFFFFFF;
	(pc) =	sbr.abs _section_cstart, $3  }
0xc1: {  	[dreg:$0x1] =	wrdreg $0xFFFFFFFF  }
0xc2: {  	_ =	task.clear_ibuf [dreg:s7], $0x2FFFF;
	_ =	strace $0x9FFFFFFF  }
0xc3: {  	(tm) =	ssettm $0x7FFFFFFF  }
tec
execute0_lowered:
.L_overlay_start_1:
0x0: {  	(tag) =	ssettag $0x1  }
0x1: {  	s0 =	rddreg [dreg:$0x1]  }
0x2: {  	s3 =	rddreg [dreg:$0x2];
	s1 =	srdreg.scid;
	s4 =	simm.s32 $0x0  }
0x3: {  	s8 =	stileid.u32;
	s16 =	simm.s32 $0x1400;
	s17 =	simm.s32 $0x2  }
0x4: {  	s18 =	simm.s32 $0x20;
	s11 =	simm.s32 $0x980;
	s12 =	simm.s32 $0xA00  }
0x5: {  	s13 =	simm.s32 $0xA80;
	s14 =	simm.s32 $0xB00;
	s15 =	simm.s32 $0xB80  }
0x6: {  	s19 =	simm.s32 $0xD00;
	s20 =	simm.s32 $0xD80;
	s21 =	simm.s32 $0xE00  }
0x7: {  	s28 =	simm.s32 $0x1100;
	s29 =	simm.s32 $0x1180;
	s30 =	simm.s32 $0x1200  }
0x8: {  	s31 =	simm.s32 $0x1280;
	s10 =	simm.s32 $0x0;
	s2 =	smul.u32 $0x3E80, s8  }
0x9: {  	s1 =	sand.u32 $0x1, s1;
	[smem:$0x7FF] =	sst s4;
	s7 =	smul.u32 $0x7D000, s8  }
0xa: {  	s9 =	sadd.s32 $0x2C400, s0;
	p1 =	slt.u32 s8, $0xA;
	s5 =	ssub.s32 $0x2, s1  }
0xb: {  	_ =	strace $0x80000047;
	[dreg:$0x4] =	wrdreg s9;
	s22 =	sshll.u32 s1, $0x4  }
0xc: {  	p0 =	seq.s32 s1, $0x0;
	p2 =	seq.s32 s1, $0x1;
	s6 =	sshrl.u32 s5, $0x1  }
0xd: {  	s2 =	sadd.s32 s2, s0;
	s7 =	sshrl.u32 s7, $0x2;
	s0 =	sadd.s32 $0x2BB00, s0  }
0xe: {  	p0 =	por !p0, !p1;
	p2 =	por !p1, !p2;
	p1 =	sgt.u32 s8, $0x9  }
0xf: {  	s5 =	ssub.s32 s5, s6;
	s6 =	sadd.s32 $0x138800, s3;
	[dreg:$0x5] =	wrdreg s0  }
0x10: {  	s7 =	sadd.s32 s7, s3;
	s23 =	sadd.s32 $0x4A00, s2;
	s0 =	sor.u32 s8, s22  }
0x11: {  	p0 =	por !p0, !p0;
	s24 =	sadd.s32 $0x2C600, s2;
	p2 =	por !p2, !p2  }
0x12: {  	p3 =	sne.s32 @p1 s8, $0xA;
	s25 =	sadd.s32 $0x53800, s2;
	[dreg:$0x7] =	wrdreg s23  }
0x13: {  	s22 =	simm.s32 $0xE80;
	s9 =	smul.u32 $0x140, s0;
	[dreg:$0x8] =	wrdreg s24  }
0x14: {  	[dreg:$0x9] =	wrdreg s25;
	p3 =	por p3, !p1;
	s0 =	sshll.u32 @!p1 s8, $0x6  }
0x15: {  	s26 =	smax.u32 s5, $0x1;
	[dreg:$0x6] =	wrdreg s7;
	s23 =	simm.s32 $0xF00  }
0x16: {  	s24 =	simm.s32 $0xF80;
	s25 =	simm.s32 $0x1000;
	s5 =	simm.s32 $0x1380  }
0x17: {  	[dreg:$0xa] =	wrdreg s26;
	s1 =	sshrl.u32 @!p3 s6, $0x3;
	s0 =	sor.u32 @!p1 $0x1C02, s0  }
0x18: {  	s26 =	simm.s32 $0x1080;
	s6 =	simm.s32 $0x1;
	[dreg:$0xb] =	wrdreg s1  }
0x19: {  	[dreg:$0xc] =	wrdreg s0;
	s0 =	sshrl.u32 @!p1 s7, $0x3;
	s7 =	simm.s32 $0xC00  }
0x1a: {  	s1 =	simm.s32 $0xC80;
	[dreg:$0xd] =	wrdreg s0;
	s0 =	simm.s32 $0x1300  }
.LBB2_1:
0x1b: {  	[dreg:$0xe] =	wrdreg s10  }
0x1c: {  	s8 =	rddreg [dreg:$0x5]  }
0x1d: {  	s2 =	simm.s32 @!p3 $0x1E82;
	s10 =	rddreg [dreg:$0xb]  }
0x1e: {  	[spmem:s10], [sflag:s2] =	dma.local @!p3 [hbm:s8], $0x800  }
0x1f: {  	s2 =	simm.s32 @!p3 $0x2  }
0x20: {  	_ =	swait.ge @!p3 [sflag:s2], $0x800  }
0x21: {  	s8 =	rddreg [dreg:$0xc]  }
0x22: {  	[sflag:s2] =	ssyncset.done @!p3 $0x0;
	s10 =	rddreg [dreg:$0xd]  }
0x23: {  	[sflag:s2] =	ssyncadd.s32 @!p3 $0xFFFFF800;
	s2 =	rddreg [dreg:$0x7]  }
0x24: {  	[spmem:s10], [sflag:s8] =	dma.local @!p1 [hbm:s2], $0x3E80  }
0x25: {  	s2 =	simm.s32 @!p1 $0x2  }
0x26: {  	_ =	swait.ge @!p1 [sflag:s2], $0x3E80  }
0x27: {  	[sflag:s2] =	ssyncset.done @!p1 $0x0  }
0x28: {  	s10 =	rddreg [dreg:$0x4];
	[sflag:s2] =	ssyncadd.s32 @!p1 $0xFFFFC180  }
0x29: {  	[tilespmem:s16], [sflag:$0x2] =	stream.linear.gather [hbm4b:s10+s4], $0x1000, $0x38;
	[tilespmem:$0x16080] =	vst v63  }
0x2a: {  	_ =	swait.ge [sflag:s17], $0x1000  }
0x2b: {  	[sflag:s17] =	ssyncset.done $0x0  }
0x2c: {  	[sflag:s17] =	ssyncadd.s32 $0xFFFFF000  }
0x2d: {  	s8 =	simm.s32 $0x0;
	[bflag:$0x0] =	sbarrier.arrive $0xFFFF  }
.LBB2_2:
0x2e: {  	s2 =	smul.u32 $0x28, s8;
	_ =	sdelay $0x1  }
0x2f: {  	s2 =	sadd.s32 s9, s2  }
0x30: {  	s10 =	rddreg [dreg:$0x0];
	s2 =	sshll.u32 s2, $0x4  }
0x31: {  	s2 =	sadd.s32 s10, s2  }
0x32: {  	[tilespmem:s4], [sflag:$0x2] =	stream.linear.gather [hbm4b:s2+s4], $0x1400, $0x38;
	[tilespmem:$0x16080] =	vst v63  }
0x33: {  	_ =	swait.ge [sflag:s17], $0x1400  }
0x34: {  	[sflag:s17] =	ssyncset.done $0x0  }
0x35: {  	[sflag:s17] =	ssyncadd.s32 $0xFFFFEC00  }
0x36: {  	[spmem:s3] =	stream.indirect.scatter.add.f32 [tilespmem:s16], [sflag:$0x1], $0x80, s4, s18, $0xb8;
	[tilespmem:$0x16080] =	vst v63  }
0x37: {  	s10 =	simm.s32 $0x80  }
0x38: {  	[spmem:s3] =	stream.indirect.scatter.add.f32 [tilespmem:s16], [sflag:$0x1], $0x80, s10, s18, $0xb8;
	[tilespmem:$0x16080] =	vst v63  }
0x39: {  	s10 =	simm.s32 $0x100  }
0x3a: {  	[spmem:s3] =	stream.indirect.scatter.add.f32 [tilespmem:s16], [sflag:$0x1], $0x80, s10, s18, $0xb8;
	[tilespmem:$0x16080] =	vst v63  }
0x3b: {  	s10 =	simm.s32 $0x180  }
0x3c: {  	[spmem:s3] =	stream.indirect.scatter.add.f32 [tilespmem:s16], [sflag:$0x1], $0x80, s10, s18, $0xb8;
	[tilespmem:$0x16080] =	vst v63  }
0x3d: {  	s10 =	simm.s32 $0x200  }
0x3e: {  	[spmem:s3] =	stream.indirect.scatter.add.f32 [tilespmem:s16], [sflag:$0x1], $0x80, s10, s18, $0xb8;
	[tilespmem:$0x16080] =	vst v63  }
0x3f: {  	s10 =	simm.s32 $0x280  }
0x40: {  	[spmem:s3] =	stream.indirect.scatter.add.f32 [tilespmem:s16], [sflag:$0x1], $0x80, s10, s18, $0xb8;
	[tilespmem:$0x16080] =	vst v63  }
0x41: {  	s10 =	simm.s32 $0x300  }
0x42: {  	[spmem:s3] =	stream.indirect.scatter.add.f32 [tilespmem:s16], [sflag:$0x1], $0x80, s10, s18, $0xb8;
	[tilespmem:$0x16080] =	vst v63  }
0x43: {  	s10 =	simm.s32 $0x380  }
0x44: {  	[spmem:s3] =	stream.indirect.scatter.add.f32 [tilespmem:s16], [sflag:$0x1], $0x80, s10, s18, $0xb8;
	[tilespmem:$0x16080] =	vst v63  }
0x45: {  	s10 =	simm.s32 $0x400  }
0x46: {  	[spmem:s3] =	stream.indirect.scatter.add.f32 [tilespmem:s16], [sflag:$0x1], $0x80, s10, s18, $0xb8;
	[tilespmem:$0x16080] =	vst v63  }
0x47: {  	s10 =	simm.s32 $0x480  }
0x48: {  	[spmem:s3] =	stream.indirect.scatter.add.f32 [tilespmem:s16], [sflag:$0x1], $0x80, s10, s18, $0xb8;
	[tilespmem:$0x16080] =	vst v63  }
0x49: {  	s10 =	simm.s32 $0x500  }
0x4a: {  	[spmem:s3] =	stream.indirect.scatter.add.f32 [tilespmem:s16], [sflag:$0x1], $0x80, s10, s18, $0xb8;
	[tilespmem:$0x16080] =	vst v63  }
0x4b: {  	s10 =	simm.s32 $0x580  }
0x4c: {  	[spmem:s3] =	stream.indirect.scatter.add.f32 [tilespmem:s16], [sflag:$0x1], $0x80, s10, s18, $0xb8;
	[tilespmem:$0x16080] =	vst v63  }
0x4d: {  	s10 =	simm.s32 $0x600  }
0x4e: {  	[spmem:s3] =	stream.indirect.scatter.add.f32 [tilespmem:s16], [sflag:$0x1], $0x80, s10, s18, $0xb8;
	[tilespmem:$0x16080] =	vst v63  }
0x4f: {  	s10 =	simm.s32 $0x680  }
0x50: {  	[spmem:s3] =	stream.indirect.scatter.add.f32 [tilespmem:s16], [sflag:$0x1], $0x80, s10, s18, $0xb8;
	[tilespmem:$0x16080] =	vst v63  }
0x51: {  	s10 =	simm.s32 $0x700  }
0x52: {  	[spmem:s3] =	stream.indirect.scatter.add.f32 [tilespmem:s16], [sflag:$0x1], $0x80, s10, s18, $0xb8;
	[tilespmem:$0x16080] =	vst v63  }
0x53: {  	s10 =	simm.s32 $0x780  }
0x54: {  	[spmem:s3] =	stream.indirect.scatter.add.f32 [tilespmem:s16], [sflag:$0x1], $0x80, s10, s18, $0xb8;
	[tilespmem:$0x16080] =	vst v63  }
0x55: {  	s10 =	simm.s32 $0x800  }
0x56: {  	[spmem:s3] =	stream.indirect.scatter.add.f32 [tilespmem:s16], [sflag:$0x1], $0x80, s10, s18, $0xb8;
	[tilespmem:$0x16080] =	vst v63  }
0x57: {  	s10 =	simm.s32 $0x880  }
0x58: {  	[spmem:s3] =	stream.indirect.scatter.add.f32 [tilespmem:s16], [sflag:$0x1], $0x80, s10, s18, $0xb8;
	[tilespmem:$0x16080] =	vst v63  }
0x59: {  	s10 =	simm.s32 $0x900  }
0x5a: {  	[spmem:s3] =	stream.indirect.scatter.add.f32 [tilespmem:s16], [sflag:$0x1], $0x80, s10, s18, $0xb8;
	[tilespmem:$0x16080] =	vst v63  }
0x5b: {  	_ = 	snop  }
0x5c: {  	[spmem:s3] =	stream.indirect.scatter.add.f32 [tilespmem:s16], [sflag:$0x1], $0x80, s11, s18, $0xb8;
	[tilespmem:$0x16080] =	vst v63  }
0x5d: {  	_ = 	snop  }
0x5e: {  	[spmem:s3] =	stream.indirect.scatter.add.f32 [tilespmem:s16], [sflag:$0x1], $0x80, s12, s18, $0xb8;
	[tilespmem:$0x16080] =	vst v63  }
0x5f: {  	_ = 	snop  }
0x60: {  	[spmem:s3] =	stream.indirect.scatter.add.f32 [tilespmem:s16], [sflag:$0x1], $0x80, s13, s18, $0xb8;
	[tilespmem:$0x16080] =	vst v63  }
0x61: {  	_ = 	snop  }
0x62: {  	[spmem:s3] =	stream.indirect.scatter.add.f32 [tilespmem:s16], [sflag:$0x1], $0x80, s14, s18, $0xb8;
	[tilespmem:$0x16080] =	vst v63  }
0x63: {  	_ = 	snop  }
0x64: {  	[spmem:s3] =	stream.indirect.scatter.add.f32 [tilespmem:s16], [sflag:$0x1], $0x80, s15, s18, $0xb8;
	[tilespmem:$0x16080] =	vst v63  }
0x65: {  	_ = 	snop  }
0x66: {  	[spmem:s3] =	stream.indirect.scatter.add.f32 [tilespmem:s16], [sflag:$0x1], $0x80, s7, s18, $0xb8;
	[tilespmem:$0x16080] =	vst v63  }
0x67: {  	_ = 	snop  }
0x68: {  	[spmem:s3] =	stream.indirect.scatter.add.f32 [tilespmem:s16], [sflag:$0x1], $0x80, s1, s18, $0xb8;
	[tilespmem:$0x16080] =	vst v63  }
0x69: {  	_ = 	snop  }
0x6a: {  	[spmem:s3] =	stream.indirect.scatter.add.f32 [tilespmem:s16], [sflag:$0x1], $0x80, s19, s18, $0xb8;
	[tilespmem:$0x16080] =	vst v63  }
0x6b: {  	_ = 	snop  }
0x6c: {  	[spmem:s3] =	stream.indirect.scatter.add.f32 [tilespmem:s16], [sflag:$0x1], $0x80, s20, s18, $0xb8;
	[tilespmem:$0x16080] =	vst v63  }
0x6d: {  	_ = 	snop  }
0x6e: {  	[spmem:s3] =	stream.indirect.scatter.add.f32 [tilespmem:s16], [sflag:$0x1], $0x80, s21, s18, $0xb8;
	[tilespmem:$0x16080] =	vst v63  }
0x6f: {  	_ = 	snop  }
0x70: {  	[spmem:s3] =	stream.indirect.scatter.add.f32 [tilespmem:s16], [sflag:$0x1], $0x80, s22, s18, $0xb8;
	[tilespmem:$0x16080] =	vst v63  }
0x71: {  	_ = 	snop  }
0x72: {  	[spmem:s3] =	stream.indirect.scatter.add.f32 [tilespmem:s16], [sflag:$0x1], $0x80, s23, s18, $0xb8;
	[tilespmem:$0x16080] =	vst v63  }
0x73: {  	_ = 	snop  }
0x74: {  	[spmem:s3] =	stream.indirect.scatter.add.f32 [tilespmem:s16], [sflag:$0x1], $0x80, s24, s18, $0xb8;
	[tilespmem:$0x16080] =	vst v63  }
0x75: {  	_ = 	snop  }
0x76: {  	[spmem:s3] =	stream.indirect.scatter.add.f32 [tilespmem:s16], [sflag:$0x1], $0x80, s25, s18, $0xb8;
	[tilespmem:$0x16080] =	vst v63  }
0x77: {  	_ = 	snop  }
0x78: {  	[spmem:s3] =	stream.indirect.scatter.add.f32 [tilespmem:s16], [sflag:$0x1], $0x80, s26, s18, $0xb8;
	[tilespmem:$0x16080] =	vst v63  }
0x79: {  	_ = 	snop  }
0x7a: {  	[spmem:s3] =	stream.indirect.scatter.add.f32 [tilespmem:s16], [sflag:$0x1], $0x80, s28, s18, $0xb8;
	[tilespmem:$0x16080] =	vst v63  }
0x7b: {  	_ = 	snop  }
0x7c: {  	[spmem:s3] =	stream.indirect.scatter.add.f32 [tilespmem:s16], [sflag:$0x1], $0x80, s29, s18, $0xb8;
	[tilespmem:$0x16080] =	vst v63  }
0x7d: {  	_ = 	snop  }
0x7e: {  	[spmem:s3] =	stream.indirect.scatter.add.f32 [tilespmem:s16], [sflag:$0x1], $0x80, s30, s18, $0xb8;
	[tilespmem:$0x16080] =	vst v63  }
0x7f: {  	_ = 	snop  }
0x80: {  	[spmem:s3] =	stream.indirect.scatter.add.f32 [tilespmem:s16], [sflag:$0x1], $0x80, s31, s18, $0xb8;
	[tilespmem:$0x16080] =	vst v63  }
0x81: {  	_ = 	snop  }
0x82: {  	[spmem:s3] =	stream.indirect.scatter.add.f32 [tilespmem:s16], [sflag:$0x1], $0x80, s0, s18, $0xb8;
	[tilespmem:$0x16080] =	vst v63  }
0x83: {  	_ = 	snop  }
0x84: {  	[spmem:s3] =	stream.indirect.scatter.add.f32 [tilespmem:s16], [sflag:$0x1], $0x80, s5, s18, $0xb8;
	[tilespmem:$0x16080] =	vst v63  }
0x85: {  	_ =	swait.ge [sflag:s6], $0x1000  }
0x86: {  	s2 =	simm.s32 $0x27;
	[sflag:s6] =	ssyncset.done $0x0  }
.LBB2_3:
0x87: {  	p4 =	sne.s32 s2, $0x1;
	s2 =	sadd.s32 $0xFFFFFFFF, s2;
	[sflag:s6] =	ssyncadd.s32 $0xFFFFF000  }
.Ltmp0:
0x88: {  	(pc) =	sbr.rel @p4 .LBB2_3-.Ltmp0, $3  }
0x89: {  	_ =	sdelay $0x1  }
0x8a: {  	_ =	swait.ge [sflag:s6], $0x1000  }
0x8b: {  	[sflag:s6] =	ssyncset.done $0x0  }
0x8c: {  	s8 =	sadd.s32 $0x1, s8  }
0x8d: {  	p4 =	sne.s32 s8, $0x8  }
.Ltmp1:
0x8e: {  	_ = 	snop;
	(pc) =	sbr.rel @p4 .LBB2_2-.Ltmp1, $2  }
0x8f: {  	_ =	sdelay $0x2  }
0x90: {  	[sflag:s6] =	ssyncadd.s32 $0xFFFFF000  }
0x91: {  	s2 =	stileid.u32  }
0x92: {  	[bflag:$0x0] =	sbarrier.arrive $0xFFFF;
	s2 =	sshll.u32 @p0 s2, $0x6  }
0x93: {  	s10 =	rddreg [dreg:$0x8];
	s2 =	sor.u32 @p0 $0x1C02, s2  }
0x94: {  	[dreg:$0xf] =	wrdreg s2  }
0x95: {  	s2 =	rddreg [dreg:$0x6]  }
0x96: {  	s8 =	sshrl.u32 @p0 s2, $0x3;
	s2 =	rddreg [dreg:$0xf]  }
0x97: {  	[hbm:s10], [sflag:s2] =	dma.local @p0 [spmem:s8], $0x3E80  }
0x98: {  	s10 =	simm.s32 @p0 $0x2  }
0x99: {  	_ =	swait.ge @p0 [sflag:s10], $0x3E80  }
0x9a: {  	s8 =	stileid.u32;
	[sflag:s10] =	ssyncset.done @p0 $0x0  }
0x9b: {  	s8 =	sshll.u32 @p2 s8, $0x6;
	s2 =	rddreg [dreg:$0x6];
	[sflag:s10] =	ssyncadd.s32 @p0 $0xFFFFC180  }
0x9c: {  	s10 =	sor.u32 @p2 $0x1C02, s8;
	s8 =	sshrl.u32 @p2 s2, $0x3;
	s2 =	rddreg [dreg:$0x9]  }
0x9d: {  	[hbm:s2], [sflag:s10] =	dma.local @p2 [spmem:s8], $0x3E80  }
0x9e: {  	s2 =	simm.s32 @p2 $0x2  }
0x9f: {  	_ =	swait.ge @p2 [sflag:s2], $0x3E80  }
0xa0: {  	s8 =	rddreg [dreg:$0xe]  }
0xa1: {  	s10 =	sadd.s32 $0x1, s8;
	s8 =	rddreg [dreg:$0xa]  }
0xa2: {  	p4 =	sne.s32 s10, s8  }
.Ltmp2:
0xa3: {  	_ = 	snop;
	(pc) =	sbr.rel @p4 .LBB2_1-.Ltmp2, $3  }
0xa4: {  	_ =	sdelay $0x1  }
0xa5: {  	[sflag:s2] =	ssyncset.done @p2 $0x0  }
0xa6: {  	[sflag:s2] =	ssyncadd.s32 @p2 $0xFFFFC180  }
0xa7: {  	_ =	sfence.sel $0x180000  }
0xa8: {  	[bflag:$0x0] =	sbarrier.arrive $0xFFFF  }
0xa9: {  	_ =	strace $0x90000047  }
0xaa: {  	s0 =	stileid.u32;
	[bflag:$0x2] =	sbarrier.arrive $0xFFFF  }
0xab: {  	p0 =	sne.s32 s0, $0x0;
	s0 =	rddreg [dreg:$0x3]  }
0xac: {  	s0 =	sadd.s32 @!p0 $0x100000, s0  }
0xad: {  	[sflag:s0] =	ssyncadd.tile.s32 @!p0 $0x1;
	_ =	shalt  }
.Lfunc_end2:
_tile_overlayer_lowered:
.L_overlay_start_2:
0xae: {  	(tag) =	ssettag $0x2  }
0xaf: {  	s0 =	rddreg [dreg:$0x0];
	s2 =	stileid.u32  }
0xb0: {  	s1 =	rddreg [dreg:$0x1];
	p0 =	sne.s32 s2, $0x0  }
0xb1: {  	s3 =	rddreg [dreg:$0x2];
	[bflag:$0x3] =	sbarrier.arrive $0xFFFF;
	s2 =	simm.s32 @!p0 $0x1C02  }
0xb2: {  	[timem:s3], [sflag:s2] =	dma.local @!p0 [hbm:s0], s1  }
0xb3: {  	s0 =	simm.s32 @!p0 $0x2  }
0xb4: {  	_ =	swait.ge @!p0 [sflag:s0], s1  }
0xb5: {  	s1 =	ssub.s32 @!p0 $0x0, s1;
	[sflag:s0] =	ssyncset.done @!p0 $0x0  }
0xb6: {  	[sflag:s0] =	ssyncadd.s32 @!p0 s1  }
0xb7: {  	[bflag:$0x3] =	sbarrier.arrive $0xFFFF  }
0xb8: {  	_ =	shalt  }

</sc_bundles>
